<compile_context>
chip_gen: v7x
topology: tpu7x:2x2x1
jax: 0.10.2.dev20260603
libtpu: 0.0.44.dev20260713+nightly
codegen_flags: <defaults>
</compile_context>

<pallas_src>
import functools

import jax
import jax.numpy as jnp
from jax import lax
from jax.experimental import pallas as pl
from jax.experimental.pallas import tpu as pltpu
from jax.experimental.pallas import tpu_sc as plsc

N = 10000
D = 128
E = 320000

NC = 2
NS = 16
NW = NC * NS
CHUNK = 128
NCH = 80
HALF = NCH // 2
E_PAD = NW * NCH * CHUNK
ACC_ROWS = 10240
ROWS_PER_TILE = ACC_ROWS // NS


@functools.lru_cache(maxsize=None)
def _sc_kernels():
    mesh = plsc.VectorSubcoreMesh(core_axis_name="c", subcore_axis_name="s")

    @functools.partial(
        pl.kernel,
        out_type=jax.ShapeDtypeStruct((NC, ACC_ROWS, D), jnp.float32),
        mesh=mesh,
        scratch_types=[
            pltpu.VMEM((CHUNK, D), jnp.float32),
            pltpu.VMEM((CHUNK, D), jnp.float32),
            pltpu.VMEM((NCH, CHUNK), jnp.int32),
            pltpu.VMEM_SHARED((ACC_ROWS, D), jnp.float32),
        ],
    )
    def _sc_degree(dst_hbm, out_hbm, ones_v, zeros_v, didx_v, acc):
        c = lax.axis_index("c")
        s = lax.axis_index("s")
        wid = s * NC + c

        def fill(i, _):
            for t in range(D // 16):
                ones_v[i, pl.ds(t * 16, 16)] = jnp.full((16,), 1.0, jnp.float32)
                zeros_v[i, pl.ds(t * 16, 16)] = jnp.zeros((16,), jnp.float32)
            return 0

        lax.fori_loop(0, CHUNK, fill, 0)
        for k in range(ROWS_PER_TILE // CHUNK):
            pltpu.sync_copy(zeros_v, acc.at[pl.ds(s * ROWS_PER_TILE + k * CHUNK, CHUNK)])
        pltpu.sync_copy(dst_hbm.at[wid], didx_v)
        plsc.subcore_barrier()

        def body(j, _):
            pltpu.sync_copy(ones_v, acc.at[didx_v.at[j]], add=True)
            return 0

        lax.fori_loop(0, NCH, body, 0)
        plsc.subcore_barrier()
        pltpu.sync_copy(acc.at[pl.ds(s * ROWS_PER_TILE, ROWS_PER_TILE)],
                        out_hbm.at[c, pl.ds(s * ROWS_PER_TILE, ROWS_PER_TILE)])

    @functools.partial(
        pl.kernel,
        out_type=jax.ShapeDtypeStruct((NC, ACC_ROWS, D), jnp.float32),
        mesh=mesh,
        scratch_types=[
            pltpu.VMEM((CHUNK, D), jnp.float32),
            pltpu.VMEM((CHUNK, D), jnp.float32),
            pltpu.VMEM((HALF, CHUNK), jnp.int32),
            pltpu.VMEM((HALF, CHUNK), jnp.int32),
            pltpu.VMEM_SHARED((ACC_ROWS, D), jnp.float32),
            pltpu.SemaphoreType.DMA,
            pltpu.SemaphoreType.DMA,
            pltpu.SemaphoreType.DMA,
            pltpu.SemaphoreType.DMA,
        ],
    )
    def _sc_scatter(y_hbm, src_hbm, dst_hbm, out_hbm, buf_a, buf_b, sidx, didx,
                    acc, gsem_a, gsem_b, ssem_a, ssem_b):
        c = lax.axis_index("c")
        s = lax.axis_index("s")
        wid = s * NC + c

        def zrow(i, _):
            for t in range(D // 16):
                buf_a[i, pl.ds(t * 16, 16)] = jnp.zeros((16,), jnp.float32)
            return 0

        lax.fori_loop(0, CHUNK, zrow, 0)
        for k in range(ROWS_PER_TILE // CHUNK):
            pltpu.sync_copy(buf_a, acc.at[pl.ds(s * ROWS_PER_TILE + k * CHUNK, CHUNK)])
        plsc.subcore_barrier()

        for h in range(2):
            pltpu.sync_copy(src_hbm.at[wid, pl.ds(h * HALF, HALF)], sidx)
            pltpu.sync_copy(dst_hbm.at[wid, pl.ds(h * HALF, HALF)], didx)
            pltpu.async_copy(y_hbm.at[sidx.at[0]], buf_a, gsem_a)

            def pair(p, _):
                j = 2 * p
                pltpu.make_async_copy(y_hbm.at[sidx.at[j]], buf_a, gsem_a).wait()

                @pl.when(p > 0)
                def _():
                    pltpu.make_async_copy(buf_b, acc.at[didx.at[j]], ssem_b).wait()

                pltpu.async_copy(y_hbm.at[sidx.at[j + 1]], buf_b, gsem_b)
                pltpu.async_copy(buf_a, acc.at[didx.at[j]], ssem_a, add=True)
                pltpu.make_async_copy(y_hbm.at[sidx.at[j + 1]], buf_b, gsem_b).wait()
                pltpu.make_async_copy(buf_a, acc.at[didx.at[j]], ssem_a).wait()

                @pl.when(p < HALF // 2 - 1)
                def _():
                    pltpu.async_copy(y_hbm.at[sidx.at[j + 2]], buf_a, gsem_a)

                pltpu.async_copy(buf_b, acc.at[didx.at[j + 1]], ssem_b, add=True)
                return 0

            lax.fori_loop(0, HALF // 2, pair, 0)
            pltpu.make_async_copy(buf_b, acc.at[didx.at[HALF - 1]], ssem_b).wait()
        plsc.subcore_barrier()
        pltpu.sync_copy(acc.at[pl.ds(s * ROWS_PER_TILE, ROWS_PER_TILE)],
                        out_hbm.at[c, pl.ds(s * ROWS_PER_TILE, ROWS_PER_TILE)])

    return _sc_degree, _sc_scatter



_RB = 1000


def _dinv_of(degp_ref):
    deg = degp_ref[0, :, 0:1] + degp_ref[1, :, 0:1] + 1.0
    return lax.rsqrt(deg)


def _tc_first_body(x_ref, w_ref, degp_ref, y_ref):
    dinv = _dinv_of(degp_ref)
    y_ref[...] = jnp.dot(x_ref[...], w_ref[...],
                         preferred_element_type=jnp.float32) * dinv


def _tc_mid_body(s_ref, y_ref, degp_ref, b_ref, w_ref, o_ref):
    dinv = _dinv_of(degp_ref)
    t = (s_ref[0] + s_ref[1] + y_ref[...]) * dinv + b_ref[...]
    h = jnp.maximum(t, 0.0)
    o_ref[...] = jnp.dot(h, w_ref[...], preferred_element_type=jnp.float32) * dinv


def _tc_last_body(s_ref, y_ref, degp_ref, b_ref, o_ref):
    dinv = _dinv_of(degp_ref)
    o_ref[...] = (s_ref[0] + s_ref[1] + y_ref[...]) * dinv + b_ref[...]


def _tc_first(x, w, degp):
    return pl.pallas_call(
        _tc_first_body,
        grid=(N // _RB,),
        in_specs=[
            pl.BlockSpec((_RB, D), lambda i: (i, 0)),
            pl.BlockSpec((D, D), lambda i: (0, 0)),
            pl.BlockSpec((NC, _RB, D), lambda i: (0, i, 0)),
        ],
        out_specs=pl.BlockSpec((_RB, D), lambda i: (i, 0)),
        out_shape=jax.ShapeDtypeStruct((N, D), jnp.float32),
    )(x, w, degp)


def _tc_mid(s, y, degp, b, w):
    return pl.pallas_call(
        _tc_mid_body,
        grid=(N // _RB,),
        in_specs=[
            pl.BlockSpec((NC, _RB, D), lambda i: (0, i, 0)),
            pl.BlockSpec((_RB, D), lambda i: (i, 0)),
            pl.BlockSpec((NC, _RB, D), lambda i: (0, i, 0)),
            pl.BlockSpec((1, D), lambda i: (0, 0)),
            pl.BlockSpec((D, D), lambda i: (0, 0)),
        ],
        out_specs=pl.BlockSpec((_RB, D), lambda i: (i, 0)),
        out_shape=jax.ShapeDtypeStruct((N, D), jnp.float32),
    )(s, y, degp, b, w)


def _tc_last(s, y, degp, b):
    return pl.pallas_call(
        _tc_last_body,
        grid=(N // _RB,),
        in_specs=[
            pl.BlockSpec((NC, _RB, D), lambda i: (0, i, 0)),
            pl.BlockSpec((_RB, D), lambda i: (i, 0)),
            pl.BlockSpec((NC, _RB, D), lambda i: (0, i, 0)),
            pl.BlockSpec((1, D), lambda i: (0, 0)),
        ],
        out_specs=pl.BlockSpec((_RB, D), lambda i: (i, 0)),
        out_shape=jax.ShapeDtypeStruct((N, D), jnp.float32),
    )(s, y, degp, b)



def kernel(x, edge_index, W1, b1, W2, b2, W3, b3):
    src = edge_index[0].astype(jnp.int32)
    dst = edge_index[1].astype(jnp.int32)
    pad = E_PAD - E
    padi = jnp.arange(pad, dtype=jnp.int32)
    src3 = jnp.concatenate([src, padi % N]).reshape(NW, NCH, CHUNK)
    dst3 = jnp.concatenate(
        [dst, N + padi % (ACC_ROWS - N)]).reshape(NW, NCH, CHUNK)

    sc_degree, sc_scatter = _sc_kernels()
    degp = sc_degree(dst3)

    b1r = b1.reshape(1, D)
    b2r = b2.reshape(1, D)
    b3r = b3.reshape(1, D)

    y1 = _tc_first(x, W1, degp)
    s1 = sc_scatter(y1, src3, dst3)
    y2 = _tc_mid(s1, y1, degp, b1r, W2)
    s2 = sc_scatter(y2, src3, dst3)
    y3 = _tc_mid(s2, y2, degp, b2r, W3)
    s3 = sc_scatter(y3, src3, dst3)
    return _tc_last(s3, y3, degp, b3r)

# --- scband reference (transcript-rebuilt; emitter-appended) ---
"""Pipeline reference for scband-message-passing-gcn-3805341024624 (READ-ONLY COPY).

The authoritative reference and input builder live on the scoring server;
editing this copy changes nothing except your own understanding.
"""

import jax, jax.numpy as jnp
import numpy as np

N_NODES = 10000
D = 128
N_EDGES = 320000


def gcn_conv(x, edge_index, W, b):
    n = x.shape[0]
    # linear transform first (as in PyG GCNConv)
    x = x @ W
    # add self loops
    loop = jnp.arange(n, dtype=edge_index.dtype)
    src = jnp.concatenate([edge_index[0], loop])
    dst = jnp.concatenate([edge_index[1], loop])
    # symmetric normalization deg^{-1/2} (deg counted on dst with self loops)
    deg = jnp.zeros((n,), dtype=x.dtype).at[dst].add(1.0)
    dinv = jnp.where(deg > 0, 1.0 / jnp.sqrt(deg), 0.0)
    norm = dinv[src] * dinv[dst]
    # gather messages from src, scale, scatter-add to dst
    msg = x[src] * norm[:, None]
    out = jnp.zeros_like(x).at[dst].add(msg)
    return out + b


def setup_inputs(seed: int = 0) -> dict:
    key = jax.random.key(seed)
    ks = jax.random.split(key, 8)
    x = jax.random.normal(ks[0], (N_NODES, D), dtype=jnp.float32)
    edge_index = jax.random.randint(ks[1], (2, N_EDGES), 0, N_NODES, dtype=jnp.int64)
    scale = 1.0 / np.sqrt(D)
    W1 = jax.random.normal(ks[2], (D, D), dtype=jnp.float32) * scale
    b1 = jnp.zeros((D,), dtype=jnp.float32)
    W2 = jax.random.normal(ks[3], (D, D), dtype=jnp.float32) * scale
    b2 = jnp.zeros((D,), dtype=jnp.float32)
    W3 = jax.random.normal(ks[4], (D, D), dtype=jnp.float32) * scale
    b3 = jnp.zeros((D,), dtype=jnp.float32)
    return {"x": x, "edge_index": edge_index, "W1": W1, "b1": b1, "W2": W2, "b2": b2, "W3": W3, "b3": b3}


def reference(x, edge_index, W1, b1, W2, b2, W3, b3):
    # layer 1
    h = gcn_conv(x, edge_index, W1, b1)
    h = jax.nn.relu(h)
    # dropout p=0.1 is identity in eval mode
    # layer 2
    h = gcn_conv(h, edge_index, W2, b2)
    h = jax.nn.relu(h)
    # layer 3 (no activation on final layer)
    h = gcn_conv(h, edge_index, W3, b3)
    return h

if __name__ == "__main__":
    import jax
    _d = setup_inputs()
    print(jax.jit(kernel)(*tuple(_d.values())))

</pallas_src>

<mosaic_0001>
#map = affine_map<(d0, d1) -> (0, 0)>
#map1 = affine_map<(d0, d1) -> (0, 0, 0)>
module attributes {stable_mosaic.version = 14 : i64} {
  func.func @_sc_scatter(%arg0: i32, %arg1: i32, %arg2: memref<10000x128xf32, #tpu.memory_space<hbm>>, %arg3: memref<32x80x128xi32, #tpu.memory_space<hbm>>, %arg4: memref<32x80x128xi32, #tpu.memory_space<hbm>>, %arg5: memref<2x10240x128xf32, #tpu.memory_space<hbm>>, %arg6: memref<128x128xf32, #tpu.memory_space<vmem>>, %arg7: memref<128x128xf32, #tpu.memory_space<vmem>>, %arg8: memref<40x128xi32, #tpu.memory_space<vmem>>, %arg9: memref<40x128xi32, #tpu.memory_space<vmem>>, %arg10: memref<10240x128xf32, #tpu.memory_space<vmem_shared>>, %arg11: memref<!tpu.dma_semaphore, #tpu.memory_space<semaphore_mem>>, %arg12: memref<!tpu.dma_semaphore, #tpu.memory_space<semaphore_mem>>, %arg13: memref<!tpu.dma_semaphore, #tpu.memory_space<semaphore_mem>>, %arg14: memref<!tpu.dma_semaphore, #tpu.memory_space<semaphore_mem>>) attributes {dimension_semantics = [#tpu.dimension_semantics<core_parallel>, #tpu.dimension_semantics<subcore_parallel>], iteration_bounds = array<i64: 2, 16>, scalar_prefetch = 0 : i64, scratch_operands = 9 : i64, tpu.core_type = #tpu.core_type<sc_vector_subcore>, window_params = [{transform_indices = #map}, {transform_indices = #map1}, {transform_indices = #map1}, {transform_indices = #map1}]} {
    %mul3A = arith.constant 2 : i32
    %mul3A_0 = arith.muli %arg1, %mul3A : i32
    %add3A = arith.addi %mul3A_0, %arg0 : i32
    %scan3A = arith.constant 0 : i32
    %scan3A_1 = arith.constant 0 : i32
    %scan3A_2 = arith.constant 128 : i32
    %scan3A_3 = arith.addi %scan3A_1, %scan3A_2 : i32
    %scan3A_4 = arith.constant 1 : i32
    %scan3A_5 = scf.for %scan3A_72 = %scan3A_1 to %scan3A_3 step %scan3A_4 iter_args(%scan3A_73 = %scan3A) -> (i32)  : i32 {
      %broadcast_in_dim3A = arith.constant 0.000000e+00 : f32
      %broadcast_in_dim3A_74 = vector.broadcast %broadcast_in_dim3A : f32 to vector<16xf32>
      %swap3A = arith.index_cast %scan3A_72 : i32 to index
      %swap3A_75 = arith.constant 0 : index
      %swap3A_76 = tpu.vector_load %arg6[%swap3A, %swap3A_75] {strides = array<i32>} : memref<128x128xf32, #tpu.memory_space<vmem>>, vector<1x16xf32>,
      %swap3A_77 = vector.shape_cast %swap3A_76 : vector<1x16xf32> to vector<16xf32>
      %swap3A_78 = vector.shape_cast %broadcast_in_dim3A_74 : vector<16xf32> to vector<1x16xf32>
      tpu.vector_store %arg6[%swap3A, %swap3A_75], %swap3A_78 {strides = array<i32>} : memref<128x128xf32, #tpu.memory_space<vmem>>, vector<1x16xf32>,
      %broadcast_in_dim3A_79 = arith.constant 0.000000e+00 : f32
      %broadcast_in_dim3A_80 = vector.broadcast %broadcast_in_dim3A_79 : f32 to vector<16xf32>
      %swap3A_81 = arith.index_cast %scan3A_72 : i32 to index
      %swap3A_82 = arith.constant 16 : index
      %swap3A_83 = tpu.vector_load %arg6[%swap3A_81, %swap3A_82] {strides = array<i32>} : memref<128x128xf32, #tpu.memory_space<vmem>>, vector<1x16xf32>,
      %swap3A_84 = vector.shape_cast %swap3A_83 : vector<1x16xf32> to vector<16xf32>
      %swap3A_85 = vector.shape_cast %broadcast_in_dim3A_80 : vector<16xf32> to vector<1x16xf32>
      tpu.vector_store %arg6[%swap3A_81, %swap3A_82], %swap3A_85 {strides = array<i32>} : memref<128x128xf32, #tpu.memory_space<vmem>>, vector<1x16xf32>,
      %broadcast_in_dim3A_86 = arith.constant 0.000000e+00 : f32
      %broadcast_in_dim3A_87 = vector.broadcast %broadcast_in_dim3A_86 : f32 to vector<16xf32>
      %swap3A_88 = arith.index_cast %scan3A_72 : i32 to index
      %swap3A_89 = arith.constant 32 : index
      %swap3A_90 = tpu.vector_load %arg6[%swap3A_88, %swap3A_89] {strides = array<i32>} : memref<128x128xf32, #tpu.memory_space<vmem>>, vector<1x16xf32>,
      %swap3A_91 = vector.shape_cast %swap3A_90 : vector<1x16xf32> to vector<16xf32>
      %swap3A_92 = vector.shape_cast %broadcast_in_dim3A_87 : vector<16xf32> to vector<1x16xf32>
      tpu.vector_store %arg6[%swap3A_88, %swap3A_89], %swap3A_92 {strides = array<i32>} : memref<128x128xf32, #tpu.memory_space<vmem>>, vector<1x16xf32>,
      %broadcast_in_dim3A_93 = arith.constant 0.000000e+00 : f32
      %broadcast_in_dim3A_94 = vector.broadcast %broadcast_in_dim3A_93 : f32 to vector<16xf32>
      %swap3A_95 = arith.index_cast %scan3A_72 : i32 to index
      %swap3A_96 = arith.constant 48 : index
      %swap3A_97 = tpu.vector_load %arg6[%swap3A_95, %swap3A_96] {strides = array<i32>} : memref<128x128xf32, #tpu.memory_space<vmem>>, vector<1x16xf32>,
      %swap3A_98 = vector.shape_cast %swap3A_97 : vector<1x16xf32> to vector<16xf32>
      %swap3A_99 = vector.shape_cast %broadcast_in_dim3A_94 : vector<16xf32> to vector<1x16xf32>
      tpu.vector_store %arg6[%swap3A_95, %swap3A_96], %swap3A_99 {strides = array<i32>} : memref<128x128xf32, #tpu.memory_space<vmem>>, vector<1x16xf32>,
      %broadcast_in_dim3A_100 = arith.constant 0.000000e+00 : f32
      %broadcast_in_dim3A_101 = vector.broadcast %broadcast_in_dim3A_100 : f32 to vector<16xf32>
      %swap3A_102 = arith.index_cast %scan3A_72 : i32 to index
      %swap3A_103 = arith.constant 64 : index
      %swap3A_104 = tpu.vector_load %arg6[%swap3A_102, %swap3A_103] {strides = array<i32>} : memref<128x128xf32, #tpu.memory_space<vmem>>, vector<1x16xf32>,
      %swap3A_105 = vector.shape_cast %swap3A_104 : vector<1x16xf32> to vector<16xf32>
      %swap3A_106 = vector.shape_cast %broadcast_in_dim3A_101 : vector<16xf32> to vector<1x16xf32>
      tpu.vector_store %arg6[%swap3A_102, %swap3A_103], %swap3A_106 {strides = array<i32>} : memref<128x128xf32, #tpu.memory_space<vmem>>, vector<1x16xf32>,
      %broadcast_in_dim3A_107 = arith.constant 0.000000e+00 : f32
      %broadcast_in_dim3A_108 = vector.broadcast %broadcast_in_dim3A_107 : f32 to vector<16xf32>
      %swap3A_109 = arith.index_cast %scan3A_72 : i32 to index
      %swap3A_110 = arith.constant 80 : index
      %swap3A_111 = tpu.vector_load %arg6[%swap3A_109, %swap3A_110] {strides = array<i32>} : memref<128x128xf32, #tpu.memory_space<vmem>>, vector<1x16xf32>,
      %swap3A_112 = vector.shape_cast %swap3A_111 : vector<1x16xf32> to vector<16xf32>
      %swap3A_113 = vector.shape_cast %broadcast_in_dim3A_108 : vector<16xf32> to vector<1x16xf32>
      tpu.vector_store %arg6[%swap3A_109, %swap3A_110], %swap3A_113 {strides = array<i32>} : memref<128x128xf32, #tpu.memory_space<vmem>>, vector<1x16xf32>,
      %broadcast_in_dim3A_114 = arith.constant 0.000000e+00 : f32
      %broadcast_in_dim3A_115 = vector.broadcast %broadcast_in_dim3A_114 : f32 to vector<16xf32>
      %swap3A_116 = arith.index_cast %scan3A_72 : i32 to index
      %swap3A_117 = arith.constant 96 : index
      %swap3A_118 = tpu.vector_load %arg6[%swap3A_116, %swap3A_117] {strides = array<i32>} : memref<128x128xf32, #tpu.memory_space<vmem>>, vector<1x16xf32>,
      %swap3A_119 = vector.shape_cast %swap3A_118 : vector<1x16xf32> to vector<16xf32>
      %swap3A_120 = vector.shape_cast %broadcast_in_dim3A_115 : vector<16xf32> to vector<1x16xf32>
      tpu.vector_store %arg6[%swap3A_116, %swap3A_117], %swap3A_120 {strides = array<i32>} : memref<128x128xf32, #tpu.memory_space<vmem>>, vector<1x16xf32>,
      %broadcast_in_dim3A_121 = arith.constant 0.000000e+00 : f32
      %broadcast_in_dim3A_122 = vector.broadcast %broadcast_in_dim3A_121 : f32 to vector<16xf32>
      %swap3A_123 = arith.index_cast %scan3A_72 : i32 to index
      %swap3A_124 = arith.constant 112 : index
      %swap3A_125 = tpu.vector_load %arg6[%swap3A_123, %swap3A_124] {strides = array<i32>} : memref<128x128xf32, #tpu.memory_space<vmem>>, vector<1x16xf32>,
      %swap3A_126 = vector.shape_cast %swap3A_125 : vector<1x16xf32> to vector<16xf32>
      %swap3A_127 = vector.shape_cast %broadcast_in_dim3A_122 : vector<16xf32> to vector<1x16xf32>
      tpu.vector_store %arg6[%swap3A_123, %swap3A_124], %swap3A_127 {strides = array<i32>} : memref<128x128xf32, #tpu.memory_space<vmem>>, vector<1x16xf32>,
      %scan3A_128 = arith.constant 0 : i32
      scf.yield %scan3A_128 : i32
    }
    %scan3A_6 = arith.constant 128 : i32
    %mul3A_7 = arith.constant 640 : i32
    %mul3A_8 = arith.muli %arg1, %mul3A_7 : i32
    %add3A_9 = arith.constant 0 : i32
    %add3A_10 = arith.addi %mul3A_8, %add3A_9 : i32
    "tpu.region"() ({
      %run_scoped3A = tpu.sem_alloc : memref<!tpu.dma_semaphore, #tpu.memory_space<semaphore_mem>>
      %dma_start3A_72 = arith.constant 0 : i32
      %dma_start3A_73 = tpu.memref_slice %arg10[%add3A_10, %dma_start3A_72] : memref<10240x128xf32, #tpu.memory_space<vmem_shared>> -> memref<128x128xf32, #tpu.memory_space<vmem_shared>>
      %dma_start3A_74 = arith.constant 0 : i32
      %dma_start3A_75 = tpu.memref_slice %arg10[%add3A_10, %dma_start3A_74] : memref<10240x128xf32, #tpu.memory_space<vmem_shared>> -> memref<128x128xf32, #tpu.memory_space<vmem_shared>>
      tpu.enqueue_dma source(%arg6 : memref<128x128xf32, #tpu.memory_space<vmem>>) target(%dma_start3A_75 : memref<128x128xf32, #tpu.memory_space<vmem_shared>>) target_semaphore(%run_scoped3A : memref<!tpu.dma_semaphore, #tpu.memory_space<semaphore_mem>>)
      %dma_wait3A_76 = arith.constant 0 : i32
      %dma_wait3A_77 = tpu.memref_slice %arg10[%add3A_10, %dma_wait3A_76] : memref<10240x128xf32, #tpu.memory_space<vmem_shared>> -> memref<128x128xf32, #tpu.memory_space<vmem_shared>>
      %dma_wait3A_78 = arith.constant 0 : i32
      %dma_wait3A_79 = tpu.memref_slice %arg10[%add3A_10, %dma_wait3A_78] : memref<10240x128xf32, #tpu.memory_space<vmem_shared>> -> memref<128x128xf32, #tpu.memory_space<vmem_shared>>
      tpu.wait_dma2 semaphore(%run_scoped3A : memref<!tpu.dma_semaphore, #tpu.memory_space<semaphore_mem>>) src(%arg6 : memref<128x128xf32, #tpu.memory_space<vmem>>) dst(%dma_wait3A_79 : memref<128x128xf32, #tpu.memory_space<vmem_shared>>)
      tpu.yield
    }) : () -> ()
    %mul3A_11 = arith.constant 640 : i32
    %mul3A_12 = arith.muli %arg1, %mul3A_11 : i32
    %add3A_13 = arith.constant 128 : i32
    %add3A_14 = arith.addi %mul3A_12, %add3A_13 : i32
    "tpu.region"() ({
      %run_scoped3A = tpu.sem_alloc : memref<!tpu.dma_semaphore, #tpu.memory_space<semaphore_mem>>
      %dma_start3A_72 = arith.constant 0 : i32
      %dma_start3A_73 = tpu.memref_slice %arg10[%add3A_14, %dma_start3A_72] : memref<10240x128xf32, #tpu.memory_space<vmem_shared>> -> memref<128x128xf32, #tpu.memory_space<vmem_shared>>
      %dma_start3A_74 = arith.constant 0 : i32
      %dma_start3A_75 = tpu.memref_slice %arg10[%add3A_14, %dma_start3A_74] : memref<10240x128xf32, #tpu.memory_space<vmem_shared>> -> memref<128x128xf32, #tpu.memory_space<vmem_shared>>
      tpu.enqueue_dma source(%arg6 : memref<128x128xf32, #tpu.memory_space<vmem>>) target(%dma_start3A_75 : memref<128x128xf32, #tpu.memory_space<vmem_shared>>) target_semaphore(%run_scoped3A : memref<!tpu.dma_semaphore, #tpu.memory_space<semaphore_mem>>)
      %dma_wait3A_76 = arith.constant 0 : i32
      %dma_wait3A_77 = tpu.memref_slice %arg10[%add3A_14, %dma_wait3A_76] : memref<10240x128xf32, #tpu.memory_space<vmem_shared>> -> memref<128x128xf32, #tpu.memory_space<vmem_shared>>
      %dma_wait3A_78 = arith.constant 0 : i32
      %dma_wait3A_79 = tpu.memref_slice %arg10[%add3A_14, %dma_wait3A_78] : memref<10240x128xf32, #tpu.memory_space<vmem_shared>> -> memref<128x128xf32, #tpu.memory_space<vmem_shared>>
      tpu.wait_dma2 semaphore(%run_scoped3A : memref<!tpu.dma_semaphore, #tpu.memory_space<semaphore_mem>>) src(%arg6 : memref<128x128xf32, #tpu.memory_space<vmem>>) dst(%dma_wait3A_79 : memref<128x128xf32, #tpu.memory_space<vmem_shared>>)
      tpu.yield
    }) : () -> ()
    %mul3A_15 = arith.constant 640 : i32
    %mul3A_16 = arith.muli %arg1, %mul3A_15 : i32
    %add3A_17 = arith.constant 256 : i32
    %add3A_18 = arith.addi %mul3A_16, %add3A_17 : i32
    "tpu.region"() ({
      %run_scoped3A = tpu.sem_alloc : memref<!tpu.dma_semaphore, #tpu.memory_space<semaphore_mem>>
      %dma_start3A_72 = arith.constant 0 : i32
      %dma_start3A_73 = tpu.memref_slice %arg10[%add3A_18, %dma_start3A_72] : memref<10240x128xf32, #tpu.memory_space<vmem_shared>> -> memref<128x128xf32, #tpu.memory_space<vmem_shared>>
      %dma_start3A_74 = arith.constant 0 : i32
      %dma_start3A_75 = tpu.memref_slice %arg10[%add3A_18, %dma_start3A_74] : memref<10240x128xf32, #tpu.memory_space<vmem_shared>> -> memref<128x128xf32, #tpu.memory_space<vmem_shared>>
      tpu.enqueue_dma source(%arg6 : memref<128x128xf32, #tpu.memory_space<vmem>>) target(%dma_start3A_75 : memref<128x128xf32, #tpu.memory_space<vmem_shared>>) target_semaphore(%run_scoped3A : memref<!tpu.dma_semaphore, #tpu.memory_space<semaphore_mem>>)
      %dma_wait3A_76 = arith.constant 0 : i32
      %dma_wait3A_77 = tpu.memref_slice %arg10[%add3A_18, %dma_wait3A_76] : memref<10240x128xf32, #tpu.memory_space<vmem_shared>> -> memref<128x128xf32, #tpu.memory_space<vmem_shared>>
      %dma_wait3A_78 = arith.constant 0 : i32
      %dma_wait3A_79 = tpu.memref_slice %arg10[%add3A_18, %dma_wait3A_78] : memref<10240x128xf32, #tpu.memory_space<vmem_shared>> -> memref<128x128xf32, #tpu.memory_space<vmem_shared>>
      tpu.wait_dma2 semaphore(%run_scoped3A : memref<!tpu.dma_semaphore, #tpu.memory_space<semaphore_mem>>) src(%arg6 : memref<128x128xf32, #tpu.memory_space<vmem>>) dst(%dma_wait3A_79 : memref<128x128xf32, #tpu.memory_space<vmem_shared>>)
      tpu.yield
    }) : () -> ()
    %mul3A_19 = arith.constant 640 : i32
    %mul3A_20 = arith.muli %arg1, %mul3A_19 : i32
    %add3A_21 = arith.constant 384 : i32
    %add3A_22 = arith.addi %mul3A_20, %add3A_21 : i32
    "tpu.region"() ({
      %run_scoped3A = tpu.sem_alloc : memref<!tpu.dma_semaphore, #tpu.memory_space<semaphore_mem>>
      %dma_start3A_72 = arith.constant 0 : i32
      %dma_start3A_73 = tpu.memref_slice %arg10[%add3A_22, %dma_start3A_72] : memref<10240x128xf32, #tpu.memory_space<vmem_shared>> -> memref<128x128xf32, #tpu.memory_space<vmem_shared>>
      %dma_start3A_74 = arith.constant 0 : i32
      %dma_start3A_75 = tpu.memref_slice %arg10[%add3A_22, %dma_start3A_74] : memref<10240x128xf32, #tpu.memory_space<vmem_shared>> -> memref<128x128xf32, #tpu.memory_space<vmem_shared>>
      tpu.enqueue_dma source(%arg6 : memref<128x128xf32, #tpu.memory_space<vmem>>) target(%dma_start3A_75 : memref<128x128xf32, #tpu.memory_space<vmem_shared>>) target_semaphore(%run_scoped3A : memref<!tpu.dma_semaphore, #tpu.memory_space<semaphore_mem>>)
      %dma_wait3A_76 = arith.constant 0 : i32
      %dma_wait3A_77 = tpu.memref_slice %arg10[%add3A_22, %dma_wait3A_76] : memref<10240x128xf32, #tpu.memory_space<vmem_shared>> -> memref<128x128xf32, #tpu.memory_space<vmem_shared>>
      %dma_wait3A_78 = arith.constant 0 : i32
      %dma_wait3A_79 = tpu.memref_slice %arg10[%add3A_22, %dma_wait3A_78] : memref<10240x128xf32, #tpu.memory_space<vmem_shared>> -> memref<128x128xf32, #tpu.memory_space<vmem_shared>>
      tpu.wait_dma2 semaphore(%run_scoped3A : memref<!tpu.dma_semaphore, #tpu.memory_space<semaphore_mem>>) src(%arg6 : memref<128x128xf32, #tpu.memory_space<vmem>>) dst(%dma_wait3A_79 : memref<128x128xf32, #tpu.memory_space<vmem_shared>>)
      tpu.yield
    }) : () -> ()
    %mul3A_23 = arith.constant 640 : i32
    %mul3A_24 = arith.muli %arg1, %mul3A_23 : i32
    %add3A_25 = arith.constant 512 : i32
    %add3A_26 = arith.addi %mul3A_24, %add3A_25 : i32
    "tpu.region"() ({
      %run_scoped3A = tpu.sem_alloc : memref<!tpu.dma_semaphore, #tpu.memory_space<semaphore_mem>>
      %dma_start3A_72 = arith.constant 0 : i32
      %dma_start3A_73 = tpu.memref_slice %arg10[%add3A_26, %dma_start3A_72] : memref<10240x128xf32, #tpu.memory_space<vmem_shared>> -> memref<128x128xf32, #tpu.memory_space<vmem_shared>>
      %dma_start3A_74 = arith.constant 0 : i32
      %dma_start3A_75 = tpu.memref_slice %arg10[%add3A_26, %dma_start3A_74] : memref<10240x128xf32, #tpu.memory_space<vmem_shared>> -> memref<128x128xf32, #tpu.memory_space<vmem_shared>>
      tpu.enqueue_dma source(%arg6 : memref<128x128xf32, #tpu.memory_space<vmem>>) target(%dma_start3A_75 : memref<128x128xf32, #tpu.memory_space<vmem_shared>>) target_semaphore(%run_scoped3A : memref<!tpu.dma_semaphore, #tpu.memory_space<semaphore_mem>>)
      %dma_wait3A_76 = arith.constant 0 : i32
      %dma_wait3A_77 = tpu.memref_slice %arg10[%add3A_26, %dma_wait3A_76] : memref<10240x128xf32, #tpu.memory_space<vmem_shared>> -> memref<128x128xf32, #tpu.memory_space<vmem_shared>>
      %dma_wait3A_78 = arith.constant 0 : i32
      %dma_wait3A_79 = tpu.memref_slice %arg10[%add3A_26, %dma_wait3A_78] : memref<10240x128xf32, #tpu.memory_space<vmem_shared>> -> memref<128x128xf32, #tpu.memory_space<vmem_shared>>
      tpu.wait_dma2 semaphore(%run_scoped3A : memref<!tpu.dma_semaphore, #tpu.memory_space<semaphore_mem>>) src(%arg6 : memref<128x128xf32, #tpu.memory_space<vmem>>) dst(%dma_wait3A_79 : memref<128x128xf32, #tpu.memory_space<vmem_shared>>)
      tpu.yield
    }) : () -> ()
    %barrier3A = arith.constant 0 : index
    tpu.barrier barrier_id(%barrier3A)
    "tpu.region"() ({
      %run_scoped3A = tpu.sem_alloc : memref<!tpu.dma_semaphore, #tpu.memory_space<semaphore_mem>>
      %dma_start3A_72 = arith.constant 0 : i32
      %dma_start3A_73 = arith.constant 0 : i32
      %dma_start3A_74 = tpu.memref_slice %arg3[%add3A, %dma_start3A_72, %dma_start3A_73] : memref<32x80x128xi32, #tpu.memory_space<hbm>> -> memref<1x40x128xi32, #tpu.memory_space<hbm>>
      %dma_start3A_75 = tpu.memref_squeeze %dma_start3A_74 : memref<1x40x128xi32, #tpu.memory_space<hbm>> -> memref<40x128xi32, #tpu.memory_space<hbm>>
      %dma_start3A_76 = arith.constant 0 : i32
      %dma_start3A_77 = arith.constant 0 : i32
      %dma_start3A_78 = tpu.memref_slice %arg3[%add3A, %dma_start3A_76, %dma_start3A_77] : memref<32x80x128xi32, #tpu.memory_space<hbm>> -> memref<1x40x128xi32, #tpu.memory_space<hbm>>
      %dma_start3A_79 = tpu.memref_squeeze %dma_start3A_78 : memref<1x40x128xi32, #tpu.memory_space<hbm>> -> memref<40x128xi32, #tpu.memory_space<hbm>>
      tpu.enqueue_dma source(%dma_start3A_79 : memref<40x128xi32, #tpu.memory_space<hbm>>) target(%arg8 : memref<40x128xi32, #tpu.memory_space<vmem>>) target_semaphore(%run_scoped3A : memref<!tpu.dma_semaphore, #tpu.memory_space<semaphore_mem>>)
      %dma_wait3A_80 = arith.constant 0 : i32
      %dma_wait3A_81 = arith.constant 0 : i32
      %dma_wait3A_82 = tpu.memref_slice %arg3[%add3A, %dma_wait3A_80, %dma_wait3A_81] : memref<32x80x128xi32, #tpu.memory_space<hbm>> -> memref<1x40x128xi32, #tpu.memory_space<hbm>>
      %dma_wait3A_83 = tpu.memref_squeeze %dma_wait3A_82 : memref<1x40x128xi32, #tpu.memory_space<hbm>> -> memref<40x128xi32, #tpu.memory_space<hbm>>
      %dma_wait3A_84 = arith.constant 0 : i32
      %dma_wait3A_85 = arith.constant 0 : i32
      %dma_wait3A_86 = tpu.memref_slice %arg3[%add3A, %dma_wait3A_84, %dma_wait3A_85] : memref<32x80x128xi32, #tpu.memory_space<hbm>> -> memref<1x40x128xi32, #tpu.memory_space<hbm>>
      %dma_wait3A_87 = tpu.memref_squeeze %dma_wait3A_86 : memref<1x40x128xi32, #tpu.memory_space<hbm>> -> memref<40x128xi32, #tpu.memory_space<hbm>>
      tpu.wait_dma2 semaphore(%run_scoped3A : memref<!tpu.dma_semaphore, #tpu.memory_space<semaphore_mem>>) src(%dma_wait3A_87 : memref<40x128xi32, #tpu.memory_space<hbm>>) dst(%arg8 : memref<40x128xi32, #tpu.memory_space<vmem>>)
      tpu.yield
    }) : () -> ()
    "tpu.region"() ({
      %run_scoped3A = tpu.sem_alloc : memref<!tpu.dma_semaphore, #tpu.memory_space<semaphore_mem>>
      %dma_start3A_72 = arith.constant 0 : i32
      %dma_start3A_73 = arith.constant 0 : i32
      %dma_start3A_74 = tpu.memref_slice %arg4[%add3A, %dma_start3A_72, %dma_start3A_73] : memref<32x80x128xi32, #tpu.memory_space<hbm>> -> memref<1x40x128xi32, #tpu.memory_space<hbm>>
      %dma_start3A_75 = tpu.memref_squeeze %dma_start3A_74 : memref<1x40x128xi32, #tpu.memory_space<hbm>> -> memref<40x128xi32, #tpu.memory_space<hbm>>
      %dma_start3A_76 = arith.constant 0 : i32
      %dma_start3A_77 = arith.constant 0 : i32
      %dma_start3A_78 = tpu.memref_slice %arg4[%add3A, %dma_start3A_76, %dma_start3A_77] : memref<32x80x128xi32, #tpu.memory_space<hbm>> -> memref<1x40x128xi32, #tpu.memory_space<hbm>>
      %dma_start3A_79 = tpu.memref_squeeze %dma_start3A_78 : memref<1x40x128xi32, #tpu.memory_space<hbm>> -> memref<40x128xi32, #tpu.memory_space<hbm>>
      tpu.enqueue_dma source(%dma_start3A_79 : memref<40x128xi32, #tpu.memory_space<hbm>>) target(%arg9 : memref<40x128xi32, #tpu.memory_space<vmem>>) target_semaphore(%run_scoped3A : memref<!tpu.dma_semaphore, #tpu.memory_space<semaphore_mem>>)
      %dma_wait3A_80 = arith.constant 0 : i32
      %dma_wait3A_81 = arith.constant 0 : i32
      %dma_wait3A_82 = tpu.memref_slice %arg4[%add3A, %dma_wait3A_80, %dma_wait3A_81] : memref<32x80x128xi32, #tpu.memory_space<hbm>> -> memref<1x40x128xi32, #tpu.memory_space<hbm>>
      %dma_wait3A_83 = tpu.memref_squeeze %dma_wait3A_82 : memref<1x40x128xi32, #tpu.memory_space<hbm>> -> memref<40x128xi32, #tpu.memory_space<hbm>>
      %dma_wait3A_84 = arith.constant 0 : i32
      %dma_wait3A_85 = arith.constant 0 : i32
      %dma_wait3A_86 = tpu.memref_slice %arg4[%add3A, %dma_wait3A_84, %dma_wait3A_85] : memref<32x80x128xi32, #tpu.memory_space<hbm>> -> memref<1x40x128xi32, #tpu.memory_space<hbm>>
      %dma_wait3A_87 = tpu.memref_squeeze %dma_wait3A_86 : memref<1x40x128xi32, #tpu.memory_space<hbm>> -> memref<40x128xi32, #tpu.memory_space<hbm>>
      tpu.wait_dma2 semaphore(%run_scoped3A : memref<!tpu.dma_semaphore, #tpu.memory_space<semaphore_mem>>) src(%dma_wait3A_87 : memref<40x128xi32, #tpu.memory_space<hbm>>) dst(%arg9 : memref<40x128xi32, #tpu.memory_space<vmem>>)
      tpu.yield
    }) : () -> ()
    %dma_start3A = arith.constant 0 : i32
    %dma_start3A_27 = arith.constant 0 : i32
    %dma_start3A_28 = tpu.memref_slice %arg8[%dma_start3A, %dma_start3A_27] : memref<40x128xi32, #tpu.memory_space<vmem>> -> memref<1x128xi32, #tpu.memory_space<vmem>>
    %dma_start3A_29 = tpu.memref_squeeze %dma_start3A_28 : memref<1x128xi32, #tpu.memory_space<vmem>> -> memref<128xi32, #tpu.memory_space<vmem>>
    %dma_start3A_30 = arith.constant 0 : i32
    %dma_start3A_31 = arith.constant 0 : i32
    %dma_start3A_32 = tpu.memref_slice %arg2[%dma_start3A_30, %dma_start3A_31] : memref<10000x128xf32, #tpu.memory_space<hbm>> -> memref<10000x128xf32, #tpu.memory_space<hbm>>
    tpu.enqueue_indirect_dma source(%dma_start3A_32 : memref<10000x128xf32, #tpu.memory_space<hbm>>) target(%arg6 : memref<128x128xf32, #tpu.memory_space<vmem>>) offsets(%dma_start3A_29 : memref<128xi32, #tpu.memory_space<vmem>>) semaphore(%arg11 : memref<!tpu.dma_semaphore, #tpu.memory_space<semaphore_mem>>)
    %scan3A_33 = arith.constant 0 : i32
    %scan3A_34 = arith.constant 0 : i32
    %scan3A_35 = arith.constant 20 : i32
    %scan3A_36 = arith.addi %scan3A_34, %scan3A_35 : i32
    %scan3A_37 = arith.constant 1 : i32
    %scan3A_38 = scf.for %scan3A_72 = %scan3A_34 to %scan3A_36 step %scan3A_37 iter_args(%scan3A_73 = %scan3A_33) -> (i32)  : i32 {
      %mul3A_74 = arith.constant 2 : i32
      %mul3A_75 = arith.muli %mul3A_74, %scan3A_72 : i32
      %dma_wait3A_76 = arith.constant 0 : i32
      %dma_wait3A_77 = tpu.memref_slice %arg8[%mul3A_75, %dma_wait3A_76] : memref<40x128xi32, #tpu.memory_space<vmem>> -> memref<1x128xi32, #tpu.memory_space<vmem>>
      %dma_wait3A_78 = tpu.memref_squeeze %dma_wait3A_77 : memref<1x128xi32, #tpu.memory_space<vmem>> -> memref<128xi32, #tpu.memory_space<vmem>>
      %dma_wait3A_79 = arith.constant 0 : i32
      %dma_wait3A_80 = arith.constant 0 : i32
      %dma_wait3A_81 = tpu.memref_slice %arg2[%dma_wait3A_79, %dma_wait3A_80] : memref<10000x128xf32, #tpu.memory_space<hbm>> -> memref<10000x128xf32, #tpu.memory_space<hbm>>
      tpu.wait_indirect_dma semaphore(%arg11 : memref<!tpu.dma_semaphore, #tpu.memory_space<semaphore_mem>>) src(%dma_wait3A_81 : memref<10000x128xf32, #tpu.memory_space<hbm>>) dst(%arg6 : memref<128x128xf32, #tpu.memory_space<vmem>>)
      %gt3A = arith.constant 0 : i32
      %gt3A_82 = arith.cmpi sgt, %scan3A_72, %gt3A : i32
      %convert_element_type3A = arith.extui %gt3A_82 : i1 to i32
      %cond3A = arith.constant 0 : i32
      %cond3A_83 = arith.cmpi ne, %convert_element_type3A, %cond3A : i32
      scf.if %cond3A_83 {
        %dma_wait3A_125 = arith.constant 0 : i32
        %dma_wait3A_126 = tpu.memref_slice %arg9[%mul3A_75, %dma_wait3A_125] : memref<40x128xi32, #tpu.memory_space<vmem>> -> memref<1x128xi32, #tpu.memory_space<vmem>>
        %dma_wait3A_127 = tpu.memref_squeeze %dma_wait3A_126 : memref<1x128xi32, #tpu.memory_space<vmem>> -> memref<128xi32, #tpu.memory_space<vmem>>
        %dma_wait3A_128 = arith.constant 0 : i32
        %dma_wait3A_129 = arith.constant 0 : i32
        %dma_wait3A_130 = tpu.memref_slice %arg10[%dma_wait3A_128, %dma_wait3A_129] : memref<10240x128xf32, #tpu.memory_space<vmem_shared>> -> memref<10240x128xf32, #tpu.memory_space<vmem_shared>>
        tpu.wait_indirect_dma semaphore(%arg14 : memref<!tpu.dma_semaphore, #tpu.memory_space<semaphore_mem>>) src(%arg7 : memref<128x128xf32, #tpu.memory_space<vmem>>) dst(%dma_wait3A_130 : memref<10240x128xf32, #tpu.memory_space<vmem_shared>>)
      } else {
      }
      %add3A_84 = arith.constant 1 : i32
      %add3A_85 = arith.addi %mul3A_75, %add3A_84 : i32
      %dma_start3A_86 = arith.constant 0 : i32
      %dma_start3A_87 = tpu.memref_slice %arg8[%add3A_85, %dma_start3A_86] : memref<40x128xi32, #tpu.memory_space<vmem>> -> memref<1x128xi32, #tpu.memory_space<vmem>>
      %dma_start3A_88 = tpu.memref_squeeze %dma_start3A_87 : memref<1x128xi32, #tpu.memory_space<vmem>> -> memref<128xi32, #tpu.memory_space<vmem>>
      %dma_start3A_89 = arith.constant 0 : i32
      %dma_start3A_90 = arith.constant 0 : i32
      %dma_start3A_91 = tpu.memref_slice %arg2[%dma_start3A_89, %dma_start3A_90] : memref<10000x128xf32, #tpu.memory_space<hbm>> -> memref<10000x128xf32, #tpu.memory_space<hbm>>
      tpu.enqueue_indirect_dma source(%dma_start3A_91 : memref<10000x128xf32, #tpu.memory_space<hbm>>) target(%arg7 : memref<128x128xf32, #tpu.memory_space<vmem>>) offsets(%dma_start3A_88 : memref<128xi32, #tpu.memory_space<vmem>>) semaphore(%arg12 : memref<!tpu.dma_semaphore, #tpu.memory_space<semaphore_mem>>)
      %dma_start3A_92 = arith.constant 0 : i32
      %dma_start3A_93 = tpu.memref_slice %arg9[%mul3A_75, %dma_start3A_92] : memref<40x128xi32, #tpu.memory_space<vmem>> -> memref<1x128xi32, #tpu.memory_space<vmem>>
      %dma_start3A_94 = tpu.memref_squeeze %dma_start3A_93 : memref<1x128xi32, #tpu.memory_space<vmem>> -> memref<128xi32, #tpu.memory_space<vmem>>
      %dma_start3A_95 = arith.constant 0 : i32
      %dma_start3A_96 = arith.constant 0 : i32
      %dma_start3A_97 = tpu.memref_slice %arg10[%dma_start3A_95, %dma_start3A_96] : memref<10240x128xf32, #tpu.memory_space<vmem_shared>> -> memref<10240x128xf32, #tpu.memory_space<vmem_shared>>
      tpu.enqueue_indirect_dma source(%arg6 : memref<128x128xf32, #tpu.memory_space<vmem>>) target(%dma_start3A_97 : memref<10240x128xf32, #tpu.memory_space<vmem_shared>>) offsets(%dma_start3A_94 : memref<128xi32, #tpu.memory_space<vmem>>) semaphore(%arg13 : memref<!tpu.dma_semaphore, #tpu.memory_space<semaphore_mem>>) {add = true}
      %add3A_98 = arith.constant 1 : i32
      %add3A_99 = arith.addi %mul3A_75, %add3A_98 : i32
      %dma_wait3A_100 = arith.constant 0 : i32
      %dma_wait3A_101 = tpu.memref_slice %arg8[%add3A_99, %dma_wait3A_100] : memref<40x128xi32, #tpu.memory_space<vmem>> -> memref<1x128xi32, #tpu.memory_space<vmem>>
      %dma_wait3A_102 = tpu.memref_squeeze %dma_wait3A_101 : memref<1x128xi32, #tpu.memory_space<vmem>> -> memref<128xi32, #tpu.memory_space<vmem>>
      %dma_wait3A_103 = arith.constant 0 : i32
      %dma_wait3A_104 = arith.constant 0 : i32
      %dma_wait3A_105 = tpu.memref_slice %arg2[%dma_wait3A_103, %dma_wait3A_104] : memref<10000x128xf32, #tpu.memory_space<hbm>> -> memref<10000x128xf32, #tpu.memory_space<hbm>>
      tpu.wait_indirect_dma semaphore(%arg12 : memref<!tpu.dma_semaphore, #tpu.memory_space<semaphore_mem>>) src(%dma_wait3A_105 : memref<10000x128xf32, #tpu.memory_space<hbm>>) dst(%arg7 : memref<128x128xf32, #tpu.memory_space<vmem>>)
      %dma_wait3A_106 = arith.constant 0 : i32
      %dma_wait3A_107 = tpu.memref_slice %arg9[%mul3A_75, %dma_wait3A_106] : memref<40x128xi32, #tpu.memory_space<vmem>> -> memref<1x128xi32, #tpu.memory_space<vmem>>
      %dma_wait3A_108 = tpu.memref_squeeze %dma_wait3A_107 : memref<1x128xi32, #tpu.memory_space<vmem>> -> memref<128xi32, #tpu.memory_space<vmem>>
      %dma_wait3A_109 = arith.constant 0 : i32
      %dma_wait3A_110 = arith.constant 0 : i32
      %dma_wait3A_111 = tpu.memref_slice %arg10[%dma_wait3A_109, %dma_wait3A_110] : memref<10240x128xf32, #tpu.memory_space<vmem_shared>> -> memref<10240x128xf32, #tpu.memory_space<vmem_shared>>
      tpu.wait_indirect_dma semaphore(%arg13 : memref<!tpu.dma_semaphore, #tpu.memory_space<semaphore_mem>>) src(%arg6 : memref<128x128xf32, #tpu.memory_space<vmem>>) dst(%dma_wait3A_111 : memref<10240x128xf32, #tpu.memory_space<vmem_shared>>)
      %lt3A = arith.constant 19 : i32
      %lt3A_112 = arith.cmpi slt, %scan3A_72, %lt3A : i32
      %convert_element_type3A_113 = arith.extui %lt3A_112 : i1 to i32
      %cond3A_114 = arith.constant 0 : i32
      %cond3A_115 = arith.cmpi ne, %convert_element_type3A_113, %cond3A_114 : i32
      scf.if %cond3A_115 {
        %add3A_125 = arith.constant 2 : i32
        %add3A_126 = arith.addi %mul3A_75, %add3A_125 : i32
        %dma_start3A_127 = arith.constant 0 : i32
        %dma_start3A_128 = tpu.memref_slice %arg8[%add3A_126, %dma_start3A_127] : memref<40x128xi32, #tpu.memory_space<vmem>> -> memref<1x128xi32, #tpu.memory_space<vmem>>
        %dma_start3A_129 = tpu.memref_squeeze %dma_start3A_128 : memref<1x128xi32, #tpu.memory_space<vmem>> -> memref<128xi32, #tpu.memory_space<vmem>>
        %dma_start3A_130 = arith.constant 0 : i32
        %dma_start3A_131 = arith.constant 0 : i32
        %dma_start3A_132 = tpu.memref_slice %arg2[%dma_start3A_130, %dma_start3A_131] : memref<10000x128xf32, #tpu.memory_space<hbm>> -> memref<10000x128xf32, #tpu.memory_space<hbm>>
        tpu.enqueue_indirect_dma source(%dma_start3A_132 : memref<10000x128xf32, #tpu.memory_space<hbm>>) target(%arg6 : memref<128x128xf32, #tpu.memory_space<vmem>>) offsets(%dma_start3A_129 : memref<128xi32, #tpu.memory_space<vmem>>) semaphore(%arg11 : memref<!tpu.dma_semaphore, #tpu.memory_space<semaphore_mem>>)
      } else {
      }
      %add3A_116 = arith.constant 1 : i32
      %add3A_117 = arith.addi %mul3A_75, %add3A_116 : i32
      %dma_start3A_118 = arith.constant 0 : i32
      %dma_start3A_119 = tpu.memref_slice %arg9[%add3A_117, %dma_start3A_118] : memref<40x128xi32, #tpu.memory_space<vmem>> -> memref<1x128xi32, #tpu.memory_space<vmem>>
      %dma_start3A_120 = tpu.memref_squeeze %dma_start3A_119 : memref<1x128xi32, #tpu.memory_space<vmem>> -> memref<128xi32, #tpu.memory_space<vmem>>
      %dma_start3A_121 = arith.constant 0 : i32
      %dma_start3A_122 = arith.constant 0 : i32
      %dma_start3A_123 = tpu.memref_slice %arg10[%dma_start3A_121, %dma_start3A_122] : memref<10240x128xf32, #tpu.memory_space<vmem_shared>> -> memref<10240x128xf32, #tpu.memory_space<vmem_shared>>
      tpu.enqueue_indirect_dma source(%arg7 : memref<128x128xf32, #tpu.memory_space<vmem>>) target(%dma_start3A_123 : memref<10240x128xf32, #tpu.memory_space<vmem_shared>>) offsets(%dma_start3A_120 : memref<128xi32, #tpu.memory_space<vmem>>) semaphore(%arg14 : memref<!tpu.dma_semaphore, #tpu.memory_space<semaphore_mem>>) {add = true}
      %scan3A_124 = arith.constant 0 : i32
      scf.yield %scan3A_124 : i32
    }
    %scan3A_39 = arith.constant 20 : i32
    %dma_wait3A = arith.constant 39 : i32
    %dma_wait3A_40 = arith.constant 0 : i32
    %dma_wait3A_41 = tpu.memref_slice %arg9[%dma_wait3A, %dma_wait3A_40] : memref<40x128xi32, #tpu.memory_space<vmem>> -> memref<1x128xi32, #tpu.memory_space<vmem>>
    %dma_wait3A_42 = tpu.memref_squeeze %dma_wait3A_41 : memref<1x128xi32, #tpu.memory_space<vmem>> -> memref<128xi32, #tpu.memory_space<vmem>>
    %dma_wait3A_43 = arith.constant 0 : i32
    %dma_wait3A_44 = arith.constant 0 : i32
    %dma_wait3A_45 = tpu.memref_slice %arg10[%dma_wait3A_43, %dma_wait3A_44] : memref<10240x128xf32, #tpu.memory_space<vmem_shared>> -> memref<10240x128xf32, #tpu.memory_space<vmem_shared>>
    tpu.wait_indirect_dma semaphore(%arg14 : memref<!tpu.dma_semaphore, #tpu.memory_space<semaphore_mem>>) src(%arg7 : memref<128x128xf32, #tpu.memory_space<vmem>>) dst(%dma_wait3A_45 : memref<10240x128xf32, #tpu.memory_space<vmem_shared>>)
    "tpu.region"() ({
      %run_scoped3A = tpu.sem_alloc : memref<!tpu.dma_semaphore, #tpu.memory_space<semaphore_mem>>
      %dma_start3A_72 = arith.constant 40 : i32
      %dma_start3A_73 = arith.constant 0 : i32
      %dma_start3A_74 = tpu.memref_slice %arg3[%add3A, %dma_start3A_72, %dma_start3A_73] : memref<32x80x128xi32, #tpu.memory_space<hbm>> -> memref<1x40x128xi32, #tpu.memory_space<hbm>>
      %dma_start3A_75 = tpu.memref_squeeze %dma_start3A_74 : memref<1x40x128xi32, #tpu.memory_space<hbm>> -> memref<40x128xi32, #tpu.memory_space<hbm>>
      %dma_start3A_76 = arith.constant 40 : i32
      %dma_start3A_77 = arith.constant 0 : i32
      %dma_start3A_78 = tpu.memref_slice %arg3[%add3A, %dma_start3A_76, %dma_start3A_77] : memref<32x80x128xi32, #tpu.memory_space<hbm>> -> memref<1x40x128xi32, #tpu.memory_space<hbm>>
      %dma_start3A_79 = tpu.memref_squeeze %dma_start3A_78 : memref<1x40x128xi32, #tpu.memory_space<hbm>> -> memref<40x128xi32, #tpu.memory_space<hbm>>
      tpu.enqueue_dma source(%dma_start3A_79 : memref<40x128xi32, #tpu.memory_space<hbm>>) target(%arg8 : memref<40x128xi32, #tpu.memory_space<vmem>>) target_semaphore(%run_scoped3A : memref<!tpu.dma_semaphore, #tpu.memory_space<semaphore_mem>>)
      %dma_wait3A_80 = arith.constant 40 : i32
      %dma_wait3A_81 = arith.constant 0 : i32
      %dma_wait3A_82 = tpu.memref_slice %arg3[%add3A, %dma_wait3A_80, %dma_wait3A_81] : memref<32x80x128xi32, #tpu.memory_space<hbm>> -> memref<1x40x128xi32, #tpu.memory_space<hbm>>
      %dma_wait3A_83 = tpu.memref_squeeze %dma_wait3A_82 : memref<1x40x128xi32, #tpu.memory_space<hbm>> -> memref<40x128xi32, #tpu.memory_space<hbm>>
      %dma_wait3A_84 = arith.constant 40 : i32
      %dma_wait3A_85 = arith.constant 0 : i32
      %dma_wait3A_86 = tpu.memref_slice %arg3[%add3A, %dma_wait3A_84, %dma_wait3A_85] : memref<32x80x128xi32, #tpu.memory_space<hbm>> -> memref<1x40x128xi32, #tpu.memory_space<hbm>>
      %dma_wait3A_87 = tpu.memref_squeeze %dma_wait3A_86 : memref<1x40x128xi32, #tpu.memory_space<hbm>> -> memref<40x128xi32, #tpu.memory_space<hbm>>
      tpu.wait_dma2 semaphore(%run_scoped3A : memref<!tpu.dma_semaphore, #tpu.memory_space<semaphore_mem>>) src(%dma_wait3A_87 : memref<40x128xi32, #tpu.memory_space<hbm>>) dst(%arg8 : memref<40x128xi32, #tpu.memory_space<vmem>>)
      tpu.yield
    }) : () -> ()
    "tpu.region"() ({
      %run_scoped3A = tpu.sem_alloc : memref<!tpu.dma_semaphore, #tpu.memory_space<semaphore_mem>>
      %dma_start3A_72 = arith.constant 40 : i32
      %dma_start3A_73 = arith.constant 0 : i32
      %dma_start3A_74 = tpu.memref_slice %arg4[%add3A, %dma_start3A_72, %dma_start3A_73] : memref<32x80x128xi32, #tpu.memory_space<hbm>> -> memref<1x40x128xi32, #tpu.memory_space<hbm>>
      %dma_start3A_75 = tpu.memref_squeeze %dma_start3A_74 : memref<1x40x128xi32, #tpu.memory_space<hbm>> -> memref<40x128xi32, #tpu.memory_space<hbm>>
      %dma_start3A_76 = arith.constant 40 : i32
      %dma_start3A_77 = arith.constant 0 : i32
      %dma_start3A_78 = tpu.memref_slice %arg4[%add3A, %dma_start3A_76, %dma_start3A_77] : memref<32x80x128xi32, #tpu.memory_space<hbm>> -> memref<1x40x128xi32, #tpu.memory_space<hbm>>
      %dma_start3A_79 = tpu.memref_squeeze %dma_start3A_78 : memref<1x40x128xi32, #tpu.memory_space<hbm>> -> memref<40x128xi32, #tpu.memory_space<hbm>>
      tpu.enqueue_dma source(%dma_start3A_79 : memref<40x128xi32, #tpu.memory_space<hbm>>) target(%arg9 : memref<40x128xi32, #tpu.memory_space<vmem>>) target_semaphore(%run_scoped3A : memref<!tpu.dma_semaphore, #tpu.memory_space<semaphore_mem>>)
      %dma_wait3A_80 = arith.constant 40 : i32
      %dma_wait3A_81 = arith.constant 0 : i32
      %dma_wait3A_82 = tpu.memref_slice %arg4[%add3A, %dma_wait3A_80, %dma_wait3A_81] : memref<32x80x128xi32, #tpu.memory_space<hbm>> -> memref<1x40x128xi32, #tpu.memory_space<hbm>>
      %dma_wait3A_83 = tpu.memref_squeeze %dma_wait3A_82 : memref<1x40x128xi32, #tpu.memory_space<hbm>> -> memref<40x128xi32, #tpu.memory_space<hbm>>
      %dma_wait3A_84 = arith.constant 40 : i32
      %dma_wait3A_85 = arith.constant 0 : i32
      %dma_wait3A_86 = tpu.memref_slice %arg4[%add3A, %dma_wait3A_84, %dma_wait3A_85] : memref<32x80x128xi32, #tpu.memory_space<hbm>> -> memref<1x40x128xi32, #tpu.memory_space<hbm>>
      %dma_wait3A_87 = tpu.memref_squeeze %dma_wait3A_86 : memref<1x40x128xi32, #tpu.memory_space<hbm>> -> memref<40x128xi32, #tpu.memory_space<hbm>>
      tpu.wait_dma2 semaphore(%run_scoped3A : memref<!tpu.dma_semaphore, #tpu.memory_space<semaphore_mem>>) src(%dma_wait3A_87 : memref<40x128xi32, #tpu.memory_space<hbm>>) dst(%arg9 : memref<40x128xi32, #tpu.memory_space<vmem>>)
      tpu.yield
    }) : () -> ()
    %dma_start3A_46 = arith.constant 0 : i32
    %dma_start3A_47 = arith.constant 0 : i32
    %dma_start3A_48 = tpu.memref_slice %arg8[%dma_start3A_46, %dma_start3A_47] : memref<40x128xi32, #tpu.memory_space<vmem>> -> memref<1x128xi32, #tpu.memory_space<vmem>>
    %dma_start3A_49 = tpu.memref_squeeze %dma_start3A_48 : memref<1x128xi32, #tpu.memory_space<vmem>> -> memref<128xi32, #tpu.memory_space<vmem>>
    %dma_start3A_50 = arith.constant 0 : i32
    %dma_start3A_51 = arith.constant 0 : i32
    %dma_start3A_52 = tpu.memref_slice %arg2[%dma_start3A_50, %dma_start3A_51] : memref<10000x128xf32, #tpu.memory_space<hbm>> -> memref<10000x128xf32, #tpu.memory_space<hbm>>
    tpu.enqueue_indirect_dma source(%dma_start3A_52 : memref<10000x128xf32, #tpu.memory_space<hbm>>) target(%arg6 : memref<128x128xf32, #tpu.memory_space<vmem>>) offsets(%dma_start3A_49 : memref<128xi32, #tpu.memory_space<vmem>>) semaphore(%arg11 : memref<!tpu.dma_semaphore, #tpu.memory_space<semaphore_mem>>)
    %scan3A_53 = arith.constant 0 : i32
    %scan3A_54 = arith.constant 0 : i32
    %scan3A_55 = arith.constant 20 : i32
    %scan3A_56 = arith.addi %scan3A_54, %scan3A_55 : i32
    %scan3A_57 = arith.constant 1 : i32
    %scan3A_58 = scf.for %scan3A_72 = %scan3A_54 to %scan3A_56 step %scan3A_57 iter_args(%scan3A_73 = %scan3A_53) -> (i32)  : i32 {
      %mul3A_74 = arith.constant 2 : i32
      %mul3A_75 = arith.muli %mul3A_74, %scan3A_72 : i32
      %dma_wait3A_76 = arith.constant 0 : i32
      %dma_wait3A_77 = tpu.memref_slice %arg8[%mul3A_75, %dma_wait3A_76] : memref<40x128xi32, #tpu.memory_space<vmem>> -> memref<1x128xi32, #tpu.memory_space<vmem>>
      %dma_wait3A_78 = tpu.memref_squeeze %dma_wait3A_77 : memref<1x128xi32, #tpu.memory_space<vmem>> -> memref<128xi32, #tpu.memory_space<vmem>>
      %dma_wait3A_79 = arith.constant 0 : i32
      %dma_wait3A_80 = arith.constant 0 : i32
      %dma_wait3A_81 = tpu.memref_slice %arg2[%dma_wait3A_79, %dma_wait3A_80] : memref<10000x128xf32, #tpu.memory_space<hbm>> -> memref<10000x128xf32, #tpu.memory_space<hbm>>
      tpu.wait_indirect_dma semaphore(%arg11 : memref<!tpu.dma_semaphore, #tpu.memory_space<semaphore_mem>>) src(%dma_wait3A_81 : memref<10000x128xf32, #tpu.memory_space<hbm>>) dst(%arg6 : memref<128x128xf32, #tpu.memory_space<vmem>>)
      %gt3A = arith.constant 0 : i32
      %gt3A_82 = arith.cmpi sgt, %scan3A_72, %gt3A : i32
      %convert_element_type3A = arith.extui %gt3A_82 : i1 to i32
      %cond3A = arith.constant 0 : i32
      %cond3A_83 = arith.cmpi ne, %convert_element_type3A, %cond3A : i32
      scf.if %cond3A_83 {
        %dma_wait3A_125 = arith.constant 0 : i32
        %dma_wait3A_126 = tpu.memref_slice %arg9[%mul3A_75, %dma_wait3A_125] : memref<40x128xi32, #tpu.memory_space<vmem>> -> memref<1x128xi32, #tpu.memory_space<vmem>>
        %dma_wait3A_127 = tpu.memref_squeeze %dma_wait3A_126 : memref<1x128xi32, #tpu.memory_space<vmem>> -> memref<128xi32, #tpu.memory_space<vmem>>
        %dma_wait3A_128 = arith.constant 0 : i32
        %dma_wait3A_129 = arith.constant 0 : i32
        %dma_wait3A_130 = tpu.memref_slice %arg10[%dma_wait3A_128, %dma_wait3A_129] : memref<10240x128xf32, #tpu.memory_space<vmem_shared>> -> memref<10240x128xf32, #tpu.memory_space<vmem_shared>>
        tpu.wait_indirect_dma semaphore(%arg14 : memref<!tpu.dma_semaphore, #tpu.memory_space<semaphore_mem>>) src(%arg7 : memref<128x128xf32, #tpu.memory_space<vmem>>) dst(%dma_wait3A_130 : memref<10240x128xf32, #tpu.memory_space<vmem_shared>>)
      } else {
      }
      %add3A_84 = arith.constant 1 : i32
      %add3A_85 = arith.addi %mul3A_75, %add3A_84 : i32
      %dma_start3A_86 = arith.constant 0 : i32
      %dma_start3A_87 = tpu.memref_slice %arg8[%add3A_85, %dma_start3A_86] : memref<40x128xi32, #tpu.memory_space<vmem>> -> memref<1x128xi32, #tpu.memory_space<vmem>>
      %dma_start3A_88 = tpu.memref_squeeze %dma_start3A_87 : memref<1x128xi32, #tpu.memory_space<vmem>> -> memref<128xi32, #tpu.memory_space<vmem>>
      %dma_start3A_89 = arith.constant 0 : i32
      %dma_start3A_90 = arith.constant 0 : i32
      %dma_start3A_91 = tpu.memref_slice %arg2[%dma_start3A_89, %dma_start3A_90] : memref<10000x128xf32, #tpu.memory_space<hbm>> -> memref<10000x128xf32, #tpu.memory_space<hbm>>
      tpu.enqueue_indirect_dma source(%dma_start3A_91 : memref<10000x128xf32, #tpu.memory_space<hbm>>) target(%arg7 : memref<128x128xf32, #tpu.memory_space<vmem>>) offsets(%dma_start3A_88 : memref<128xi32, #tpu.memory_space<vmem>>) semaphore(%arg12 : memref<!tpu.dma_semaphore, #tpu.memory_space<semaphore_mem>>)
      %dma_start3A_92 = arith.constant 0 : i32
      %dma_start3A_93 = tpu.memref_slice %arg9[%mul3A_75, %dma_start3A_92] : memref<40x128xi32, #tpu.memory_space<vmem>> -> memref<1x128xi32, #tpu.memory_space<vmem>>
      %dma_start3A_94 = tpu.memref_squeeze %dma_start3A_93 : memref<1x128xi32, #tpu.memory_space<vmem>> -> memref<128xi32, #tpu.memory_space<vmem>>
      %dma_start3A_95 = arith.constant 0 : i32
      %dma_start3A_96 = arith.constant 0 : i32
      %dma_start3A_97 = tpu.memref_slice %arg10[%dma_start3A_95, %dma_start3A_96] : memref<10240x128xf32, #tpu.memory_space<vmem_shared>> -> memref<10240x128xf32, #tpu.memory_space<vmem_shared>>
      tpu.enqueue_indirect_dma source(%arg6 : memref<128x128xf32, #tpu.memory_space<vmem>>) target(%dma_start3A_97 : memref<10240x128xf32, #tpu.memory_space<vmem_shared>>) offsets(%dma_start3A_94 : memref<128xi32, #tpu.memory_space<vmem>>) semaphore(%arg13 : memref<!tpu.dma_semaphore, #tpu.memory_space<semaphore_mem>>) {add = true}
      %add3A_98 = arith.constant 1 : i32
      %add3A_99 = arith.addi %mul3A_75, %add3A_98 : i32
      %dma_wait3A_100 = arith.constant 0 : i32
      %dma_wait3A_101 = tpu.memref_slice %arg8[%add3A_99, %dma_wait3A_100] : memref<40x128xi32, #tpu.memory_space<vmem>> -> memref<1x128xi32, #tpu.memory_space<vmem>>
      %dma_wait3A_102 = tpu.memref_squeeze %dma_wait3A_101 : memref<1x128xi32, #tpu.memory_space<vmem>> -> memref<128xi32, #tpu.memory_space<vmem>>
      %dma_wait3A_103 = arith.constant 0 : i32
      %dma_wait3A_104 = arith.constant 0 : i32
      %dma_wait3A_105 = tpu.memref_slice %arg2[%dma_wait3A_103, %dma_wait3A_104] : memref<10000x128xf32, #tpu.memory_space<hbm>> -> memref<10000x128xf32, #tpu.memory_space<hbm>>
      tpu.wait_indirect_dma semaphore(%arg12 : memref<!tpu.dma_semaphore, #tpu.memory_space<semaphore_mem>>) src(%dma_wait3A_105 : memref<10000x128xf32, #tpu.memory_space<hbm>>) dst(%arg7 : memref<128x128xf32, #tpu.memory_space<vmem>>)
      %dma_wait3A_106 = arith.constant 0 : i32
      %dma_wait3A_107 = tpu.memref_slice %arg9[%mul3A_75, %dma_wait3A_106] : memref<40x128xi32, #tpu.memory_space<vmem>> -> memref<1x128xi32, #tpu.memory_space<vmem>>
      %dma_wait3A_108 = tpu.memref_squeeze %dma_wait3A_107 : memref<1x128xi32, #tpu.memory_space<vmem>> -> memref<128xi32, #tpu.memory_space<vmem>>
      %dma_wait3A_109 = arith.constant 0 : i32
      %dma_wait3A_110 = arith.constant 0 : i32
      %dma_wait3A_111 = tpu.memref_slice %arg10[%dma_wait3A_109, %dma_wait3A_110] : memref<10240x128xf32, #tpu.memory_space<vmem_shared>> -> memref<10240x128xf32, #tpu.memory_space<vmem_shared>>
      tpu.wait_indirect_dma semaphore(%arg13 : memref<!tpu.dma_semaphore, #tpu.memory_space<semaphore_mem>>) src(%arg6 : memref<128x128xf32, #tpu.memory_space<vmem>>) dst(%dma_wait3A_111 : memref<10240x128xf32, #tpu.memory_space<vmem_shared>>)
      %lt3A = arith.constant 19 : i32
      %lt3A_112 = arith.cmpi slt, %scan3A_72, %lt3A : i32
      %convert_element_type3A_113 = arith.extui %lt3A_112 : i1 to i32
      %cond3A_114 = arith.constant 0 : i32
      %cond3A_115 = arith.cmpi ne, %convert_element_type3A_113, %cond3A_114 : i32
      scf.if %cond3A_115 {
        %add3A_125 = arith.constant 2 : i32
        %add3A_126 = arith.addi %mul3A_75, %add3A_125 : i32
        %dma_start3A_127 = arith.constant 0 : i32
        %dma_start3A_128 = tpu.memref_slice %arg8[%add3A_126, %dma_start3A_127] : memref<40x128xi32, #tpu.memory_space<vmem>> -> memref<1x128xi32, #tpu.memory_space<vmem>>
        %dma_start3A_129 = tpu.memref_squeeze %dma_start3A_128 : memref<1x128xi32, #tpu.memory_space<vmem>> -> memref<128xi32, #tpu.memory_space<vmem>>
        %dma_start3A_130 = arith.constant 0 : i32
        %dma_start3A_131 = arith.constant 0 : i32
        %dma_start3A_132 = tpu.memref_slice %arg2[%dma_start3A_130, %dma_start3A_131] : memref<10000x128xf32, #tpu.memory_space<hbm>> -> memref<10000x128xf32, #tpu.memory_space<hbm>>
        tpu.enqueue_indirect_dma source(%dma_start3A_132 : memref<10000x128xf32, #tpu.memory_space<hbm>>) target(%arg6 : memref<128x128xf32, #tpu.memory_space<vmem>>) offsets(%dma_start3A_129 : memref<128xi32, #tpu.memory_space<vmem>>) semaphore(%arg11 : memref<!tpu.dma_semaphore, #tpu.memory_space<semaphore_mem>>)
      } else {
      }
      %add3A_116 = arith.constant 1 : i32
      %add3A_117 = arith.addi %mul3A_75, %add3A_116 : i32
      %dma_start3A_118 = arith.constant 0 : i32
      %dma_start3A_119 = tpu.memref_slice %arg9[%add3A_117, %dma_start3A_118] : memref<40x128xi32, #tpu.memory_space<vmem>> -> memref<1x128xi32, #tpu.memory_space<vmem>>
      %dma_start3A_120 = tpu.memref_squeeze %dma_start3A_119 : memref<1x128xi32, #tpu.memory_space<vmem>> -> memref<128xi32, #tpu.memory_space<vmem>>
      %dma_start3A_121 = arith.constant 0 : i32
      %dma_start3A_122 = arith.constant 0 : i32
      %dma_start3A_123 = tpu.memref_slice %arg10[%dma_start3A_121, %dma_start3A_122] : memref<10240x128xf32, #tpu.memory_space<vmem_shared>> -> memref<10240x128xf32, #tpu.memory_space<vmem_shared>>
      tpu.enqueue_indirect_dma source(%arg7 : memref<128x128xf32, #tpu.memory_space<vmem>>) target(%dma_start3A_123 : memref<10240x128xf32, #tpu.memory_space<vmem_shared>>) offsets(%dma_start3A_120 : memref<128xi32, #tpu.memory_space<vmem>>) semaphore(%arg14 : memref<!tpu.dma_semaphore, #tpu.memory_space<semaphore_mem>>) {add = true}
      %scan3A_124 = arith.constant 0 : i32
      scf.yield %scan3A_124 : i32
    }
    %scan3A_59 = arith.constant 20 : i32
    %dma_wait3A_60 = arith.constant 39 : i32
    %dma_wait3A_61 = arith.constant 0 : i32
    %dma_wait3A_62 = tpu.memref_slice %arg9[%dma_wait3A_60, %dma_wait3A_61] : memref<40x128xi32, #tpu.memory_space<vmem>> -> memref<1x128xi32, #tpu.memory_space<vmem>>
    %dma_wait3A_63 = tpu.memref_squeeze %dma_wait3A_62 : memref<1x128xi32, #tpu.memory_space<vmem>> -> memref<128xi32, #tpu.memory_space<vmem>>
    %dma_wait3A_64 = arith.constant 0 : i32
    %dma_wait3A_65 = arith.constant 0 : i32
    %dma_wait3A_66 = tpu.memref_slice %arg10[%dma_wait3A_64, %dma_wait3A_65] : memref<10240x128xf32, #tpu.memory_space<vmem_shared>> -> memref<10240x128xf32, #tpu.memory_space<vmem_shared>>
    tpu.wait_indirect_dma semaphore(%arg14 : memref<!tpu.dma_semaphore, #tpu.memory_space<semaphore_mem>>) src(%arg7 : memref<128x128xf32, #tpu.memory_space<vmem>>) dst(%dma_wait3A_66 : memref<10240x128xf32, #tpu.memory_space<vmem_shared>>)
    %barrier3A_67 = arith.constant 0 : index
    tpu.barrier barrier_id(%barrier3A_67)
    %mul3A_68 = arith.constant 640 : i32
    %mul3A_69 = arith.muli %arg1, %mul3A_68 : i32
    %mul3A_70 = arith.constant 640 : i32
    %mul3A_71 = arith.muli %arg1, %mul3A_70 : i32
    "tpu.region"() ({
      %run_scoped3A = tpu.sem_alloc : memref<!tpu.dma_semaphore, #tpu.memory_space<semaphore_mem>>
      %dma_start3A_72 = arith.constant 0 : i32
      %dma_start3A_73 = tpu.memref_slice %arg5[%arg0, %mul3A_71, %dma_start3A_72] : memref<2x10240x128xf32, #tpu.memory_space<hbm>> -> memref<1x640x128xf32, #tpu.memory_space<hbm>>
      %dma_start3A_74 = tpu.memref_squeeze %dma_start3A_73 : memref<1x640x128xf32, #tpu.memory_space<hbm>> -> memref<640x128xf32, #tpu.memory_space<hbm>>
      %dma_start3A_75 = arith.constant 0 : i32
      %dma_start3A_76 = tpu.memref_slice %arg10[%mul3A_69, %dma_start3A_75] : memref<10240x128xf32, #tpu.memory_space<vmem_shared>> -> memref<640x128xf32, #tpu.memory_space<vmem_shared>>
      tpu.enqueue_dma source(%dma_start3A_76 : memref<640x128xf32, #tpu.memory_space<vmem_shared>>) target(%dma_start3A_74 : memref<640x128xf32, #tpu.memory_space<hbm>>) target_semaphore(%run_scoped3A : memref<!tpu.dma_semaphore, #tpu.memory_space<semaphore_mem>>)
      %dma_wait3A_77 = arith.constant 0 : i32
      %dma_wait3A_78 = tpu.memref_slice %arg5[%arg0, %mul3A_71, %dma_wait3A_77] : memref<2x10240x128xf32, #tpu.memory_space<hbm>> -> memref<1x640x128xf32, #tpu.memory_space<hbm>>
      %dma_wait3A_79 = tpu.memref_squeeze %dma_wait3A_78 : memref<1x640x128xf32, #tpu.memory_space<hbm>> -> memref<640x128xf32, #tpu.memory_space<hbm>>
      %dma_wait3A_80 = arith.constant 0 : i32
      %dma_wait3A_81 = tpu.memref_slice %arg10[%mul3A_69, %dma_wait3A_80] : memref<10240x128xf32, #tpu.memory_space<vmem_shared>> -> memref<640x128xf32, #tpu.memory_space<vmem_shared>>
      tpu.wait_dma2 semaphore(%run_scoped3A : memref<!tpu.dma_semaphore, #tpu.memory_space<semaphore_mem>>) src(%dma_wait3A_81 : memref<640x128xf32, #tpu.memory_space<vmem_shared>>) dst(%dma_wait3A_79 : memref<640x128xf32, #tpu.memory_space<hbm>>)
      tpu.yield
    }) : () -> ()
    return
  }
}

#map = affine_map<(d0, d1) -> (0, 0, 0)>
module attributes {stable_mosaic.version = 14 : i64} {
  func.func @_sc_degree(%arg0: i32, %arg1: i32, %arg2: memref<32x80x128xi32, #tpu.memory_space<hbm>>, %arg3: memref<2x10240x128xf32, #tpu.memory_space<hbm>>, %arg4: memref<128x128xf32, #tpu.memory_space<vmem>>, %arg5: memref<128x128xf32, #tpu.memory_space<vmem>>, %arg6: memref<80x128xi32, #tpu.memory_space<vmem>>, %arg7: memref<10240x128xf32, #tpu.memory_space<vmem_shared>>) attributes {dimension_semantics = [#tpu.dimension_semantics<core_parallel>, #tpu.dimension_semantics<subcore_parallel>], iteration_bounds = array<i64: 2, 16>, scalar_prefetch = 0 : i64, scratch_operands = 4 : i64, tpu.core_type = #tpu.core_type<sc_vector_subcore>, window_params = [{transform_indices = #map}, {transform_indices = #map}]} {
    %mul3A = arith.constant 2 : i32
    %mul3A_0 = arith.muli %arg1, %mul3A : i32
    %add3A = arith.addi %mul3A_0, %arg0 : i32
    %scan3A = arith.constant 0 : i32
    %scan3A_1 = arith.constant 0 : i32
    %scan3A_2 = arith.constant 128 : i32
    %scan3A_3 = arith.addi %scan3A_1, %scan3A_2 : i32
    %scan3A_4 = arith.constant 1 : i32
    %scan3A_5 = scf.for %scan3A_39 = %scan3A_1 to %scan3A_3 step %scan3A_4 iter_args(%scan3A_40 = %scan3A) -> (i32)  : i32 {
      %broadcast_in_dim3A = arith.constant 1.000000e+00 : f32
      %broadcast_in_dim3A_41 = vector.broadcast %broadcast_in_dim3A : f32 to vector<16xf32>
      %swap3A = arith.index_cast %scan3A_39 : i32 to index
      %swap3A_42 = arith.constant 0 : index
      %swap3A_43 = tpu.vector_load %arg4[%swap3A, %swap3A_42] {strides = array<i32>} : memref<128x128xf32, #tpu.memory_space<vmem>>, vector<1x16xf32>,
      %swap3A_44 = vector.shape_cast %swap3A_43 : vector<1x16xf32> to vector<16xf32>
      %swap3A_45 = vector.shape_cast %broadcast_in_dim3A_41 : vector<16xf32> to vector<1x16xf32>
      tpu.vector_store %arg4[%swap3A, %swap3A_42], %swap3A_45 {strides = array<i32>} : memref<128x128xf32, #tpu.memory_space<vmem>>, vector<1x16xf32>,
      %broadcast_in_dim3A_46 = arith.constant 0.000000e+00 : f32
      %broadcast_in_dim3A_47 = vector.broadcast %broadcast_in_dim3A_46 : f32 to vector<16xf32>
      %swap3A_48 = arith.index_cast %scan3A_39 : i32 to index
      %swap3A_49 = arith.constant 0 : index
      %swap3A_50 = tpu.vector_load %arg5[%swap3A_48, %swap3A_49] {strides = array<i32>} : memref<128x128xf32, #tpu.memory_space<vmem>>, vector<1x16xf32>,
      %swap3A_51 = vector.shape_cast %swap3A_50 : vector<1x16xf32> to vector<16xf32>
      %swap3A_52 = vector.shape_cast %broadcast_in_dim3A_47 : vector<16xf32> to vector<1x16xf32>
      tpu.vector_store %arg5[%swap3A_48, %swap3A_49], %swap3A_52 {strides = array<i32>} : memref<128x128xf32, #tpu.memory_space<vmem>>, vector<1x16xf32>,
      %broadcast_in_dim3A_53 = arith.constant 1.000000e+00 : f32
      %broadcast_in_dim3A_54 = vector.broadcast %broadcast_in_dim3A_53 : f32 to vector<16xf32>
      %swap3A_55 = arith.index_cast %scan3A_39 : i32 to index
      %swap3A_56 = arith.constant 16 : index
      %swap3A_57 = tpu.vector_load %arg4[%swap3A_55, %swap3A_56] {strides = array<i32>} : memref<128x128xf32, #tpu.memory_space<vmem>>, vector<1x16xf32>,
      %swap3A_58 = vector.shape_cast %swap3A_57 : vector<1x16xf32> to vector<16xf32>
      %swap3A_59 = vector.shape_cast %broadcast_in_dim3A_54 : vector<16xf32> to vector<1x16xf32>
      tpu.vector_store %arg4[%swap3A_55, %swap3A_56], %swap3A_59 {strides = array<i32>} : memref<128x128xf32, #tpu.memory_space<vmem>>, vector<1x16xf32>,
      %broadcast_in_dim3A_60 = arith.constant 0.000000e+00 : f32
      %broadcast_in_dim3A_61 = vector.broadcast %broadcast_in_dim3A_60 : f32 to vector<16xf32>
      %swap3A_62 = arith.index_cast %scan3A_39 : i32 to index
      %swap3A_63 = arith.constant 16 : index
      %swap3A_64 = tpu.vector_load %arg5[%swap3A_62, %swap3A_63] {strides = array<i32>} : memref<128x128xf32, #tpu.memory_space<vmem>>, vector<1x16xf32>,
      %swap3A_65 = vector.shape_cast %swap3A_64 : vector<1x16xf32> to vector<16xf32>
      %swap3A_66 = vector.shape_cast %broadcast_in_dim3A_61 : vector<16xf32> to vector<1x16xf32>
      tpu.vector_store %arg5[%swap3A_62, %swap3A_63], %swap3A_66 {strides = array<i32>} : memref<128x128xf32, #tpu.memory_space<vmem>>, vector<1x16xf32>,
      %broadcast_in_dim3A_67 = arith.constant 1.000000e+00 : f32
      %broadcast_in_dim3A_68 = vector.broadcast %broadcast_in_dim3A_67 : f32 to vector<16xf32>
      %swap3A_69 = arith.index_cast %scan3A_39 : i32 to index
      %swap3A_70 = arith.constant 32 : index
      %swap3A_71 = tpu.vector_load %arg4[%swap3A_69, %swap3A_70] {strides = array<i32>} : memref<128x128xf32, #tpu.memory_space<vmem>>, vector<1x16xf32>,
      %swap3A_72 = vector.shape_cast %swap3A_71 : vector<1x16xf32> to vector<16xf32>
      %swap3A_73 = vector.shape_cast %broadcast_in_dim3A_68 : vector<16xf32> to vector<1x16xf32>
      tpu.vector_store %arg4[%swap3A_69, %swap3A_70], %swap3A_73 {strides = array<i32>} : memref<128x128xf32, #tpu.memory_space<vmem>>, vector<1x16xf32>,
      %broadcast_in_dim3A_74 = arith.constant 0.000000e+00 : f32
      %broadcast_in_dim3A_75 = vector.broadcast %broadcast_in_dim3A_74 : f32 to vector<16xf32>
      %swap3A_76 = arith.index_cast %scan3A_39 : i32 to index
      %swap3A_77 = arith.constant 32 : index
      %swap3A_78 = tpu.vector_load %arg5[%swap3A_76, %swap3A_77] {strides = array<i32>} : memref<128x128xf32, #tpu.memory_space<vmem>>, vector<1x16xf32>,
      %swap3A_79 = vector.shape_cast %swap3A_78 : vector<1x16xf32> to vector<16xf32>
      %swap3A_80 = vector.shape_cast %broadcast_in_dim3A_75 : vector<16xf32> to vector<1x16xf32>
      tpu.vector_store %arg5[%swap3A_76, %swap3A_77], %swap3A_80 {strides = array<i32>} : memref<128x128xf32, #tpu.memory_space<vmem>>, vector<1x16xf32>,
      %broadcast_in_dim3A_81 = arith.constant 1.000000e+00 : f32
      %broadcast_in_dim3A_82 = vector.broadcast %broadcast_in_dim3A_81 : f32 to vector<16xf32>
      %swap3A_83 = arith.index_cast %scan3A_39 : i32 to index
      %swap3A_84 = arith.constant 48 : index
      %swap3A_85 = tpu.vector_load %arg4[%swap3A_83, %swap3A_84] {strides = array<i32>} : memref<128x128xf32, #tpu.memory_space<vmem>>, vector<1x16xf32>,
      %swap3A_86 = vector.shape_cast %swap3A_85 : vector<1x16xf32> to vector<16xf32>
      %swap3A_87 = vector.shape_cast %broadcast_in_dim3A_82 : vector<16xf32> to vector<1x16xf32>
      tpu.vector_store %arg4[%swap3A_83, %swap3A_84], %swap3A_87 {strides = array<i32>} : memref<128x128xf32, #tpu.memory_space<vmem>>, vector<1x16xf32>,
      %broadcast_in_dim3A_88 = arith.constant 0.000000e+00 : f32
      %broadcast_in_dim3A_89 = vector.broadcast %broadcast_in_dim3A_88 : f32 to vector<16xf32>
      %swap3A_90 = arith.index_cast %scan3A_39 : i32 to index
      %swap3A_91 = arith.constant 48 : index
      %swap3A_92 = tpu.vector_load %arg5[%swap3A_90, %swap3A_91] {strides = array<i32>} : memref<128x128xf32, #tpu.memory_space<vmem>>, vector<1x16xf32>,
      %swap3A_93 = vector.shape_cast %swap3A_92 : vector<1x16xf32> to vector<16xf32>
      %swap3A_94 = vector.shape_cast %broadcast_in_dim3A_89 : vector<16xf32> to vector<1x16xf32>
      tpu.vector_store %arg5[%swap3A_90, %swap3A_91], %swap3A_94 {strides = array<i32>} : memref<128x128xf32, #tpu.memory_space<vmem>>, vector<1x16xf32>,
      %broadcast_in_dim3A_95 = arith.constant 1.000000e+00 : f32
      %broadcast_in_dim3A_96 = vector.broadcast %broadcast_in_dim3A_95 : f32 to vector<16xf32>
      %swap3A_97 = arith.index_cast %scan3A_39 : i32 to index
      %swap3A_98 = arith.constant 64 : index
      %swap3A_99 = tpu.vector_load %arg4[%swap3A_97, %swap3A_98] {strides = array<i32>} : memref<128x128xf32, #tpu.memory_space<vmem>>, vector<1x16xf32>,
      %swap3A_100 = vector.shape_cast %swap3A_99 : vector<1x16xf32> to vector<16xf32>
      %swap3A_101 = vector.shape_cast %broadcast_in_dim3A_96 : vector<16xf32> to vector<1x16xf32>
      tpu.vector_store %arg4[%swap3A_97, %swap3A_98], %swap3A_101 {strides = array<i32>} : memref<128x128xf32, #tpu.memory_space<vmem>>, vector<1x16xf32>,
      %broadcast_in_dim3A_102 = arith.constant 0.000000e+00 : f32
      %broadcast_in_dim3A_103 = vector.broadcast %broadcast_in_dim3A_102 : f32 to vector<16xf32>
      %swap3A_104 = arith.index_cast %scan3A_39 : i32 to index
      %swap3A_105 = arith.constant 64 : index
      %swap3A_106 = tpu.vector_load %arg5[%swap3A_104, %swap3A_105] {strides = array<i32>} : memref<128x128xf32, #tpu.memory_space<vmem>>, vector<1x16xf32>,
      %swap3A_107 = vector.shape_cast %swap3A_106 : vector<1x16xf32> to vector<16xf32>
      %swap3A_108 = vector.shape_cast %broadcast_in_dim3A_103 : vector<16xf32> to vector<1x16xf32>
      tpu.vector_store %arg5[%swap3A_104, %swap3A_105], %swap3A_108 {strides = array<i32>} : memref<128x128xf32, #tpu.memory_space<vmem>>, vector<1x16xf32>,
      %broadcast_in_dim3A_109 = arith.constant 1.000000e+00 : f32
      %broadcast_in_dim3A_110 = vector.broadcast %broadcast_in_dim3A_109 : f32 to vector<16xf32>
      %swap3A_111 = arith.index_cast %scan3A_39 : i32 to index
      %swap3A_112 = arith.constant 80 : index
      %swap3A_113 = tpu.vector_load %arg4[%swap3A_111, %swap3A_112] {strides = array<i32>} : memref<128x128xf32, #tpu.memory_space<vmem>>, vector<1x16xf32>,
      %swap3A_114 = vector.shape_cast %swap3A_113 : vector<1x16xf32> to vector<16xf32>
      %swap3A_115 = vector.shape_cast %broadcast_in_dim3A_110 : vector<16xf32> to vector<1x16xf32>
      tpu.vector_store %arg4[%swap3A_111, %swap3A_112], %swap3A_115 {strides = array<i32>} : memref<128x128xf32, #tpu.memory_space<vmem>>, vector<1x16xf32>,
      %broadcast_in_dim3A_116 = arith.constant 0.000000e+00 : f32
      %broadcast_in_dim3A_117 = vector.broadcast %broadcast_in_dim3A_116 : f32 to vector<16xf32>
      %swap3A_118 = arith.index_cast %scan3A_39 : i32 to index
      %swap3A_119 = arith.constant 80 : index
      %swap3A_120 = tpu.vector_load %arg5[%swap3A_118, %swap3A_119] {strides = array<i32>} : memref<128x128xf32, #tpu.memory_space<vmem>>, vector<1x16xf32>,
      %swap3A_121 = vector.shape_cast %swap3A_120 : vector<1x16xf32> to vector<16xf32>
      %swap3A_122 = vector.shape_cast %broadcast_in_dim3A_117 : vector<16xf32> to vector<1x16xf32>
      tpu.vector_store %arg5[%swap3A_118, %swap3A_119], %swap3A_122 {strides = array<i32>} : memref<128x128xf32, #tpu.memory_space<vmem>>, vector<1x16xf32>,
      %broadcast_in_dim3A_123 = arith.constant 1.000000e+00 : f32
      %broadcast_in_dim3A_124 = vector.broadcast %broadcast_in_dim3A_123 : f32 to vector<16xf32>
      %swap3A_125 = arith.index_cast %scan3A_39 : i32 to index
      %swap3A_126 = arith.constant 96 : index
      %swap3A_127 = tpu.vector_load %arg4[%swap3A_125, %swap3A_126] {strides = array<i32>} : memref<128x128xf32, #tpu.memory_space<vmem>>, vector<1x16xf32>,
      %swap3A_128 = vector.shape_cast %swap3A_127 : vector<1x16xf32> to vector<16xf32>
      %swap3A_129 = vector.shape_cast %broadcast_in_dim3A_124 : vector<16xf32> to vector<1x16xf32>
      tpu.vector_store %arg4[%swap3A_125, %swap3A_126], %swap3A_129 {strides = array<i32>} : memref<128x128xf32, #tpu.memory_space<vmem>>, vector<1x16xf32>,
      %broadcast_in_dim3A_130 = arith.constant 0.000000e+00 : f32
      %broadcast_in_dim3A_131 = vector.broadcast %broadcast_in_dim3A_130 : f32 to vector<16xf32>
      %swap3A_132 = arith.index_cast %scan3A_39 : i32 to index
      %swap3A_133 = arith.constant 96 : index
      %swap3A_134 = tpu.vector_load %arg5[%swap3A_132, %swap3A_133] {strides = array<i32>} : memref<128x128xf32, #tpu.memory_space<vmem>>, vector<1x16xf32>,
      %swap3A_135 = vector.shape_cast %swap3A_134 : vector<1x16xf32> to vector<16xf32>
      %swap3A_136 = vector.shape_cast %broadcast_in_dim3A_131 : vector<16xf32> to vector<1x16xf32>
      tpu.vector_store %arg5[%swap3A_132, %swap3A_133], %swap3A_136 {strides = array<i32>} : memref<128x128xf32, #tpu.memory_space<vmem>>, vector<1x16xf32>,
      %broadcast_in_dim3A_137 = arith.constant 1.000000e+00 : f32
      %broadcast_in_dim3A_138 = vector.broadcast %broadcast_in_dim3A_137 : f32 to vector<16xf32>
      %swap3A_139 = arith.index_cast %scan3A_39 : i32 to index
      %swap3A_140 = arith.constant 112 : index
      %swap3A_141 = tpu.vector_load %arg4[%swap3A_139, %swap3A_140] {strides = array<i32>} : memref<128x128xf32, #tpu.memory_space<vmem>>, vector<1x16xf32>,
      %swap3A_142 = vector.shape_cast %swap3A_141 : vector<1x16xf32> to vector<16xf32>
      %swap3A_143 = vector.shape_cast %broadcast_in_dim3A_138 : vector<16xf32> to vector<1x16xf32>
      tpu.vector_store %arg4[%swap3A_139, %swap3A_140], %swap3A_143 {strides = array<i32>} : memref<128x128xf32, #tpu.memory_space<vmem>>, vector<1x16xf32>,
      %broadcast_in_dim3A_144 = arith.constant 0.000000e+00 : f32
      %broadcast_in_dim3A_145 = vector.broadcast %broadcast_in_dim3A_144 : f32 to vector<16xf32>
      %swap3A_146 = arith.index_cast %scan3A_39 : i32 to index
      %swap3A_147 = arith.constant 112 : index
      %swap3A_148 = tpu.vector_load %arg5[%swap3A_146, %swap3A_147] {strides = array<i32>} : memref<128x128xf32, #tpu.memory_space<vmem>>, vector<1x16xf32>,
      %swap3A_149 = vector.shape_cast %swap3A_148 : vector<1x16xf32> to vector<16xf32>
      %swap3A_150 = vector.shape_cast %broadcast_in_dim3A_145 : vector<16xf32> to vector<1x16xf32>
      tpu.vector_store %arg5[%swap3A_146, %swap3A_147], %swap3A_150 {strides = array<i32>} : memref<128x128xf32, #tpu.memory_space<vmem>>, vector<1x16xf32>,
      %scan3A_151 = arith.constant 0 : i32
      scf.yield %scan3A_151 : i32
    }
    %scan3A_6 = arith.constant 128 : i32
    %mul3A_7 = arith.constant 640 : i32
    %mul3A_8 = arith.muli %arg1, %mul3A_7 : i32
    %add3A_9 = arith.constant 0 : i32
    %add3A_10 = arith.addi %mul3A_8, %add3A_9 : i32
    "tpu.region"() ({
      %run_scoped3A = tpu.sem_alloc : memref<!tpu.dma_semaphore, #tpu.memory_space<semaphore_mem>>
      %dma_start3A = arith.constant 0 : i32
      %dma_start3A_39 = tpu.memref_slice %arg7[%add3A_10, %dma_start3A] : memref<10240x128xf32, #tpu.memory_space<vmem_shared>> -> memref<128x128xf32, #tpu.memory_space<vmem_shared>>
      %dma_start3A_40 = arith.constant 0 : i32
      %dma_start3A_41 = tpu.memref_slice %arg7[%add3A_10, %dma_start3A_40] : memref<10240x128xf32, #tpu.memory_space<vmem_shared>> -> memref<128x128xf32, #tpu.memory_space<vmem_shared>>
      tpu.enqueue_dma source(%arg5 : memref<128x128xf32, #tpu.memory_space<vmem>>) target(%dma_start3A_41 : memref<128x128xf32, #tpu.memory_space<vmem_shared>>) target_semaphore(%run_scoped3A : memref<!tpu.dma_semaphore, #tpu.memory_space<semaphore_mem>>)
      %dma_wait3A = arith.constant 0 : i32
      %dma_wait3A_42 = tpu.memref_slice %arg7[%add3A_10, %dma_wait3A] : memref<10240x128xf32, #tpu.memory_space<vmem_shared>> -> memref<128x128xf32, #tpu.memory_space<vmem_shared>>
      %dma_wait3A_43 = arith.constant 0 : i32
      %dma_wait3A_44 = tpu.memref_slice %arg7[%add3A_10, %dma_wait3A_43] : memref<10240x128xf32, #tpu.memory_space<vmem_shared>> -> memref<128x128xf32, #tpu.memory_space<vmem_shared>>
      tpu.wait_dma2 semaphore(%run_scoped3A : memref<!tpu.dma_semaphore, #tpu.memory_space<semaphore_mem>>) src(%arg5 : memref<128x128xf32, #tpu.memory_space<vmem>>) dst(%dma_wait3A_44 : memref<128x128xf32, #tpu.memory_space<vmem_shared>>)
      tpu.yield
    }) : () -> ()
    %mul3A_11 = arith.constant 640 : i32
    %mul3A_12 = arith.muli %arg1, %mul3A_11 : i32
    %add3A_13 = arith.constant 128 : i32
    %add3A_14 = arith.addi %mul3A_12, %add3A_13 : i32
    "tpu.region"() ({
      %run_scoped3A = tpu.sem_alloc : memref<!tpu.dma_semaphore, #tpu.memory_space<semaphore_mem>>
      %dma_start3A = arith.constant 0 : i32
      %dma_start3A_39 = tpu.memref_slice %arg7[%add3A_14, %dma_start3A] : memref<10240x128xf32, #tpu.memory_space<vmem_shared>> -> memref<128x128xf32, #tpu.memory_space<vmem_shared>>
      %dma_start3A_40 = arith.constant 0 : i32
      %dma_start3A_41 = tpu.memref_slice %arg7[%add3A_14, %dma_start3A_40] : memref<10240x128xf32, #tpu.memory_space<vmem_shared>> -> memref<128x128xf32, #tpu.memory_space<vmem_shared>>
      tpu.enqueue_dma source(%arg5 : memref<128x128xf32, #tpu.memory_space<vmem>>) target(%dma_start3A_41 : memref<128x128xf32, #tpu.memory_space<vmem_shared>>) target_semaphore(%run_scoped3A : memref<!tpu.dma_semaphore, #tpu.memory_space<semaphore_mem>>)
      %dma_wait3A = arith.constant 0 : i32
      %dma_wait3A_42 = tpu.memref_slice %arg7[%add3A_14, %dma_wait3A] : memref<10240x128xf32, #tpu.memory_space<vmem_shared>> -> memref<128x128xf32, #tpu.memory_space<vmem_shared>>
      %dma_wait3A_43 = arith.constant 0 : i32
      %dma_wait3A_44 = tpu.memref_slice %arg7[%add3A_14, %dma_wait3A_43] : memref<10240x128xf32, #tpu.memory_space<vmem_shared>> -> memref<128x128xf32, #tpu.memory_space<vmem_shared>>
      tpu.wait_dma2 semaphore(%run_scoped3A : memref<!tpu.dma_semaphore, #tpu.memory_space<semaphore_mem>>) src(%arg5 : memref<128x128xf32, #tpu.memory_space<vmem>>) dst(%dma_wait3A_44 : memref<128x128xf32, #tpu.memory_space<vmem_shared>>)
      tpu.yield
    }) : () -> ()
    %mul3A_15 = arith.constant 640 : i32
    %mul3A_16 = arith.muli %arg1, %mul3A_15 : i32
    %add3A_17 = arith.constant 256 : i32
    %add3A_18 = arith.addi %mul3A_16, %add3A_17 : i32
    "tpu.region"() ({
      %run_scoped3A = tpu.sem_alloc : memref<!tpu.dma_semaphore, #tpu.memory_space<semaphore_mem>>
      %dma_start3A = arith.constant 0 : i32
      %dma_start3A_39 = tpu.memref_slice %arg7[%add3A_18, %dma_start3A] : memref<10240x128xf32, #tpu.memory_space<vmem_shared>> -> memref<128x128xf32, #tpu.memory_space<vmem_shared>>
      %dma_start3A_40 = arith.constant 0 : i32
      %dma_start3A_41 = tpu.memref_slice %arg7[%add3A_18, %dma_start3A_40] : memref<10240x128xf32, #tpu.memory_space<vmem_shared>> -> memref<128x128xf32, #tpu.memory_space<vmem_shared>>
      tpu.enqueue_dma source(%arg5 : memref<128x128xf32, #tpu.memory_space<vmem>>) target(%dma_start3A_41 : memref<128x128xf32, #tpu.memory_space<vmem_shared>>) target_semaphore(%run_scoped3A : memref<!tpu.dma_semaphore, #tpu.memory_space<semaphore_mem>>)
      %dma_wait3A = arith.constant 0 : i32
      %dma_wait3A_42 = tpu.memref_slice %arg7[%add3A_18, %dma_wait3A] : memref<10240x128xf32, #tpu.memory_space<vmem_shared>> -> memref<128x128xf32, #tpu.memory_space<vmem_shared>>
      %dma_wait3A_43 = arith.constant 0 : i32
      %dma_wait3A_44 = tpu.memref_slice %arg7[%add3A_18, %dma_wait3A_43] : memref<10240x128xf32, #tpu.memory_space<vmem_shared>> -> memref<128x128xf32, #tpu.memory_space<vmem_shared>>
      tpu.wait_dma2 semaphore(%run_scoped3A : memref<!tpu.dma_semaphore, #tpu.memory_space<semaphore_mem>>) src(%arg5 : memref<128x128xf32, #tpu.memory_space<vmem>>) dst(%dma_wait3A_44 : memref<128x128xf32, #tpu.memory_space<vmem_shared>>)
      tpu.yield
    }) : () -> ()
    %mul3A_19 = arith.constant 640 : i32
    %mul3A_20 = arith.muli %arg1, %mul3A_19 : i32
    %add3A_21 = arith.constant 384 : i32
    %add3A_22 = arith.addi %mul3A_20, %add3A_21 : i32
    "tpu.region"() ({
      %run_scoped3A = tpu.sem_alloc : memref<!tpu.dma_semaphore, #tpu.memory_space<semaphore_mem>>
      %dma_start3A = arith.constant 0 : i32
      %dma_start3A_39 = tpu.memref_slice %arg7[%add3A_22, %dma_start3A] : memref<10240x128xf32, #tpu.memory_space<vmem_shared>> -> memref<128x128xf32, #tpu.memory_space<vmem_shared>>
      %dma_start3A_40 = arith.constant 0 : i32
      %dma_start3A_41 = tpu.memref_slice %arg7[%add3A_22, %dma_start3A_40] : memref<10240x128xf32, #tpu.memory_space<vmem_shared>> -> memref<128x128xf32, #tpu.memory_space<vmem_shared>>
      tpu.enqueue_dma source(%arg5 : memref<128x128xf32, #tpu.memory_space<vmem>>) target(%dma_start3A_41 : memref<128x128xf32, #tpu.memory_space<vmem_shared>>) target_semaphore(%run_scoped3A : memref<!tpu.dma_semaphore, #tpu.memory_space<semaphore_mem>>)
      %dma_wait3A = arith.constant 0 : i32
      %dma_wait3A_42 = tpu.memref_slice %arg7[%add3A_22, %dma_wait3A] : memref<10240x128xf32, #tpu.memory_space<vmem_shared>> -> memref<128x128xf32, #tpu.memory_space<vmem_shared>>
      %dma_wait3A_43 = arith.constant 0 : i32
      %dma_wait3A_44 = tpu.memref_slice %arg7[%add3A_22, %dma_wait3A_43] : memref<10240x128xf32, #tpu.memory_space<vmem_shared>> -> memref<128x128xf32, #tpu.memory_space<vmem_shared>>
      tpu.wait_dma2 semaphore(%run_scoped3A : memref<!tpu.dma_semaphore, #tpu.memory_space<semaphore_mem>>) src(%arg5 : memref<128x128xf32, #tpu.memory_space<vmem>>) dst(%dma_wait3A_44 : memref<128x128xf32, #tpu.memory_space<vmem_shared>>)
      tpu.yield
    }) : () -> ()
    %mul3A_23 = arith.constant 640 : i32
    %mul3A_24 = arith.muli %arg1, %mul3A_23 : i32
    %add3A_25 = arith.constant 512 : i32
    %add3A_26 = arith.addi %mul3A_24, %add3A_25 : i32
    "tpu.region"() ({
      %run_scoped3A = tpu.sem_alloc : memref<!tpu.dma_semaphore, #tpu.memory_space<semaphore_mem>>
      %dma_start3A = arith.constant 0 : i32
      %dma_start3A_39 = tpu.memref_slice %arg7[%add3A_26, %dma_start3A] : memref<10240x128xf32, #tpu.memory_space<vmem_shared>> -> memref<128x128xf32, #tpu.memory_space<vmem_shared>>
      %dma_start3A_40 = arith.constant 0 : i32
      %dma_start3A_41 = tpu.memref_slice %arg7[%add3A_26, %dma_start3A_40] : memref<10240x128xf32, #tpu.memory_space<vmem_shared>> -> memref<128x128xf32, #tpu.memory_space<vmem_shared>>
      tpu.enqueue_dma source(%arg5 : memref<128x128xf32, #tpu.memory_space<vmem>>) target(%dma_start3A_41 : memref<128x128xf32, #tpu.memory_space<vmem_shared>>) target_semaphore(%run_scoped3A : memref<!tpu.dma_semaphore, #tpu.memory_space<semaphore_mem>>)
      %dma_wait3A = arith.constant 0 : i32
      %dma_wait3A_42 = tpu.memref_slice %arg7[%add3A_26, %dma_wait3A] : memref<10240x128xf32, #tpu.memory_space<vmem_shared>> -> memref<128x128xf32, #tpu.memory_space<vmem_shared>>
      %dma_wait3A_43 = arith.constant 0 : i32
      %dma_wait3A_44 = tpu.memref_slice %arg7[%add3A_26, %dma_wait3A_43] : memref<10240x128xf32, #tpu.memory_space<vmem_shared>> -> memref<128x128xf32, #tpu.memory_space<vmem_shared>>
      tpu.wait_dma2 semaphore(%run_scoped3A : memref<!tpu.dma_semaphore, #tpu.memory_space<semaphore_mem>>) src(%arg5 : memref<128x128xf32, #tpu.memory_space<vmem>>) dst(%dma_wait3A_44 : memref<128x128xf32, #tpu.memory_space<vmem_shared>>)
      tpu.yield
    }) : () -> ()
    "tpu.region"() ({
      %run_scoped3A = tpu.sem_alloc : memref<!tpu.dma_semaphore, #tpu.memory_space<semaphore_mem>>
      %dma_start3A = arith.constant 0 : i32
      %dma_start3A_39 = arith.constant 0 : i32
      %dma_start3A_40 = tpu.memref_slice %arg2[%add3A, %dma_start3A, %dma_start3A_39] : memref<32x80x128xi32, #tpu.memory_space<hbm>> -> memref<1x80x128xi32, #tpu.memory_space<hbm>>
      %dma_start3A_41 = tpu.memref_squeeze %dma_start3A_40 : memref<1x80x128xi32, #tpu.memory_space<hbm>> -> memref<80x128xi32, #tpu.memory_space<hbm>>
      %dma_start3A_42 = arith.constant 0 : i32
      %dma_start3A_43 = arith.constant 0 : i32
      %dma_start3A_44 = tpu.memref_slice %arg2[%add3A, %dma_start3A_42, %dma_start3A_43] : memref<32x80x128xi32, #tpu.memory_space<hbm>> -> memref<1x80x128xi32, #tpu.memory_space<hbm>>
      %dma_start3A_45 = tpu.memref_squeeze %dma_start3A_44 : memref<1x80x128xi32, #tpu.memory_space<hbm>> -> memref<80x128xi32, #tpu.memory_space<hbm>>
      tpu.enqueue_dma source(%dma_start3A_45 : memref<80x128xi32, #tpu.memory_space<hbm>>) target(%arg6 : memref<80x128xi32, #tpu.memory_space<vmem>>) target_semaphore(%run_scoped3A : memref<!tpu.dma_semaphore, #tpu.memory_space<semaphore_mem>>)
      %dma_wait3A = arith.constant 0 : i32
      %dma_wait3A_46 = arith.constant 0 : i32
      %dma_wait3A_47 = tpu.memref_slice %arg2[%add3A, %dma_wait3A, %dma_wait3A_46] : memref<32x80x128xi32, #tpu.memory_space<hbm>> -> memref<1x80x128xi32, #tpu.memory_space<hbm>>
      %dma_wait3A_48 = tpu.memref_squeeze %dma_wait3A_47 : memref<1x80x128xi32, #tpu.memory_space<hbm>> -> memref<80x128xi32, #tpu.memory_space<hbm>>
      %dma_wait3A_49 = arith.constant 0 : i32
      %dma_wait3A_50 = arith.constant 0 : i32
      %dma_wait3A_51 = tpu.memref_slice %arg2[%add3A, %dma_wait3A_49, %dma_wait3A_50] : memref<32x80x128xi32, #tpu.memory_space<hbm>> -> memref<1x80x128xi32, #tpu.memory_space<hbm>>
      %dma_wait3A_52 = tpu.memref_squeeze %dma_wait3A_51 : memref<1x80x128xi32, #tpu.memory_space<hbm>> -> memref<80x128xi32, #tpu.memory_space<hbm>>
      tpu.wait_dma2 semaphore(%run_scoped3A : memref<!tpu.dma_semaphore, #tpu.memory_space<semaphore_mem>>) src(%dma_wait3A_52 : memref<80x128xi32, #tpu.memory_space<hbm>>) dst(%arg6 : memref<80x128xi32, #tpu.memory_space<vmem>>)
      tpu.yield
    }) : () -> ()
    %barrier3A = arith.constant 0 : index
    tpu.barrier barrier_id(%barrier3A)
    %scan3A_27 = arith.constant 0 : i32
    %scan3A_28 = arith.constant 0 : i32
    %scan3A_29 = arith.constant 80 : i32
    %scan3A_30 = arith.addi %scan3A_28, %scan3A_29 : i32
    %scan3A_31 = arith.constant 1 : i32
    %scan3A_32 = scf.for %scan3A_39 = %scan3A_28 to %scan3A_30 step %scan3A_31 iter_args(%scan3A_40 = %scan3A_27) -> (i32)  : i32 {
      "tpu.region"() ({
        %run_scoped3A = tpu.sem_alloc : memref<!tpu.dma_semaphore, #tpu.memory_space<semaphore_mem>>
        %dma_start3A = arith.constant 0 : i32
        %dma_start3A_42 = tpu.memref_slice %arg6[%scan3A_39, %dma_start3A] : memref<80x128xi32, #tpu.memory_space<vmem>> -> memref<1x128xi32, #tpu.memory_space<vmem>>
        %dma_start3A_43 = tpu.memref_squeeze %dma_start3A_42 : memref<1x128xi32, #tpu.memory_space<vmem>> -> memref<128xi32, #tpu.memory_space<vmem>>
        %dma_start3A_44 = arith.constant 0 : i32
        %dma_start3A_45 = arith.constant 0 : i32
        %dma_start3A_46 = tpu.memref_slice %arg7[%dma_start3A_44, %dma_start3A_45] : memref<10240x128xf32, #tpu.memory_space<vmem_shared>> -> memref<10240x128xf32, #tpu.memory_space<vmem_shared>>
        tpu.enqueue_indirect_dma source(%arg4 : memref<128x128xf32, #tpu.memory_space<vmem>>) target(%dma_start3A_46 : memref<10240x128xf32, #tpu.memory_space<vmem_shared>>) offsets(%dma_start3A_43 : memref<128xi32, #tpu.memory_space<vmem>>) semaphore(%run_scoped3A : memref<!tpu.dma_semaphore, #tpu.memory_space<semaphore_mem>>) {add = true}
        %dma_wait3A = arith.constant 0 : i32
        %dma_wait3A_47 = tpu.memref_slice %arg6[%scan3A_39, %dma_wait3A] : memref<80x128xi32, #tpu.memory_space<vmem>> -> memref<1x128xi32, #tpu.memory_space<vmem>>
        %dma_wait3A_48 = tpu.memref_squeeze %dma_wait3A_47 : memref<1x128xi32, #tpu.memory_space<vmem>> -> memref<128xi32, #tpu.memory_space<vmem>>
        %dma_wait3A_49 = arith.constant 0 : i32
        %dma_wait3A_50 = arith.constant 0 : i32
        %dma_wait3A_51 = tpu.memref_slice %arg7[%dma_wait3A_49, %dma_wait3A_50] : memref<10240x128xf32, #tpu.memory_space<vmem_shared>> -> memref<10240x128xf32, #tpu.memory_space<vmem_shared>>
        tpu.wait_indirect_dma semaphore(%run_scoped3A : memref<!tpu.dma_semaphore, #tpu.memory_space<semaphore_mem>>) src(%arg4 : memref<128x128xf32, #tpu.memory_space<vmem>>) dst(%dma_wait3A_51 : memref<10240x128xf32, #tpu.memory_space<vmem_shared>>)
        tpu.yield
      }) : () -> ()
      %scan3A_41 = arith.constant 0 : i32
      scf.yield %scan3A_41 : i32
    }
    %scan3A_33 = arith.constant 80 : i32
    %barrier3A_34 = arith.constant 0 : index
    tpu.barrier barrier_id(%barrier3A_34)
    %mul3A_35 = arith.constant 640 : i32
    %mul3A_36 = arith.muli %arg1, %mul3A_35 : i32
    %mul3A_37 = arith.constant 640 : i32
    %mul3A_38 = arith.muli %arg1, %mul3A_37 : i32
    "tpu.region"() ({
      %run_scoped3A = tpu.sem_alloc : memref<!tpu.dma_semaphore, #tpu.memory_space<semaphore_mem>>
      %dma_start3A = arith.constant 0 : i32
      %dma_start3A_39 = tpu.memref_slice %arg3[%arg0, %mul3A_38, %dma_start3A] : memref<2x10240x128xf32, #tpu.memory_space<hbm>> -> memref<1x640x128xf32, #tpu.memory_space<hbm>>
      %dma_start3A_40 = tpu.memref_squeeze %dma_start3A_39 : memref<1x640x128xf32, #tpu.memory_space<hbm>> -> memref<640x128xf32, #tpu.memory_space<hbm>>
      %dma_start3A_41 = arith.constant 0 : i32
      %dma_start3A_42 = tpu.memref_slice %arg7[%mul3A_36, %dma_start3A_41] : memref<10240x128xf32, #tpu.memory_space<vmem_shared>> -> memref<640x128xf32, #tpu.memory_space<vmem_shared>>
      tpu.enqueue_dma source(%dma_start3A_42 : memref<640x128xf32, #tpu.memory_space<vmem_shared>>) target(%dma_start3A_40 : memref<640x128xf32, #tpu.memory_space<hbm>>) target_semaphore(%run_scoped3A : memref<!tpu.dma_semaphore, #tpu.memory_space<semaphore_mem>>)
      %dma_wait3A = arith.constant 0 : i32
      %dma_wait3A_43 = tpu.memref_slice %arg3[%arg0, %mul3A_38, %dma_wait3A] : memref<2x10240x128xf32, #tpu.memory_space<hbm>> -> memref<1x640x128xf32, #tpu.memory_space<hbm>>
      %dma_wait3A_44 = tpu.memref_squeeze %dma_wait3A_43 : memref<1x640x128xf32, #tpu.memory_space<hbm>> -> memref<640x128xf32, #tpu.memory_space<hbm>>
      %dma_wait3A_45 = arith.constant 0 : i32
      %dma_wait3A_46 = tpu.memref_slice %arg7[%mul3A_36, %dma_wait3A_45] : memref<10240x128xf32, #tpu.memory_space<vmem_shared>> -> memref<640x128xf32, #tpu.memory_space<vmem_shared>>
      tpu.wait_dma2 semaphore(%run_scoped3A : memref<!tpu.dma_semaphore, #tpu.memory_space<semaphore_mem>>) src(%dma_wait3A_46 : memref<640x128xf32, #tpu.memory_space<vmem_shared>>) dst(%dma_wait3A_44 : memref<640x128xf32, #tpu.memory_space<hbm>>)
      tpu.yield
    }) : () -> ()
    return
  }
}

#map = affine_map<(d0, d1) -> (0, 0)>
#map1 = affine_map<(d0, d1) -> (0, 0, 0)>
module attributes {stable_mosaic.version = 14 : i64} {
  func.func @_sc_scatter(%arg0: i32, %arg1: i32, %arg2: memref<10000x128xf32, #tpu.memory_space<hbm>>, %arg3: memref<32x80x128xi32, #tpu.memory_space<hbm>>, %arg4: memref<32x80x128xi32, #tpu.memory_space<hbm>>, %arg5: memref<2x10240x128xf32, #tpu.memory_space<hbm>>, %arg6: memref<128x128xf32, #tpu.memory_space<vmem>>, %arg7: memref<128x128xf32, #tpu.memory_space<vmem>>, %arg8: memref<40x128xi32, #tpu.memory_space<vmem>>, %arg9: memref<40x128xi32, #tpu.memory_space<vmem>>, %arg10: memref<10240x128xf32, #tpu.memory_space<vmem_shared>>, %arg11: memref<!tpu.dma_semaphore, #tpu.memory_space<semaphore_mem>>, %arg12: memref<!tpu.dma_semaphore, #tpu.memory_space<semaphore_mem>>, %arg13: memref<!tpu.dma_semaphore, #tpu.memory_space<semaphore_mem>>, %arg14: memref<!tpu.dma_semaphore, #tpu.memory_space<semaphore_mem>>) attributes {dimension_semantics = [#tpu.dimension_semantics<core_parallel>, #tpu.dimension_semantics<subcore_parallel>], iteration_bounds = array<i64: 2, 16>, scalar_prefetch = 0 : i64, scratch_operands = 9 : i64, tpu.core_type = #tpu.core_type<sc_vector_subcore>, window_params = [{transform_indices = #map}, {transform_indices = #map1}, {transform_indices = #map1}, {transform_indices = #map1}]} {
    %mul3A = arith.constant 2 : i32
    %mul3A_0 = arith.muli %arg1, %mul3A : i32
    %add3A = arith.addi %mul3A_0, %arg0 : i32
    %scan3A = arith.constant 0 : i32
    %scan3A_1 = arith.constant 0 : i32
    %scan3A_2 = arith.constant 128 : i32
    %scan3A_3 = arith.addi %scan3A_1, %scan3A_2 : i32
    %scan3A_4 = arith.constant 1 : i32
    %scan3A_5 = scf.for %scan3A_72 = %scan3A_1 to %scan3A_3 step %scan3A_4 iter_args(%scan3A_73 = %scan3A) -> (i32)  : i32 {
      %broadcast_in_dim3A = arith.constant 0.000000e+00 : f32
      %broadcast_in_dim3A_74 = vector.broadcast %broadcast_in_dim3A : f32 to vector<16xf32>
      %swap3A = arith.index_cast %scan3A_72 : i32 to index
      %swap3A_75 = arith.constant 0 : index
      %swap3A_76 = tpu.vector_load %arg6[%swap3A, %swap3A_75] {strides = array<i32>} : memref<128x128xf32, #tpu.memory_space<vmem>>, vector<1x16xf32>,
      %swap3A_77 = vector.shape_cast %swap3A_76 : vector<1x16xf32> to vector<16xf32>
      %swap3A_78 = vector.shape_cast %broadcast_in_dim3A_74 : vector<16xf32> to vector<1x16xf32>
      tpu.vector_store %arg6[%swap3A, %swap3A_75], %swap3A_78 {strides = array<i32>} : memref<128x128xf32, #tpu.memory_space<vmem>>, vector<1x16xf32>,
      %broadcast_in_dim3A_79 = arith.constant 0.000000e+00 : f32
      %broadcast_in_dim3A_80 = vector.broadcast %broadcast_in_dim3A_79 : f32 to vector<16xf32>
      %swap3A_81 = arith.index_cast %scan3A_72 : i32 to index
      %swap3A_82 = arith.constant 16 : index
      %swap3A_83 = tpu.vector_load %arg6[%swap3A_81, %swap3A_82] {strides = array<i32>} : memref<128x128xf32, #tpu.memory_space<vmem>>, vector<1x16xf32>,
      %swap3A_84 = vector.shape_cast %swap3A_83 : vector<1x16xf32> to vector<16xf32>
      %swap3A_85 = vector.shape_cast %broadcast_in_dim3A_80 : vector<16xf32> to vector<1x16xf32>
      tpu.vector_store %arg6[%swap3A_81, %swap3A_82], %swap3A_85 {strides = array<i32>} : memref<128x128xf32, #tpu.memory_space<vmem>>, vector<1x16xf32>,
      %broadcast_in_dim3A_86 = arith.constant 0.000000e+00 : f32
      %broadcast_in_dim3A_87 = vector.broadcast %broadcast_in_dim3A_86 : f32 to vector<16xf32>
      %swap3A_88 = arith.index_cast %scan3A_72 : i32 to index
      %swap3A_89 = arith.constant 32 : index
      %swap3A_90 = tpu.vector_load %arg6[%swap3A_88, %swap3A_89] {strides = array<i32>} : memref<128x128xf32, #tpu.memory_space<vmem>>, vector<1x16xf32>,
      %swap3A_91 = vector.shape_cast %swap3A_90 : vector<1x16xf32> to vector<16xf32>
      %swap3A_92 = vector.shape_cast %broadcast_in_dim3A_87 : vector<16xf32> to vector<1x16xf32>
      tpu.vector_store %arg6[%swap3A_88, %swap3A_89], %swap3A_92 {strides = array<i32>} : memref<128x128xf32, #tpu.memory_space<vmem>>, vector<1x16xf32>,
      %broadcast_in_dim3A_93 = arith.constant 0.000000e+00 : f32
      %broadcast_in_dim3A_94 = vector.broadcast %broadcast_in_dim3A_93 : f32 to vector<16xf32>
      %swap3A_95 = arith.index_cast %scan3A_72 : i32 to index
      %swap3A_96 = arith.constant 48 : index
      %swap3A_97 = tpu.vector_load %arg6[%swap3A_95, %swap3A_96] {strides = array<i32>} : memref<128x128xf32, #tpu.memory_space<vmem>>, vector<1x16xf32>,
      %swap3A_98 = vector.shape_cast %swap3A_97 : vector<1x16xf32> to vector<16xf32>
      %swap3A_99 = vector.shape_cast %broadcast_in_dim3A_94 : vector<16xf32> to vector<1x16xf32>
      tpu.vector_store %arg6[%swap3A_95, %swap3A_96], %swap3A_99 {strides = array<i32>} : memref<128x128xf32, #tpu.memory_space<vmem>>, vector<1x16xf32>,
      %broadcast_in_dim3A_100 = arith.constant 0.000000e+00 : f32
      %broadcast_in_dim3A_101 = vector.broadcast %broadcast_in_dim3A_100 : f32 to vector<16xf32>
      %swap3A_102 = arith.index_cast %scan3A_72 : i32 to index
      %swap3A_103 = arith.constant 64 : index
      %swap3A_104 = tpu.vector_load %arg6[%swap3A_102, %swap3A_103] {strides = array<i32>} : memref<128x128xf32, #tpu.memory_space<vmem>>, vector<1x16xf32>,
      %swap3A_105 = vector.shape_cast %swap3A_104 : vector<1x16xf32> to vector<16xf32>
      %swap3A_106 = vector.shape_cast %broadcast_in_dim3A_101 : vector<16xf32> to vector<1x16xf32>
      tpu.vector_store %arg6[%swap3A_102, %swap3A_103], %swap3A_106 {strides = array<i32>} : memref<128x128xf32, #tpu.memory_space<vmem>>, vector<1x16xf32>,
      %broadcast_in_dim3A_107 = arith.constant 0.000000e+00 : f32
      %broadcast_in_dim3A_108 = vector.broadcast %broadcast_in_dim3A_107 : f32 to vector<16xf32>
      %swap3A_109 = arith.index_cast %scan3A_72 : i32 to index
      %swap3A_110 = arith.constant 80 : index
      %swap3A_111 = tpu.vector_load %arg6[%swap3A_109, %swap3A_110] {strides = array<i32>} : memref<128x128xf32, #tpu.memory_space<vmem>>, vector<1x16xf32>,
      %swap3A_112 = vector.shape_cast %swap3A_111 : vector<1x16xf32> to vector<16xf32>
      %swap3A_113 = vector.shape_cast %broadcast_in_dim3A_108 : vector<16xf32> to vector<1x16xf32>
      tpu.vector_store %arg6[%swap3A_109, %swap3A_110], %swap3A_113 {strides = array<i32>} : memref<128x128xf32, #tpu.memory_space<vmem>>, vector<1x16xf32>,
      %broadcast_in_dim3A_114 = arith.constant 0.000000e+00 : f32
      %broadcast_in_dim3A_115 = vector.broadcast %broadcast_in_dim3A_114 : f32 to vector<16xf32>
      %swap3A_116 = arith.index_cast %scan3A_72 : i32 to index
      %swap3A_117 = arith.constant 96 : index
      %swap3A_118 = tpu.vector_load %arg6[%swap3A_116, %swap3A_117] {strides = array<i32>} : memref<128x128xf32, #tpu.memory_space<vmem>>, vector<1x16xf32>,
      %swap3A_119 = vector.shape_cast %swap3A_118 : vector<1x16xf32> to vector<16xf32>
      %swap3A_120 = vector.shape_cast %broadcast_in_dim3A_115 : vector<16xf32> to vector<1x16xf32>
      tpu.vector_store %arg6[%swap3A_116, %swap3A_117], %swap3A_120 {strides = array<i32>} : memref<128x128xf32, #tpu.memory_space<vmem>>, vector<1x16xf32>,
      %broadcast_in_dim3A_121 = arith.constant 0.000000e+00 : f32
      %broadcast_in_dim3A_122 = vector.broadcast %broadcast_in_dim3A_121 : f32 to vector<16xf32>
      %swap3A_123 = arith.index_cast %scan3A_72 : i32 to index
      %swap3A_124 = arith.constant 112 : index
      %swap3A_125 = tpu.vector_load %arg6[%swap3A_123, %swap3A_124] {strides = array<i32>} : memref<128x128xf32, #tpu.memory_space<vmem>>, vector<1x16xf32>,
      %swap3A_126 = vector.shape_cast %swap3A_125 : vector<1x16xf32> to vector<16xf32>
      %swap3A_127 = vector.shape_cast %broadcast_in_dim3A_122 : vector<16xf32> to vector<1x16xf32>
      tpu.vector_store %arg6[%swap3A_123, %swap3A_124], %swap3A_127 {strides = array<i32>} : memref<128x128xf32, #tpu.memory_space<vmem>>, vector<1x16xf32>,
      %scan3A_128 = arith.constant 0 : i32
      scf.yield %scan3A_128 : i32
    }
    %scan3A_6 = arith.constant 128 : i32
    %mul3A_7 = arith.constant 640 : i32
    %mul3A_8 = arith.muli %arg1, %mul3A_7 : i32
    %add3A_9 = arith.constant 0 : i32
    %add3A_10 = arith.addi %mul3A_8, %add3A_9 : i32
    "tpu.region"() ({
      %run_scoped3A = tpu.sem_alloc : memref<!tpu.dma_semaphore, #tpu.memory_space<semaphore_mem>>
      %dma_start3A_72 = arith.constant 0 : i32
      %dma_start3A_73 = tpu.memref_slice %arg10[%add3A_10, %dma_start3A_72] : memref<10240x128xf32, #tpu.memory_space<vmem_shared>> -> memref<128x128xf32, #tpu.memory_space<vmem_shared>>
      %dma_start3A_74 = arith.constant 0 : i32
      %dma_start3A_75 = tpu.memref_slice %arg10[%add3A_10, %dma_start3A_74] : memref<10240x128xf32, #tpu.memory_space<vmem_shared>> -> memref<128x128xf32, #tpu.memory_space<vmem_shared>>
      tpu.enqueue_dma source(%arg6 : memref<128x128xf32, #tpu.memory_space<vmem>>) target(%dma_start3A_75 : memref<128x128xf32, #tpu.memory_space<vmem_shared>>) target_semaphore(%run_scoped3A : memref<!tpu.dma_semaphore, #tpu.memory_space<semaphore_mem>>)
      %dma_wait3A_76 = arith.constant 0 : i32
      %dma_wait3A_77 = tpu.memref_slice %arg10[%add3A_10, %dma_wait3A_76] : memref<10240x128xf32, #tpu.memory_space<vmem_shared>> -> memref<128x128xf32, #tpu.memory_space<vmem_shared>>
      %dma_wait3A_78 = arith.constant 0 : i32
      %dma_wait3A_79 = tpu.memref_slice %arg10[%add3A_10, %dma_wait3A_78] : memref<10240x128xf32, #tpu.memory_space<vmem_shared>> -> memref<128x128xf32, #tpu.memory_space<vmem_shared>>
      tpu.wait_dma2 semaphore(%run_scoped3A : memref<!tpu.dma_semaphore, #tpu.memory_space<semaphore_mem>>) src(%arg6 : memref<128x128xf32, #tpu.memory_space<vmem>>) dst(%dma_wait3A_79 : memref<128x128xf32, #tpu.memory_space<vmem_shared>>)
      tpu.yield
    }) : () -> ()
    %mul3A_11 = arith.constant 640 : i32
    %mul3A_12 = arith.muli %arg1, %mul3A_11 : i32
    %add3A_13 = arith.constant 128 : i32
    %add3A_14 = arith.addi %mul3A_12, %add3A_13 : i32
    "tpu.region"() ({
      %run_scoped3A = tpu.sem_alloc : memref<!tpu.dma_semaphore, #tpu.memory_space<semaphore_mem>>
      %dma_start3A_72 = arith.constant 0 : i32
      %dma_start3A_73 = tpu.memref_slice %arg10[%add3A_14, %dma_start3A_72] : memref<10240x128xf32, #tpu.memory_space<vmem_shared>> -> memref<128x128xf32, #tpu.memory_space<vmem_shared>>
      %dma_start3A_74 = arith.constant 0 : i32
      %dma_start3A_75 = tpu.memref_slice %arg10[%add3A_14, %dma_start3A_74] : memref<10240x128xf32, #tpu.memory_space<vmem_shared>> -> memref<128x128xf32, #tpu.memory_space<vmem_shared>>
      tpu.enqueue_dma source(%arg6 : memref<128x128xf32, #tpu.memory_space<vmem>>) target(%dma_start3A_75 : memref<128x128xf32, #tpu.memory_space<vmem_shared>>) target_semaphore(%run_scoped3A : memref<!tpu.dma_semaphore, #tpu.memory_space<semaphore_mem>>)
      %dma_wait3A_76 = arith.constant 0 : i32
      %dma_wait3A_77 = tpu.memref_slice %arg10[%add3A_14, %dma_wait3A_76] : memref<10240x128xf32, #tpu.memory_space<vmem_shared>> -> memref<128x128xf32, #tpu.memory_space<vmem_shared>>
      %dma_wait3A_78 = arith.constant 0 : i32
      %dma_wait3A_79 = tpu.memref_slice %arg10[%add3A_14, %dma_wait3A_78] : memref<10240x128xf32, #tpu.memory_space<vmem_shared>> -> memref<128x128xf32, #tpu.memory_space<vmem_shared>>
      tpu.wait_dma2 semaphore(%run_scoped3A : memref<!tpu.dma_semaphore, #tpu.memory_space<semaphore_mem>>) src(%arg6 : memref<128x128xf32, #tpu.memory_space<vmem>>) dst(%dma_wait3A_79 : memref<128x128xf32, #tpu.memory_space<vmem_shared>>)
      tpu.yield
    }) : () -> ()
    %mul3A_15 = arith.constant 640 : i32
    %mul3A_16 = arith.muli %arg1, %mul3A_15 : i32
    %add3A_17 = arith.constant 256 : i32
    %add3A_18 = arith.addi %mul3A_16, %add3A_17 : i32
    "tpu.region"() ({
      %run_scoped3A = tpu.sem_alloc : memref<!tpu.dma_semaphore, #tpu.memory_space<semaphore_mem>>
      %dma_start3A_72 = arith.constant 0 : i32
      %dma_start3A_73 = tpu.memref_slice %arg10[%add3A_18, %dma_start3A_72] : memref<10240x128xf32, #tpu.memory_space<vmem_shared>> -> memref<128x128xf32, #tpu.memory_space<vmem_shared>>
      %dma_start3A_74 = arith.constant 0 : i32
      %dma_start3A_75 = tpu.memref_slice %arg10[%add3A_18, %dma_start3A_74] : memref<10240x128xf32, #tpu.memory_space<vmem_shared>> -> memref<128x128xf32, #tpu.memory_space<vmem_shared>>
      tpu.enqueue_dma source(%arg6 : memref<128x128xf32, #tpu.memory_space<vmem>>) target(%dma_start3A_75 : memref<128x128xf32, #tpu.memory_space<vmem_shared>>) target_semaphore(%run_scoped3A : memref<!tpu.dma_semaphore, #tpu.memory_space<semaphore_mem>>)
      %dma_wait3A_76 = arith.constant 0 : i32
      %dma_wait3A_77 = tpu.memref_slice %arg10[%add3A_18, %dma_wait3A_76] : memref<10240x128xf32, #tpu.memory_space<vmem_shared>> -> memref<128x128xf32, #tpu.memory_space<vmem_shared>>
      %dma_wait3A_78 = arith.constant 0 : i32
      %dma_wait3A_79 = tpu.memref_slice %arg10[%add3A_18, %dma_wait3A_78] : memref<10240x128xf32, #tpu.memory_space<vmem_shared>> -> memref<128x128xf32, #tpu.memory_space<vmem_shared>>
      tpu.wait_dma2 semaphore(%run_scoped3A : memref<!tpu.dma_semaphore, #tpu.memory_space<semaphore_mem>>) src(%arg6 : memref<128x128xf32, #tpu.memory_space<vmem>>) dst(%dma_wait3A_79 : memref<128x128xf32, #tpu.memory_space<vmem_shared>>)
      tpu.yield
    }) : () -> ()
    %mul3A_19 = arith.constant 640 : i32
    %mul3A_20 = arith.muli %arg1, %mul3A_19 : i32
    %add3A_21 = arith.constant 384 : i32
    %add3A_22 = arith.addi %mul3A_20, %add3A_21 : i32
    "tpu.region"() ({
      %run_scoped3A = tpu.sem_alloc : memref<!tpu.dma_semaphore, #tpu.memory_space<semaphore_mem>>
      %dma_start3A_72 = arith.constant 0 : i32
      %dma_start3A_73 = tpu.memref_slice %arg10[%add3A_22, %dma_start3A_72] : memref<10240x128xf32, #tpu.memory_space<vmem_shared>> -> memref<128x128xf32, #tpu.memory_space<vmem_shared>>
      %dma_start3A_74 = arith.constant 0 : i32
      %dma_start3A_75 = tpu.memref_slice %arg10[%add3A_22, %dma_start3A_74] : memref<10240x128xf32, #tpu.memory_space<vmem_shared>> -> memref<128x128xf32, #tpu.memory_space<vmem_shared>>
      tpu.enqueue_dma source(%arg6 : memref<128x128xf32, #tpu.memory_space<vmem>>) target(%dma_start3A_75 : memref<128x128xf32, #tpu.memory_space<vmem_shared>>) target_semaphore(%run_scoped3A : memref<!tpu.dma_semaphore, #tpu.memory_space<semaphore_mem>>)
      %dma_wait3A_76 = arith.constant 0 : i32
      %dma_wait3A_77 = tpu.memref_slice %arg10[%add3A_22, %dma_wait3A_76] : memref<10240x128xf32, #tpu.memory_space<vmem_shared>> -> memref<128x128xf32, #tpu.memory_space<vmem_shared>>
      %dma_wait3A_78 = arith.constant 0 : i32
      %dma_wait3A_79 = tpu.memref_slice %arg10[%add3A_22, %dma_wait3A_78] : memref<10240x128xf32, #tpu.memory_space<vmem_shared>> -> memref<128x128xf32, #tpu.memory_space<vmem_shared>>
      tpu.wait_dma2 semaphore(%run_scoped3A : memref<!tpu.dma_semaphore, #tpu.memory_space<semaphore_mem>>) src(%arg6 : memref<128x128xf32, #tpu.memory_space<vmem>>) dst(%dma_wait3A_79 : memref<128x128xf32, #tpu.memory_space<vmem_shared>>)
      tpu.yield
    }) : () -> ()
    %mul3A_23 = arith.constant 640 : i32
    %mul3A_24 = arith.muli %arg1, %mul3A_23 : i32
    %add3A_25 = arith.constant 512 : i32
    %add3A_26 = arith.addi %mul3A_24, %add3A_25 : i32
    "tpu.region"() ({
      %run_scoped3A = tpu.sem_alloc : memref<!tpu.dma_semaphore, #tpu.memory_space<semaphore_mem>>
      %dma_start3A_72 = arith.constant 0 : i32
      %dma_start3A_73 = tpu.memref_slice %arg10[%add3A_26, %dma_start3A_72] : memref<10240x128xf32, #tpu.memory_space<vmem_shared>> -> memref<128x128xf32, #tpu.memory_space<vmem_shared>>
      %dma_start3A_74 = arith.constant 0 : i32
      %dma_start3A_75 = tpu.memref_slice %arg10[%add3A_26, %dma_start3A_74] : memref<10240x128xf32, #tpu.memory_space<vmem_shared>> -> memref<128x128xf32, #tpu.memory_space<vmem_shared>>
      tpu.enqueue_dma source(%arg6 : memref<128x128xf32, #tpu.memory_space<vmem>>) target(%dma_start3A_75 : memref<128x128xf32, #tpu.memory_space<vmem_shared>>) target_semaphore(%run_scoped3A : memref<!tpu.dma_semaphore, #tpu.memory_space<semaphore_mem>>)
      %dma_wait3A_76 = arith.constant 0 : i32
      %dma_wait3A_77 = tpu.memref_slice %arg10[%add3A_26, %dma_wait3A_76] : memref<10240x128xf32, #tpu.memory_space<vmem_shared>> -> memref<128x128xf32, #tpu.memory_space<vmem_shared>>
      %dma_wait3A_78 = arith.constant 0 : i32
      %dma_wait3A_79 = tpu.memref_slice %arg10[%add3A_26, %dma_wait3A_78] : memref<10240x128xf32, #tpu.memory_space<vmem_shared>> -> memref<128x128xf32, #tpu.memory_space<vmem_shared>>
      tpu.wait_dma2 semaphore(%run_scoped3A : memref<!tpu.dma_semaphore, #tpu.memory_space<semaphore_mem>>) src(%arg6 : memref<128x128xf32, #tpu.memory_space<vmem>>) dst(%dma_wait3A_79 : memref<128x128xf32, #tpu.memory_space<vmem_shared>>)
      tpu.yield
    }) : () -> ()
    %barrier3A = arith.constant 0 : index
    tpu.barrier barrier_id(%barrier3A)
    "tpu.region"() ({
      %run_scoped3A = tpu.sem_alloc : memref<!tpu.dma_semaphore, #tpu.memory_space<semaphore_mem>>
      %dma_start3A_72 = arith.constant 0 : i32
      %dma_start3A_73 = arith.constant 0 : i32
      %dma_start3A_74 = tpu.memref_slice %arg3[%add3A, %dma_start3A_72, %dma_start3A_73] : memref<32x80x128xi32, #tpu.memory_space<hbm>> -> memref<1x40x128xi32, #tpu.memory_space<hbm>>
      %dma_start3A_75 = tpu.memref_squeeze %dma_start3A_74 : memref<1x40x128xi32, #tpu.memory_space<hbm>> -> memref<40x128xi32, #tpu.memory_space<hbm>>
      %dma_start3A_76 = arith.constant 0 : i32
      %dma_start3A_77 = arith.constant 0 : i32
      %dma_start3A_78 = tpu.memref_slice %arg3[%add3A, %dma_start3A_76, %dma_start3A_77] : memref<32x80x128xi32, #tpu.memory_space<hbm>> -> memref<1x40x128xi32, #tpu.memory_space<hbm>>
      %dma_start3A_79 = tpu.memref_squeeze %dma_start3A_78 : memref<1x40x128xi32, #tpu.memory_space<hbm>> -> memref<40x128xi32, #tpu.memory_space<hbm>>
      tpu.enqueue_dma source(%dma_start3A_79 : memref<40x128xi32, #tpu.memory_space<hbm>>) target(%arg8 : memref<40x128xi32, #tpu.memory_space<vmem>>) target_semaphore(%run_scoped3A : memref<!tpu.dma_semaphore, #tpu.memory_space<semaphore_mem>>)
      %dma_wait3A_80 = arith.constant 0 : i32
      %dma_wait3A_81 = arith.constant 0 : i32
      %dma_wait3A_82 = tpu.memref_slice %arg3[%add3A, %dma_wait3A_80, %dma_wait3A_81] : memref<32x80x128xi32, #tpu.memory_space<hbm>> -> memref<1x40x128xi32, #tpu.memory_space<hbm>>
      %dma_wait3A_83 = tpu.memref_squeeze %dma_wait3A_82 : memref<1x40x128xi32, #tpu.memory_space<hbm>> -> memref<40x128xi32, #tpu.memory_space<hbm>>
      %dma_wait3A_84 = arith.constant 0 : i32
      %dma_wait3A_85 = arith.constant 0 : i32
      %dma_wait3A_86 = tpu.memref_slice %arg3[%add3A, %dma_wait3A_84, %dma_wait3A_85] : memref<32x80x128xi32, #tpu.memory_space<hbm>> -> memref<1x40x128xi32, #tpu.memory_space<hbm>>
      %dma_wait3A_87 = tpu.memref_squeeze %dma_wait3A_86 : memref<1x40x128xi32, #tpu.memory_space<hbm>> -> memref<40x128xi32, #tpu.memory_space<hbm>>
      tpu.wait_dma2 semaphore(%run_scoped3A : memref<!tpu.dma_semaphore, #tpu.memory_space<semaphore_mem>>) src(%dma_wait3A_87 : memref<40x128xi32, #tpu.memory_space<hbm>>) dst(%arg8 : memref<40x128xi32, #tpu.memory_space<vmem>>)
      tpu.yield
    }) : () -> ()
    "tpu.region"() ({
      %run_scoped3A = tpu.sem_alloc : memref<!tpu.dma_semaphore, #tpu.memory_space<semaphore_mem>>
      %dma_start3A_72 = arith.constant 0 : i32
      %dma_start3A_73 = arith.constant 0 : i32
      %dma_start3A_74 = tpu.memref_slice %arg4[%add3A, %dma_start3A_72, %dma_start3A_73] : memref<32x80x128xi32, #tpu.memory_space<hbm>> -> memref<1x40x128xi32, #tpu.memory_space<hbm>>
      %dma_start3A_75 = tpu.memref_squeeze %dma_start3A_74 : memref<1x40x128xi32, #tpu.memory_space<hbm>> -> memref<40x128xi32, #tpu.memory_space<hbm>>
      %dma_start3A_76 = arith.constant 0 : i32
      %dma_start3A_77 = arith.constant 0 : i32
      %dma_start3A_78 = tpu.memref_slice %arg4[%add3A, %dma_start3A_76, %dma_start3A_77] : memref<32x80x128xi32, #tpu.memory_space<hbm>> -> memref<1x40x128xi32, #tpu.memory_space<hbm>>
      %dma_start3A_79 = tpu.memref_squeeze %dma_start3A_78 : memref<1x40x128xi32, #tpu.memory_space<hbm>> -> memref<40x128xi32, #tpu.memory_space<hbm>>
      tpu.enqueue_dma source(%dma_start3A_79 : memref<40x128xi32, #tpu.memory_space<hbm>>) target(%arg9 : memref<40x128xi32, #tpu.memory_space<vmem>>) target_semaphore(%run_scoped3A : memref<!tpu.dma_semaphore, #tpu.memory_space<semaphore_mem>>)
      %dma_wait3A_80 = arith.constant 0 : i32
      %dma_wait3A_81 = arith.constant 0 : i32
      %dma_wait3A_82 = tpu.memref_slice %arg4[%add3A, %dma_wait3A_80, %dma_wait3A_81] : memref<32x80x128xi32, #tpu.memory_space<hbm>> -> memref<1x40x128xi32, #tpu.memory_space<hbm>>
      %dma_wait3A_83 = tpu.memref_squeeze %dma_wait3A_82 : memref<1x40x128xi32, #tpu.memory_space<hbm>> -> memref<40x128xi32, #tpu.memory_space<hbm>>
      %dma_wait3A_84 = arith.constant 0 : i32
      %dma_wait3A_85 = arith.constant 0 : i32
      %dma_wait3A_86 = tpu.memref_slice %arg4[%add3A, %dma_wait3A_84, %dma_wait3A_85] : memref<32x80x128xi32, #tpu.memory_space<hbm>> -> memref<1x40x128xi32, #tpu.memory_space<hbm>>
      %dma_wait3A_87 = tpu.memref_squeeze %dma_wait3A_86 : memref<1x40x128xi32, #tpu.memory_space<hbm>> -> memref<40x128xi32, #tpu.memory_space<hbm>>
      tpu.wait_dma2 semaphore(%run_scoped3A : memref<!tpu.dma_semaphore, #tpu.memory_space<semaphore_mem>>) src(%dma_wait3A_87 : memref<40x128xi32, #tpu.memory_space<hbm>>) dst(%arg9 : memref<40x128xi32, #tpu.memory_space<vmem>>)
      tpu.yield
    }) : () -> ()
    %dma_start3A = arith.constant 0 : i32
    %dma_start3A_27 = arith.constant 0 : i32
    %dma_start3A_28 = tpu.memref_slice %arg8[%dma_start3A, %dma_start3A_27] : memref<40x128xi32, #tpu.memory_space<vmem>> -> memref<1x128xi32, #tpu.memory_space<vmem>>
    %dma_start3A_29 = tpu.memref_squeeze %dma_start3A_28 : memref<1x128xi32, #tpu.memory_space<vmem>> -> memref<128xi32, #tpu.memory_space<vmem>>
    %dma_start3A_30 = arith.constant 0 : i32
    %dma_start3A_31 = arith.constant 0 : i32
    %dma_start3A_32 = tpu.memref_slice %arg2[%dma_start3A_30, %dma_start3A_31] : memref<10000x128xf32, #tpu.memory_space<hbm>> -> memref<10000x128xf32, #tpu.memory_space<hbm>>
    tpu.enqueue_indirect_dma source(%dma_start3A_32 : memref<10000x128xf32, #tpu.memory_space<hbm>>) target(%arg6 : memref<128x128xf32, #tpu.memory_space<vmem>>) offsets(%dma_start3A_29 : memref<128xi32, #tpu.memory_space<vmem>>) semaphore(%arg11 : memref<!tpu.dma_semaphore, #tpu.memory_space<semaphore_mem>>)
    %scan3A_33 = arith.constant 0 : i32
    %scan3A_34 = arith.constant 0 : i32
    %scan3A_35 = arith.constant 20 : i32
    %scan3A_36 = arith.addi %scan3A_34, %scan3A_35 : i32
    %scan3A_37 = arith.constant 1 : i32
    %scan3A_38 = scf.for %scan3A_72 = %scan3A_34 to %scan3A_36 step %scan3A_37 iter_args(%scan3A_73 = %scan3A_33) -> (i32)  : i32 {
      %mul3A_74 = arith.constant 2 : i32
      %mul3A_75 = arith.muli %mul3A_74, %scan3A_72 : i32
      %dma_wait3A_76 = arith.constant 0 : i32
      %dma_wait3A_77 = tpu.memref_slice %arg8[%mul3A_75, %dma_wait3A_76] : memref<40x128xi32, #tpu.memory_space<vmem>> -> memref<1x128xi32, #tpu.memory_space<vmem>>
      %dma_wait3A_78 = tpu.memref_squeeze %dma_wait3A_77 : memref<1x128xi32, #tpu.memory_space<vmem>> -> memref<128xi32, #tpu.memory_space<vmem>>
      %dma_wait3A_79 = arith.constant 0 : i32
      %dma_wait3A_80 = arith.constant 0 : i32
      %dma_wait3A_81 = tpu.memref_slice %arg2[%dma_wait3A_79, %dma_wait3A_80] : memref<10000x128xf32, #tpu.memory_space<hbm>> -> memref<10000x128xf32, #tpu.memory_space<hbm>>
      tpu.wait_indirect_dma semaphore(%arg11 : memref<!tpu.dma_semaphore, #tpu.memory_space<semaphore_mem>>) src(%dma_wait3A_81 : memref<10000x128xf32, #tpu.memory_space<hbm>>) dst(%arg6 : memref<128x128xf32, #tpu.memory_space<vmem>>)
      %gt3A = arith.constant 0 : i32
      %gt3A_82 = arith.cmpi sgt, %scan3A_72, %gt3A : i32
      %convert_element_type3A = arith.extui %gt3A_82 : i1 to i32
      %cond3A = arith.constant 0 : i32
      %cond3A_83 = arith.cmpi ne, %convert_element_type3A, %cond3A : i32
      scf.if %cond3A_83 {
        %dma_wait3A_125 = arith.constant 0 : i32
        %dma_wait3A_126 = tpu.memref_slice %arg9[%mul3A_75, %dma_wait3A_125] : memref<40x128xi32, #tpu.memory_space<vmem>> -> memref<1x128xi32, #tpu.memory_space<vmem>>
        %dma_wait3A_127 = tpu.memref_squeeze %dma_wait3A_126 : memref<1x128xi32, #tpu.memory_space<vmem>> -> memref<128xi32, #tpu.memory_space<vmem>>
        %dma_wait3A_128 = arith.constant 0 : i32
        %dma_wait3A_129 = arith.constant 0 : i32
        %dma_wait3A_130 = tpu.memref_slice %arg10[%dma_wait3A_128, %dma_wait3A_129] : memref<10240x128xf32, #tpu.memory_space<vmem_shared>> -> memref<10240x128xf32, #tpu.memory_space<vmem_shared>>
        tpu.wait_indirect_dma semaphore(%arg14 : memref<!tpu.dma_semaphore, #tpu.memory_space<semaphore_mem>>) src(%arg7 : memref<128x128xf32, #tpu.memory_space<vmem>>) dst(%dma_wait3A_130 : memref<10240x128xf32, #tpu.memory_space<vmem_shared>>)
      } else {
      }
      %add3A_84 = arith.constant 1 : i32
      %add3A_85 = arith.addi %mul3A_75, %add3A_84 : i32
      %dma_start3A_86 = arith.constant 0 : i32
      %dma_start3A_87 = tpu.memref_slice %arg8[%add3A_85, %dma_start3A_86] : memref<40x128xi32, #tpu.memory_space<vmem>> -> memref<1x128xi32, #tpu.memory_space<vmem>>
      %dma_start3A_88 = tpu.memref_squeeze %dma_start3A_87 : memref<1x128xi32, #tpu.memory_space<vmem>> -> memref<128xi32, #tpu.memory_space<vmem>>
      %dma_start3A_89 = arith.constant 0 : i32
      %dma_start3A_90 = arith.constant 0 : i32
      %dma_start3A_91 = tpu.memref_slice %arg2[%dma_start3A_89, %dma_start3A_90] : memref<10000x128xf32, #tpu.memory_space<hbm>> -> memref<10000x128xf32, #tpu.memory_space<hbm>>
      tpu.enqueue_indirect_dma source(%dma_start3A_91 : memref<10000x128xf32, #tpu.memory_space<hbm>>) target(%arg7 : memref<128x128xf32, #tpu.memory_space<vmem>>) offsets(%dma_start3A_88 : memref<128xi32, #tpu.memory_space<vmem>>) semaphore(%arg12 : memref<!tpu.dma_semaphore, #tpu.memory_space<semaphore_mem>>)
      %dma_start3A_92 = arith.constant 0 : i32
      %dma_start3A_93 = tpu.memref_slice %arg9[%mul3A_75, %dma_start3A_92] : memref<40x128xi32, #tpu.memory_space<vmem>> -> memref<1x128xi32, #tpu.memory_space<vmem>>
      %dma_start3A_94 = tpu.memref_squeeze %dma_start3A_93 : memref<1x128xi32, #tpu.memory_space<vmem>> -> memref<128xi32, #tpu.memory_space<vmem>>
      %dma_start3A_95 = arith.constant 0 : i32
      %dma_start3A_96 = arith.constant 0 : i32
      %dma_start3A_97 = tpu.memref_slice %arg10[%dma_start3A_95, %dma_start3A_96] : memref<10240x128xf32, #tpu.memory_space<vmem_shared>> -> memref<10240x128xf32, #tpu.memory_space<vmem_shared>>
      tpu.enqueue_indirect_dma source(%arg6 : memref<128x128xf32, #tpu.memory_space<vmem>>) target(%dma_start3A_97 : memref<10240x128xf32, #tpu.memory_space<vmem_shared>>) offsets(%dma_start3A_94 : memref<128xi32, #tpu.memory_space<vmem>>) semaphore(%arg13 : memref<!tpu.dma_semaphore, #tpu.memory_space<semaphore_mem>>) {add = true}
      %add3A_98 = arith.constant 1 : i32
      %add3A_99 = arith.addi %mul3A_75, %add3A_98 : i32
      %dma_wait3A_100 = arith.constant 0 : i32
      %dma_wait3A_101 = tpu.memref_slice %arg8[%add3A_99, %dma_wait3A_100] : memref<40x128xi32, #tpu.memory_space<vmem>> -> memref<1x128xi32, #tpu.memory_space<vmem>>
      %dma_wait3A_102 = tpu.memref_squeeze %dma_wait3A_101 : memref<1x128xi32, #tpu.memory_space<vmem>> -> memref<128xi32, #tpu.memory_space<vmem>>
      %dma_wait3A_103 = arith.constant 0 : i32
      %dma_wait3A_104 = arith.constant 0 : i32
      %dma_wait3A_105 = tpu.memref_slice %arg2[%dma_wait3A_103, %dma_wait3A_104] : memref<10000x128xf32, #tpu.memory_space<hbm>> -> memref<10000x128xf32, #tpu.memory_space<hbm>>
      tpu.wait_indirect_dma semaphore(%arg12 : memref<!tpu.dma_semaphore, #tpu.memory_space<semaphore_mem>>) src(%dma_wait3A_105 : memref<10000x128xf32, #tpu.memory_space<hbm>>) dst(%arg7 : memref<128x128xf32, #tpu.memory_space<vmem>>)
      %dma_wait3A_106 = arith.constant 0 : i32
      %dma_wait3A_107 = tpu.memref_slice %arg9[%mul3A_75, %dma_wait3A_106] : memref<40x128xi32, #tpu.memory_space<vmem>> -> memref<1x128xi32, #tpu.memory_space<vmem>>
      %dma_wait3A_108 = tpu.memref_squeeze %dma_wait3A_107 : memref<1x128xi32, #tpu.memory_space<vmem>> -> memref<128xi32, #tpu.memory_space<vmem>>
      %dma_wait3A_109 = arith.constant 0 : i32
      %dma_wait3A_110 = arith.constant 0 : i32
      %dma_wait3A_111 = tpu.memref_slice %arg10[%dma_wait3A_109, %dma_wait3A_110] : memref<10240x128xf32, #tpu.memory_space<vmem_shared>> -> memref<10240x128xf32, #tpu.memory_space<vmem_shared>>
      tpu.wait_indirect_dma semaphore(%arg13 : memref<!tpu.dma_semaphore, #tpu.memory_space<semaphore_mem>>) src(%arg6 : memref<128x128xf32, #tpu.memory_space<vmem>>) dst(%dma_wait3A_111 : memref<10240x128xf32, #tpu.memory_space<vmem_shared>>)
      %lt3A = arith.constant 19 : i32
      %lt3A_112 = arith.cmpi slt, %scan3A_72, %lt3A : i32
      %convert_element_type3A_113 = arith.extui %lt3A_112 : i1 to i32
      %cond3A_114 = arith.constant 0 : i32
      %cond3A_115 = arith.cmpi ne, %convert_element_type3A_113, %cond3A_114 : i32
      scf.if %cond3A_115 {
        %add3A_125 = arith.constant 2 : i32
        %add3A_126 = arith.addi %mul3A_75, %add3A_125 : i32
        %dma_start3A_127 = arith.constant 0 : i32
        %dma_start3A_128 = tpu.memref_slice %arg8[%add3A_126, %dma_start3A_127] : memref<40x128xi32, #tpu.memory_space<vmem>> -> memref<1x128xi32, #tpu.memory_space<vmem>>
        %dma_start3A_129 = tpu.memref_squeeze %dma_start3A_128 : memref<1x128xi32, #tpu.memory_space<vmem>> -> memref<128xi32, #tpu.memory_space<vmem>>
        %dma_start3A_130 = arith.constant 0 : i32
        %dma_start3A_131 = arith.constant 0 : i32
        %dma_start3A_132 = tpu.memref_slice %arg2[%dma_start3A_130, %dma_start3A_131] : memref<10000x128xf32, #tpu.memory_space<hbm>> -> memref<10000x128xf32, #tpu.memory_space<hbm>>
        tpu.enqueue_indirect_dma source(%dma_start3A_132 : memref<10000x128xf32, #tpu.memory_space<hbm>>) target(%arg6 : memref<128x128xf32, #tpu.memory_space<vmem>>) offsets(%dma_start3A_129 : memref<128xi32, #tpu.memory_space<vmem>>) semaphore(%arg11 : memref<!tpu.dma_semaphore, #tpu.memory_space<semaphore_mem>>)
      } else {
      }
      %add3A_116 = arith.constant 1 : i32
      %add3A_117 = arith.addi %mul3A_75, %add3A_116 : i32
      %dma_start3A_118 = arith.constant 0 : i32
      %dma_start3A_119 = tpu.memref_slice %arg9[%add3A_117, %dma_start3A_118] : memref<40x128xi32, #tpu.memory_space<vmem>> -> memref<1x128xi32, #tpu.memory_space<vmem>>
      %dma_start3A_120 = tpu.memref_squeeze %dma_start3A_119 : memref<1x128xi32, #tpu.memory_space<vmem>> -> memref<128xi32, #tpu.memory_space<vmem>>
      %dma_start3A_121 = arith.constant 0 : i32
      %dma_start3A_122 = arith.constant 0 : i32
      %dma_start3A_123 = tpu.memref_slice %arg10[%dma_start3A_121, %dma_start3A_122] : memref<10240x128xf32, #tpu.memory_space<vmem_shared>> -> memref<10240x128xf32, #tpu.memory_space<vmem_shared>>
      tpu.enqueue_indirect_dma source(%arg7 : memref<128x128xf32, #tpu.memory_space<vmem>>) target(%dma_start3A_123 : memref<10240x128xf32, #tpu.memory_space<vmem_shared>>) offsets(%dma_start3A_120 : memref<128xi32, #tpu.memory_space<vmem>>) semaphore(%arg14 : memref<!tpu.dma_semaphore, #tpu.memory_space<semaphore_mem>>) {add = true}
      %scan3A_124 = arith.constant 0 : i32
      scf.yield %scan3A_124 : i32
    }
    %scan3A_39 = arith.constant 20 : i32
    %dma_wait3A = arith.constant 39 : i32
    %dma_wait3A_40 = arith.constant 0 : i32
    %dma_wait3A_41 = tpu.memref_slice %arg9[%dma_wait3A, %dma_wait3A_40] : memref<40x128xi32, #tpu.memory_space<vmem>> -> memref<1x128xi32, #tpu.memory_space<vmem>>
    %dma_wait3A_42 = tpu.memref_squeeze %dma_wait3A_41 : memref<1x128xi32, #tpu.memory_space<vmem>> -> memref<128xi32, #tpu.memory_space<vmem>>
    %dma_wait3A_43 = arith.constant 0 : i32
    %dma_wait3A_44 = arith.constant 0 : i32
    %dma_wait3A_45 = tpu.memref_slice %arg10[%dma_wait3A_43, %dma_wait3A_44] : memref<10240x128xf32, #tpu.memory_space<vmem_shared>> -> memref<10240x128xf32, #tpu.memory_space<vmem_shared>>
    tpu.wait_indirect_dma semaphore(%arg14 : memref<!tpu.dma_semaphore, #tpu.memory_space<semaphore_mem>>) src(%arg7 : memref<128x128xf32, #tpu.memory_space<vmem>>) dst(%dma_wait3A_45 : memref<10240x128xf32, #tpu.memory_space<vmem_shared>>)
    "tpu.region"() ({
      %run_scoped3A = tpu.sem_alloc : memref<!tpu.dma_semaphore, #tpu.memory_space<semaphore_mem>>
      %dma_start3A_72 = arith.constant 40 : i32
      %dma_start3A_73 = arith.constant 0 : i32
      %dma_start3A_74 = tpu.memref_slice %arg3[%add3A, %dma_start3A_72, %dma_start3A_73] : memref<32x80x128xi32, #tpu.memory_space<hbm>> -> memref<1x40x128xi32, #tpu.memory_space<hbm>>
      %dma_start3A_75 = tpu.memref_squeeze %dma_start3A_74 : memref<1x40x128xi32, #tpu.memory_space<hbm>> -> memref<40x128xi32, #tpu.memory_space<hbm>>
      %dma_start3A_76 = arith.constant 40 : i32
      %dma_start3A_77 = arith.constant 0 : i32
      %dma_start3A_78 = tpu.memref_slice %arg3[%add3A, %dma_start3A_76, %dma_start3A_77] : memref<32x80x128xi32, #tpu.memory_space<hbm>> -> memref<1x40x128xi32, #tpu.memory_space<hbm>>
      %dma_start3A_79 = tpu.memref_squeeze %dma_start3A_78 : memref<1x40x128xi32, #tpu.memory_space<hbm>> -> memref<40x128xi32, #tpu.memory_space<hbm>>
      tpu.enqueue_dma source(%dma_start3A_79 : memref<40x128xi32, #tpu.memory_space<hbm>>) target(%arg8 : memref<40x128xi32, #tpu.memory_space<vmem>>) target_semaphore(%run_scoped3A : memref<!tpu.dma_semaphore, #tpu.memory_space<semaphore_mem>>)
      %dma_wait3A_80 = arith.constant 40 : i32
      %dma_wait3A_81 = arith.constant 0 : i32
      %dma_wait3A_82 = tpu.memref_slice %arg3[%add3A, %dma_wait3A_80, %dma_wait3A_81] : memref<32x80x128xi32, #tpu.memory_space<hbm>> -> memref<1x40x128xi32, #tpu.memory_space<hbm>>
      %dma_wait3A_83 = tpu.memref_squeeze %dma_wait3A_82 : memref<1x40x128xi32, #tpu.memory_space<hbm>> -> memref<40x128xi32, #tpu.memory_space<hbm>>
      %dma_wait3A_84 = arith.constant 40 : i32
      %dma_wait3A_85 = arith.constant 0 : i32
      %dma_wait3A_86 = tpu.memref_slice %arg3[%add3A, %dma_wait3A_84, %dma_wait3A_85] : memref<32x80x128xi32, #tpu.memory_space<hbm>> -> memref<1x40x128xi32, #tpu.memory_space<hbm>>
      %dma_wait3A_87 = tpu.memref_squeeze %dma_wait3A_86 : memref<1x40x128xi32, #tpu.memory_space<hbm>> -> memref<40x128xi32, #tpu.memory_space<hbm>>
      tpu.wait_dma2 semaphore(%run_scoped3A : memref<!tpu.dma_semaphore, #tpu.memory_space<semaphore_mem>>) src(%dma_wait3A_87 : memref<40x128xi32, #tpu.memory_space<hbm>>) dst(%arg8 : memref<40x128xi32, #tpu.memory_space<vmem>>)
      tpu.yield
    }) : () -> ()
    "tpu.region"() ({
      %run_scoped3A = tpu.sem_alloc : memref<!tpu.dma_semaphore, #tpu.memory_space<semaphore_mem>>
      %dma_start3A_72 = arith.constant 40 : i32
      %dma_start3A_73 = arith.constant 0 : i32
      %dma_start3A_74 = tpu.memref_slice %arg4[%add3A, %dma_start3A_72, %dma_start3A_73] : memref<32x80x128xi32, #tpu.memory_space<hbm>> -> memref<1x40x128xi32, #tpu.memory_space<hbm>>
      %dma_start3A_75 = tpu.memref_squeeze %dma_start3A_74 : memref<1x40x128xi32, #tpu.memory_space<hbm>> -> memref<40x128xi32, #tpu.memory_space<hbm>>
      %dma_start3A_76 = arith.constant 40 : i32
      %dma_start3A_77 = arith.constant 0 : i32
      %dma_start3A_78 = tpu.memref_slice %arg4[%add3A, %dma_start3A_76, %dma_start3A_77] : memref<32x80x128xi32, #tpu.memory_space<hbm>> -> memref<1x40x128xi32, #tpu.memory_space<hbm>>
      %dma_start3A_79 = tpu.memref_squeeze %dma_start3A_78 : memref<1x40x128xi32, #tpu.memory_space<hbm>> -> memref<40x128xi32, #tpu.memory_space<hbm>>
      tpu.enqueue_dma source(%dma_start3A_79 : memref<40x128xi32, #tpu.memory_space<hbm>>) target(%arg9 : memref<40x128xi32, #tpu.memory_space<vmem>>) target_semaphore(%run_scoped3A : memref<!tpu.dma_semaphore, #tpu.memory_space<semaphore_mem>>)
      %dma_wait3A_80 = arith.constant 40 : i32
      %dma_wait3A_81 = arith.constant 0 : i32
      %dma_wait3A_82 = tpu.memref_slice %arg4[%add3A, %dma_wait3A_80, %dma_wait3A_81] : memref<32x80x128xi32, #tpu.memory_space<hbm>> -> memref<1x40x128xi32, #tpu.memory_space<hbm>>
      %dma_wait3A_83 = tpu.memref_squeeze %dma_wait3A_82 : memref<1x40x128xi32, #tpu.memory_space<hbm>> -> memref<40x128xi32, #tpu.memory_space<hbm>>
      %dma_wait3A_84 = arith.constant 40 : i32
      %dma_wait3A_85 = arith.constant 0 : i32
      %dma_wait3A_86 = tpu.memref_slice %arg4[%add3A, %dma_wait3A_84, %dma_wait3A_85] : memref<32x80x128xi32, #tpu.memory_space<hbm>> -> memref<1x40x128xi32, #tpu.memory_space<hbm>>
      %dma_wait3A_87 = tpu.memref_squeeze %dma_wait3A_86 : memref<1x40x128xi32, #tpu.memory_space<hbm>> -> memref<40x128xi32, #tpu.memory_space<hbm>>
      tpu.wait_dma2 semaphore(%run_scoped3A : memref<!tpu.dma_semaphore, #tpu.memory_space<semaphore_mem>>) src(%dma_wait3A_87 : memref<40x128xi32, #tpu.memory_space<hbm>>) dst(%arg9 : memref<40x128xi32, #tpu.memory_space<vmem>>)
      tpu.yield
    }) : () -> ()
    %dma_start3A_46 = arith.constant 0 : i32
    %dma_start3A_47 = arith.constant 0 : i32
    %dma_start3A_48 = tpu.memref_slice %arg8[%dma_start3A_46, %dma_start3A_47] : memref<40x128xi32, #tpu.memory_space<vmem>> -> memref<1x128xi32, #tpu.memory_space<vmem>>
    %dma_start3A_49 = tpu.memref_squeeze %dma_start3A_48 : memref<1x128xi32, #tpu.memory_space<vmem>> -> memref<128xi32, #tpu.memory_space<vmem>>
    %dma_start3A_50 = arith.constant 0 : i32
    %dma_start3A_51 = arith.constant 0 : i32
    %dma_start3A_52 = tpu.memref_slice %arg2[%dma_start3A_50, %dma_start3A_51] : memref<10000x128xf32, #tpu.memory_space<hbm>> -> memref<10000x128xf32, #tpu.memory_space<hbm>>
    tpu.enqueue_indirect_dma source(%dma_start3A_52 : memref<10000x128xf32, #tpu.memory_space<hbm>>) target(%arg6 : memref<128x128xf32, #tpu.memory_space<vmem>>) offsets(%dma_start3A_49 : memref<128xi32, #tpu.memory_space<vmem>>) semaphore(%arg11 : memref<!tpu.dma_semaphore, #tpu.memory_space<semaphore_mem>>)
    %scan3A_53 = arith.constant 0 : i32
    %scan3A_54 = arith.constant 0 : i32
    %scan3A_55 = arith.constant 20 : i32
    %scan3A_56 = arith.addi %scan3A_54, %scan3A_55 : i32
    %scan3A_57 = arith.constant 1 : i32
    %scan3A_58 = scf.for %scan3A_72 = %scan3A_54 to %scan3A_56 step %scan3A_57 iter_args(%scan3A_73 = %scan3A_53) -> (i32)  : i32 {
      %mul3A_74 = arith.constant 2 : i32
      %mul3A_75 = arith.muli %mul3A_74, %scan3A_72 : i32
      %dma_wait3A_76 = arith.constant 0 : i32
      %dma_wait3A_77 = tpu.memref_slice %arg8[%mul3A_75, %dma_wait3A_76] : memref<40x128xi32, #tpu.memory_space<vmem>> -> memref<1x128xi32, #tpu.memory_space<vmem>>
      %dma_wait3A_78 = tpu.memref_squeeze %dma_wait3A_77 : memref<1x128xi32, #tpu.memory_space<vmem>> -> memref<128xi32, #tpu.memory_space<vmem>>
      %dma_wait3A_79 = arith.constant 0 : i32
      %dma_wait3A_80 = arith.constant 0 : i32
      %dma_wait3A_81 = tpu.memref_slice %arg2[%dma_wait3A_79, %dma_wait3A_80] : memref<10000x128xf32, #tpu.memory_space<hbm>> -> memref<10000x128xf32, #tpu.memory_space<hbm>>
      tpu.wait_indirect_dma semaphore(%arg11 : memref<!tpu.dma_semaphore, #tpu.memory_space<semaphore_mem>>) src(%dma_wait3A_81 : memref<10000x128xf32, #tpu.memory_space<hbm>>) dst(%arg6 : memref<128x128xf32, #tpu.memory_space<vmem>>)
      %gt3A = arith.constant 0 : i32
      %gt3A_82 = arith.cmpi sgt, %scan3A_72, %gt3A : i32
      %convert_element_type3A = arith.extui %gt3A_82 : i1 to i32
      %cond3A = arith.constant 0 : i32
      %cond3A_83 = arith.cmpi ne, %convert_element_type3A, %cond3A : i32
      scf.if %cond3A_83 {
        %dma_wait3A_125 = arith.constant 0 : i32
        %dma_wait3A_126 = tpu.memref_slice %arg9[%mul3A_75, %dma_wait3A_125] : memref<40x128xi32, #tpu.memory_space<vmem>> -> memref<1x128xi32, #tpu.memory_space<vmem>>
        %dma_wait3A_127 = tpu.memref_squeeze %dma_wait3A_126 : memref<1x128xi32, #tpu.memory_space<vmem>> -> memref<128xi32, #tpu.memory_space<vmem>>
        %dma_wait3A_128 = arith.constant 0 : i32
        %dma_wait3A_129 = arith.constant 0 : i32
        %dma_wait3A_130 = tpu.memref_slice %arg10[%dma_wait3A_128, %dma_wait3A_129] : memref<10240x128xf32, #tpu.memory_space<vmem_shared>> -> memref<10240x128xf32, #tpu.memory_space<vmem_shared>>
        tpu.wait_indirect_dma semaphore(%arg14 : memref<!tpu.dma_semaphore, #tpu.memory_space<semaphore_mem>>) src(%arg7 : memref<128x128xf32, #tpu.memory_space<vmem>>) dst(%dma_wait3A_130 : memref<10240x128xf32, #tpu.memory_space<vmem_shared>>)
      } else {
      }
      %add3A_84 = arith.constant 1 : i32
      %add3A_85 = arith.addi %mul3A_75, %add3A_84 : i32
      %dma_start3A_86 = arith.constant 0 : i32
      %dma_start3A_87 = tpu.memref_slice %arg8[%add3A_85, %dma_start3A_86] : memref<40x128xi32, #tpu.memory_space<vmem>> -> memref<1x128xi32, #tpu.memory_space<vmem>>
      %dma_start3A_88 = tpu.memref_squeeze %dma_start3A_87 : memref<1x128xi32, #tpu.memory_space<vmem>> -> memref<128xi32, #tpu.memory_space<vmem>>
      %dma_start3A_89 = arith.constant 0 : i32
      %dma_start3A_90 = arith.constant 0 : i32
      %dma_start3A_91 = tpu.memref_slice %arg2[%dma_start3A_89, %dma_start3A_90] : memref<10000x128xf32, #tpu.memory_space<hbm>> -> memref<10000x128xf32, #tpu.memory_space<hbm>>
      tpu.enqueue_indirect_dma source(%dma_start3A_91 : memref<10000x128xf32, #tpu.memory_space<hbm>>) target(%arg7 : memref<128x128xf32, #tpu.memory_space<vmem>>) offsets(%dma_start3A_88 : memref<128xi32, #tpu.memory_space<vmem>>) semaphore(%arg12 : memref<!tpu.dma_semaphore, #tpu.memory_space<semaphore_mem>>)
      %dma_start3A_92 = arith.constant 0 : i32
      %dma_start3A_93 = tpu.memref_slice %arg9[%mul3A_75, %dma_start3A_92] : memref<40x128xi32, #tpu.memory_space<vmem>> -> memref<1x128xi32, #tpu.memory_space<vmem>>
      %dma_start3A_94 = tpu.memref_squeeze %dma_start3A_93 : memref<1x128xi32, #tpu.memory_space<vmem>> -> memref<128xi32, #tpu.memory_space<vmem>>
      %dma_start3A_95 = arith.constant 0 : i32
      %dma_start3A_96 = arith.constant 0 : i32
      %dma_start3A_97 = tpu.memref_slice %arg10[%dma_start3A_95, %dma_start3A_96] : memref<10240x128xf32, #tpu.memory_space<vmem_shared>> -> memref<10240x128xf32, #tpu.memory_space<vmem_shared>>
      tpu.enqueue_indirect_dma source(%arg6 : memref<128x128xf32, #tpu.memory_space<vmem>>) target(%dma_start3A_97 : memref<10240x128xf32, #tpu.memory_space<vmem_shared>>) offsets(%dma_start3A_94 : memref<128xi32, #tpu.memory_space<vmem>>) semaphore(%arg13 : memref<!tpu.dma_semaphore, #tpu.memory_space<semaphore_mem>>) {add = true}
      %add3A_98 = arith.constant 1 : i32
      %add3A_99 = arith.addi %mul3A_75, %add3A_98 : i32
      %dma_wait3A_100 = arith.constant 0 : i32
      %dma_wait3A_101 = tpu.memref_slice %arg8[%add3A_99, %dma_wait3A_100] : memref<40x128xi32, #tpu.memory_space<vmem>> -> memref<1x128xi32, #tpu.memory_space<vmem>>
      %dma_wait3A_102 = tpu.memref_squeeze %dma_wait3A_101 : memref<1x128xi32, #tpu.memory_space<vmem>> -> memref<128xi32, #tpu.memory_space<vmem>>
      %dma_wait3A_103 = arith.constant 0 : i32
      %dma_wait3A_104 = arith.constant 0 : i32
      %dma_wait3A_105 = tpu.memref_slice %arg2[%dma_wait3A_103, %dma_wait3A_104] : memref<10000x128xf32, #tpu.memory_space<hbm>> -> memref<10000x128xf32, #tpu.memory_space<hbm>>
      tpu.wait_indirect_dma semaphore(%arg12 : memref<!tpu.dma_semaphore, #tpu.memory_space<semaphore_mem>>) src(%dma_wait3A_105 : memref<10000x128xf32, #tpu.memory_space<hbm>>) dst(%arg7 : memref<128x128xf32, #tpu.memory_space<vmem>>)
      %dma_wait3A_106 = arith.constant 0 : i32
      %dma_wait3A_107 = tpu.memref_slice %arg9[%mul3A_75, %dma_wait3A_106] : memref<40x128xi32, #tpu.memory_space<vmem>> -> memref<1x128xi32, #tpu.memory_space<vmem>>
      %dma_wait3A_108 = tpu.memref_squeeze %dma_wait3A_107 : memref<1x128xi32, #tpu.memory_space<vmem>> -> memref<128xi32, #tpu.memory_space<vmem>>
      %dma_wait3A_109 = arith.constant 0 : i32
      %dma_wait3A_110 = arith.constant 0 : i32
      %dma_wait3A_111 = tpu.memref_slice %arg10[%dma_wait3A_109, %dma_wait3A_110] : memref<10240x128xf32, #tpu.memory_space<vmem_shared>> -> memref<10240x128xf32, #tpu.memory_space<vmem_shared>>
      tpu.wait_indirect_dma semaphore(%arg13 : memref<!tpu.dma_semaphore, #tpu.memory_space<semaphore_mem>>) src(%arg6 : memref<128x128xf32, #tpu.memory_space<vmem>>) dst(%dma_wait3A_111 : memref<10240x128xf32, #tpu.memory_space<vmem_shared>>)
      %lt3A = arith.constant 19 : i32
      %lt3A_112 = arith.cmpi slt, %scan3A_72, %lt3A : i32
      %convert_element_type3A_113 = arith.extui %lt3A_112 : i1 to i32
      %cond3A_114 = arith.constant 0 : i32
      %cond3A_115 = arith.cmpi ne, %convert_element_type3A_113, %cond3A_114 : i32
      scf.if %cond3A_115 {
        %add3A_125 = arith.constant 2 : i32
        %add3A_126 = arith.addi %mul3A_75, %add3A_125 : i32
        %dma_start3A_127 = arith.constant 0 : i32
        %dma_start3A_128 = tpu.memref_slice %arg8[%add3A_126, %dma_start3A_127] : memref<40x128xi32, #tpu.memory_space<vmem>> -> memref<1x128xi32, #tpu.memory_space<vmem>>
        %dma_start3A_129 = tpu.memref_squeeze %dma_start3A_128 : memref<1x128xi32, #tpu.memory_space<vmem>> -> memref<128xi32, #tpu.memory_space<vmem>>
        %dma_start3A_130 = arith.constant 0 : i32
        %dma_start3A_131 = arith.constant 0 : i32
        %dma_start3A_132 = tpu.memref_slice %arg2[%dma_start3A_130, %dma_start3A_131] : memref<10000x128xf32, #tpu.memory_space<hbm>> -> memref<10000x128xf32, #tpu.memory_space<hbm>>
        tpu.enqueue_indirect_dma source(%dma_start3A_132 : memref<10000x128xf32, #tpu.memory_space<hbm>>) target(%arg6 : memref<128x128xf32, #tpu.memory_space<vmem>>) offsets(%dma_start3A_129 : memref<128xi32, #tpu.memory_space<vmem>>) semaphore(%arg11 : memref<!tpu.dma_semaphore, #tpu.memory_space<semaphore_mem>>)
      } else {
      }
      %add3A_116 = arith.constant 1 : i32
      %add3A_117 = arith.addi %mul3A_75, %add3A_116 : i32
      %dma_start3A_118 = arith.constant 0 : i32
      %dma_start3A_119 = tpu.memref_slice %arg9[%add3A_117, %dma_start3A_118] : memref<40x128xi32, #tpu.memory_space<vmem>> -> memref<1x128xi32, #tpu.memory_space<vmem>>
      %dma_start3A_120 = tpu.memref_squeeze %dma_start3A_119 : memref<1x128xi32, #tpu.memory_space<vmem>> -> memref<128xi32, #tpu.memory_space<vmem>>
      %dma_start3A_121 = arith.constant 0 : i32
      %dma_start3A_122 = arith.constant 0 : i32
      %dma_start3A_123 = tpu.memref_slice %arg10[%dma_start3A_121, %dma_start3A_122] : memref<10240x128xf32, #tpu.memory_space<vmem_shared>> -> memref<10240x128xf32, #tpu.memory_space<vmem_shared>>
      tpu.enqueue_indirect_dma source(%arg7 : memref<128x128xf32, #tpu.memory_space<vmem>>) target(%dma_start3A_123 : memref<10240x128xf32, #tpu.memory_space<vmem_shared>>) offsets(%dma_start3A_120 : memref<128xi32, #tpu.memory_space<vmem>>) semaphore(%arg14 : memref<!tpu.dma_semaphore, #tpu.memory_space<semaphore_mem>>) {add = true}
      %scan3A_124 = arith.constant 0 : i32
      scf.yield %scan3A_124 : i32
    }
    %scan3A_59 = arith.constant 20 : i32
    %dma_wait3A_60 = arith.constant 39 : i32
    %dma_wait3A_61 = arith.constant 0 : i32
    %dma_wait3A_62 = tpu.memref_slice %arg9[%dma_wait3A_60, %dma_wait3A_61] : memref<40x128xi32, #tpu.memory_space<vmem>> -> memref<1x128xi32, #tpu.memory_space<vmem>>
    %dma_wait3A_63 = tpu.memref_squeeze %dma_wait3A_62 : memref<1x128xi32, #tpu.memory_space<vmem>> -> memref<128xi32, #tpu.memory_space<vmem>>
    %dma_wait3A_64 = arith.constant 0 : i32
    %dma_wait3A_65 = arith.constant 0 : i32
    %dma_wait3A_66 = tpu.memref_slice %arg10[%dma_wait3A_64, %dma_wait3A_65] : memref<10240x128xf32, #tpu.memory_space<vmem_shared>> -> memref<10240x128xf32, #tpu.memory_space<vmem_shared>>
    tpu.wait_indirect_dma semaphore(%arg14 : memref<!tpu.dma_semaphore, #tpu.memory_space<semaphore_mem>>) src(%arg7 : memref<128x128xf32, #tpu.memory_space<vmem>>) dst(%dma_wait3A_66 : memref<10240x128xf32, #tpu.memory_space<vmem_shared>>)
    %barrier3A_67 = arith.constant 0 : index
    tpu.barrier barrier_id(%barrier3A_67)
    %mul3A_68 = arith.constant 640 : i32
    %mul3A_69 = arith.muli %arg1, %mul3A_68 : i32
    %mul3A_70 = arith.constant 640 : i32
    %mul3A_71 = arith.muli %arg1, %mul3A_70 : i32
    "tpu.region"() ({
      %run_scoped3A = tpu.sem_alloc : memref<!tpu.dma_semaphore, #tpu.memory_space<semaphore_mem>>
      %dma_start3A_72 = arith.constant 0 : i32
      %dma_start3A_73 = tpu.memref_slice %arg5[%arg0, %mul3A_71, %dma_start3A_72] : memref<2x10240x128xf32, #tpu.memory_space<hbm>> -> memref<1x640x128xf32, #tpu.memory_space<hbm>>
      %dma_start3A_74 = tpu.memref_squeeze %dma_start3A_73 : memref<1x640x128xf32, #tpu.memory_space<hbm>> -> memref<640x128xf32, #tpu.memory_space<hbm>>
      %dma_start3A_75 = arith.constant 0 : i32
      %dma_start3A_76 = tpu.memref_slice %arg10[%mul3A_69, %dma_start3A_75] : memref<10240x128xf32, #tpu.memory_space<vmem_shared>> -> memref<640x128xf32, #tpu.memory_space<vmem_shared>>
      tpu.enqueue_dma source(%dma_start3A_76 : memref<640x128xf32, #tpu.memory_space<vmem_shared>>) target(%dma_start3A_74 : memref<640x128xf32, #tpu.memory_space<hbm>>) target_semaphore(%run_scoped3A : memref<!tpu.dma_semaphore, #tpu.memory_space<semaphore_mem>>)
      %dma_wait3A_77 = arith.constant 0 : i32
      %dma_wait3A_78 = tpu.memref_slice %arg5[%arg0, %mul3A_71, %dma_wait3A_77] : memref<2x10240x128xf32, #tpu.memory_space<hbm>> -> memref<1x640x128xf32, #tpu.memory_space<hbm>>
      %dma_wait3A_79 = tpu.memref_squeeze %dma_wait3A_78 : memref<1x640x128xf32, #tpu.memory_space<hbm>> -> memref<640x128xf32, #tpu.memory_space<hbm>>
      %dma_wait3A_80 = arith.constant 0 : i32
      %dma_wait3A_81 = tpu.memref_slice %arg10[%mul3A_69, %dma_wait3A_80] : memref<10240x128xf32, #tpu.memory_space<vmem_shared>> -> memref<640x128xf32, #tpu.memory_space<vmem_shared>>
      tpu.wait_dma2 semaphore(%run_scoped3A : memref<!tpu.dma_semaphore, #tpu.memory_space<semaphore_mem>>) src(%dma_wait3A_81 : memref<640x128xf32, #tpu.memory_space<vmem_shared>>) dst(%dma_wait3A_79 : memref<640x128xf32, #tpu.memory_space<hbm>>)
      tpu.yield
    }) : () -> ()
    return
  }
}

#map = affine_map<(d0, d1) -> (0, 0)>
#map1 = affine_map<(d0, d1) -> (0, 0, 0)>
module attributes {stable_mosaic.version = 14 : i64} {
  func.func @_sc_scatter(%arg0: i32, %arg1: i32, %arg2: memref<10000x128xf32, #tpu.memory_space<hbm>>, %arg3: memref<32x80x128xi32, #tpu.memory_space<hbm>>, %arg4: memref<32x80x128xi32, #tpu.memory_space<hbm>>, %arg5: memref<2x10240x128xf32, #tpu.memory_space<hbm>>, %arg6: memref<128x128xf32, #tpu.memory_space<vmem>>, %arg7: memref<128x128xf32, #tpu.memory_space<vmem>>, %arg8: memref<40x128xi32, #tpu.memory_space<vmem>>, %arg9: memref<40x128xi32, #tpu.memory_space<vmem>>, %arg10: memref<10240x128xf32, #tpu.memory_space<vmem_shared>>, %arg11: memref<!tpu.dma_semaphore, #tpu.memory_space<semaphore_mem>>, %arg12: memref<!tpu.dma_semaphore, #tpu.memory_space<semaphore_mem>>, %arg13: memref<!tpu.dma_semaphore, #tpu.memory_space<semaphore_mem>>, %arg14: memref<!tpu.dma_semaphore, #tpu.memory_space<semaphore_mem>>) attributes {dimension_semantics = [#tpu.dimension_semantics<core_parallel>, #tpu.dimension_semantics<subcore_parallel>], iteration_bounds = array<i64: 2, 16>, scalar_prefetch = 0 : i64, scratch_operands = 9 : i64, tpu.core_type = #tpu.core_type<sc_vector_subcore>, window_params = [{transform_indices = #map}, {transform_indices = #map1}, {transform_indices = #map1}, {transform_indices = #map1}]} {
    %mul3A = arith.constant 2 : i32
    %mul3A_0 = arith.muli %arg1, %mul3A : i32
    %add3A = arith.addi %mul3A_0, %arg0 : i32
    %scan3A = arith.constant 0 : i32
    %scan3A_1 = arith.constant 0 : i32
    %scan3A_2 = arith.constant 128 : i32
    %scan3A_3 = arith.addi %scan3A_1, %scan3A_2 : i32
    %scan3A_4 = arith.constant 1 : i32
    %scan3A_5 = scf.for %scan3A_72 = %scan3A_1 to %scan3A_3 step %scan3A_4 iter_args(%scan3A_73 = %scan3A) -> (i32)  : i32 {
      %broadcast_in_dim3A = arith.constant 0.000000e+00 : f32
      %broadcast_in_dim3A_74 = vector.broadcast %broadcast_in_dim3A : f32 to vector<16xf32>
      %swap3A = arith.index_cast %scan3A_72 : i32 to index
      %swap3A_75 = arith.constant 0 : index
      %swap3A_76 = tpu.vector_load %arg6[%swap3A, %swap3A_75] {strides = array<i32>} : memref<128x128xf32, #tpu.memory_space<vmem>>, vector<1x16xf32>,
      %swap3A_77 = vector.shape_cast %swap3A_76 : vector<1x16xf32> to vector<16xf32>
      %swap3A_78 = vector.shape_cast %broadcast_in_dim3A_74 : vector<16xf32> to vector<1x16xf32>
      tpu.vector_store %arg6[%swap3A, %swap3A_75], %swap3A_78 {strides = array<i32>} : memref<128x128xf32, #tpu.memory_space<vmem>>, vector<1x16xf32>,
      %broadcast_in_dim3A_79 = arith.constant 0.000000e+00 : f32
      %broadcast_in_dim3A_80 = vector.broadcast %broadcast_in_dim3A_79 : f32 to vector<16xf32>
      %swap3A_81 = arith.index_cast %scan3A_72 : i32 to index
      %swap3A_82 = arith.constant 16 : index
      %swap3A_83 = tpu.vector_load %arg6[%swap3A_81, %swap3A_82] {strides = array<i32>} : memref<128x128xf32, #tpu.memory_space<vmem>>, vector<1x16xf32>,
      %swap3A_84 = vector.shape_cast %swap3A_83 : vector<1x16xf32> to vector<16xf32>
      %swap3A_85 = vector.shape_cast %broadcast_in_dim3A_80 : vector<16xf32> to vector<1x16xf32>
      tpu.vector_store %arg6[%swap3A_81, %swap3A_82], %swap3A_85 {strides = array<i32>} : memref<128x128xf32, #tpu.memory_space<vmem>>, vector<1x16xf32>,
      %broadcast_in_dim3A_86 = arith.constant 0.000000e+00 : f32
      %broadcast_in_dim3A_87 = vector.broadcast %broadcast_in_dim3A_86 : f32 to vector<16xf32>
      %swap3A_88 = arith.index_cast %scan3A_72 : i32 to index
      %swap3A_89 = arith.constant 32 : index
      %swap3A_90 = tpu.vector_load %arg6[%swap3A_88, %swap3A_89] {strides = array<i32>} : memref<128x128xf32, #tpu.memory_space<vmem>>, vector<1x16xf32>,
      %swap3A_91 = vector.shape_cast %swap3A_90 : vector<1x16xf32> to vector<16xf32>
      %swap3A_92 = vector.shape_cast %broadcast_in_dim3A_87 : vector<16xf32> to vector<1x16xf32>
      tpu.vector_store %arg6[%swap3A_88, %swap3A_89], %swap3A_92 {strides = array<i32>} : memref<128x128xf32, #tpu.memory_space<vmem>>, vector<1x16xf32>,
      %broadcast_in_dim3A_93 = arith.constant 0.000000e+00 : f32
      %broadcast_in_dim3A_94 = vector.broadcast %broadcast_in_dim3A_93 : f32 to vector<16xf32>
      %swap3A_95 = arith.index_cast %scan3A_72 : i32 to index
      %swap3A_96 = arith.constant 48 : index
      %swap3A_97 = tpu.vector_load %arg6[%swap3A_95, %swap3A_96] {strides = array<i32>} : memref<128x128xf32, #tpu.memory_space<vmem>>, vector<1x16xf32>,
      %swap3A_98 = vector.shape_cast %swap3A_97 : vector<1x16xf32> to vector<16xf32>
      %swap3A_99 = vector.shape_cast %broadcast_in_dim3A_94 : vector<16xf32> to vector<1x16xf32>
      tpu.vector_store %arg6[%swap3A_95, %swap3A_96], %swap3A_99 {strides = array<i32>} : memref<128x128xf32, #tpu.memory_space<vmem>>, vector<1x16xf32>,
      %broadcast_in_dim3A_100 = arith.constant 0.000000e+00 : f32
      %broadcast_in_dim3A_101 = vector.broadcast %broadcast_in_dim3A_100 : f32 to vector<16xf32>
      %swap3A_102 = arith.index_cast %scan3A_72 : i32 to index
      %swap3A_103 = arith.constant 64 : index
      %swap3A_104 = tpu.vector_load %arg6[%swap3A_102, %swap3A_103] {strides = array<i32>} : memref<128x128xf32, #tpu.memory_space<vmem>>, vector<1x16xf32>,
      %swap3A_105 = vector.shape_cast %swap3A_104 : vector<1x16xf32> to vector<16xf32>
      %swap3A_106 = vector.shape_cast %broadcast_in_dim3A_101 : vector<16xf32> to vector<1x16xf32>
      tpu.vector_store %arg6[%swap3A_102, %swap3A_103], %swap3A_106 {strides = array<i32>} : memref<128x128xf32, #tpu.memory_space<vmem>>, vector<1x16xf32>,
      %broadcast_in_dim3A_107 = arith.constant 0.000000e+00 : f32
      %broadcast_in_dim3A_108 = vector.broadcast %broadcast_in_dim3A_107 : f32 to vector<16xf32>
      %swap3A_109 = arith.index_cast %scan3A_72 : i32 to index
      %swap3A_110 = arith.constant 80 : index
      %swap3A_111 = tpu.vector_load %arg6[%swap3A_109, %swap3A_110] {strides = array<i32>} : memref<128x128xf32, #tpu.memory_space<vmem>>, vector<1x16xf32>,
      %swap3A_112 = vector.shape_cast %swap3A_111 : vector<1x16xf32> to vector<16xf32>
      %swap3A_113 = vector.shape_cast %broadcast_in_dim3A_108 : vector<16xf32> to vector<1x16xf32>
      tpu.vector_store %arg6[%swap3A_109, %swap3A_110], %swap3A_113 {strides = array<i32>} : memref<128x128xf32, #tpu.memory_space<vmem>>, vector<1x16xf32>,
      %broadcast_in_dim3A_114 = arith.constant 0.000000e+00 : f32
      %broadcast_in_dim3A_115 = vector.broadcast %broadcast_in_dim3A_114 : f32 to vector<16xf32>
      %swap3A_116 = arith.index_cast %scan3A_72 : i32 to index
      %swap3A_117 = arith.constant 96 : index
      %swap3A_118 = tpu.vector_load %arg6[%swap3A_116, %swap3A_117] {strides = array<i32>} : memref<128x128xf32, #tpu.memory_space<vmem>>, vector<1x16xf32>,
      %swap3A_119 = vector.shape_cast %swap3A_118 : vector<1x16xf32> to vector<16xf32>
      %swap3A_120 = vector.shape_cast %broadcast_in_dim3A_115 : vector<16xf32> to vector<1x16xf32>
      tpu.vector_store %arg6[%swap3A_116, %swap3A_117], %swap3A_120 {strides = array<i32>} : memref<128x128xf32, #tpu.memory_space<vmem>>, vector<1x16xf32>,
      %broadcast_in_dim3A_121 = arith.constant 0.000000e+00 : f32
      %broadcast_in_dim3A_122 = vector.broadcast %broadcast_in_dim3A_121 : f32 to vector<16xf32>
      %swap3A_123 = arith.index_cast %scan3A_72 : i32 to index
      %swap3A_124 = arith.constant 112 : index
      %swap3A_125 = tpu.vector_load %arg6[%swap3A_123, %swap3A_124] {strides = array<i32>} : memref<128x128xf32, #tpu.memory_space<vmem>>, vector<1x16xf32>,
      %swap3A_126 = vector.shape_cast %swap3A_125 : vector<1x16xf32> to vector<16xf32>
      %swap3A_127 = vector.shape_cast %broadcast_in_dim3A_122 : vector<16xf32> to vector<1x16xf32>
      tpu.vector_store %arg6[%swap3A_123, %swap3A_124], %swap3A_127 {strides = array<i32>} : memref<128x128xf32, #tpu.memory_space<vmem>>, vector<1x16xf32>,
      %scan3A_128 = arith.constant 0 : i32
      scf.yield %scan3A_128 : i32
    }
    %scan3A_6 = arith.constant 128 : i32
    %mul3A_7 = arith.constant 640 : i32
    %mul3A_8 = arith.muli %arg1, %mul3A_7 : i32
    %add3A_9 = arith.constant 0 : i32
    %add3A_10 = arith.addi %mul3A_8, %add3A_9 : i32
    "tpu.region"() ({
      %run_scoped3A = tpu.sem_alloc : memref<!tpu.dma_semaphore, #tpu.memory_space<semaphore_mem>>
      %dma_start3A_72 = arith.constant 0 : i32
      %dma_start3A_73 = tpu.memref_slice %arg10[%add3A_10, %dma_start3A_72] : memref<10240x128xf32, #tpu.memory_space<vmem_shared>> -> memref<128x128xf32, #tpu.memory_space<vmem_shared>>
      %dma_start3A_74 = arith.constant 0 : i32
      %dma_start3A_75 = tpu.memref_slice %arg10[%add3A_10, %dma_start3A_74] : memref<10240x128xf32, #tpu.memory_space<vmem_shared>> -> memref<128x128xf32, #tpu.memory_space<vmem_shared>>
      tpu.enqueue_dma source(%arg6 : memref<128x128xf32, #tpu.memory_space<vmem>>) target(%dma_start3A_75 : memref<128x128xf32, #tpu.memory_space<vmem_shared>>) target_semaphore(%run_scoped3A : memref<!tpu.dma_semaphore, #tpu.memory_space<semaphore_mem>>)
      %dma_wait3A_76 = arith.constant 0 : i32
      %dma_wait3A_77 = tpu.memref_slice %arg10[%add3A_10, %dma_wait3A_76] : memref<10240x128xf32, #tpu.memory_space<vmem_shared>> -> memref<128x128xf32, #tpu.memory_space<vmem_shared>>
      %dma_wait3A_78 = arith.constant 0 : i32
      %dma_wait3A_79 = tpu.memref_slice %arg10[%add3A_10, %dma_wait3A_78] : memref<10240x128xf32, #tpu.memory_space<vmem_shared>> -> memref<128x128xf32, #tpu.memory_space<vmem_shared>>
      tpu.wait_dma2 semaphore(%run_scoped3A : memref<!tpu.dma_semaphore, #tpu.memory_space<semaphore_mem>>) src(%arg6 : memref<128x128xf32, #tpu.memory_space<vmem>>) dst(%dma_wait3A_79 : memref<128x128xf32, #tpu.memory_space<vmem_shared>>)
      tpu.yield
    }) : () -> ()
    %mul3A_11 = arith.constant 640 : i32
    %mul3A_12 = arith.muli %arg1, %mul3A_11 : i32
    %add3A_13 = arith.constant 128 : i32
    %add3A_14 = arith.addi %mul3A_12, %add3A_13 : i32
    "tpu.region"() ({
      %run_scoped3A = tpu.sem_alloc : memref<!tpu.dma_semaphore, #tpu.memory_space<semaphore_mem>>
      %dma_start3A_72 = arith.constant 0 : i32
      %dma_start3A_73 = tpu.memref_slice %arg10[%add3A_14, %dma_start3A_72] : memref<10240x128xf32, #tpu.memory_space<vmem_shared>> -> memref<128x128xf32, #tpu.memory_space<vmem_shared>>
      %dma_start3A_74 = arith.constant 0 : i32
      %dma_start3A_75 = tpu.memref_slice %arg10[%add3A_14, %dma_start3A_74] : memref<10240x128xf32, #tpu.memory_space<vmem_shared>> -> memref<128x128xf32, #tpu.memory_space<vmem_shared>>
      tpu.enqueue_dma source(%arg6 : memref<128x128xf32, #tpu.memory_space<vmem>>) target(%dma_start3A_75 : memref<128x128xf32, #tpu.memory_space<vmem_shared>>) target_semaphore(%run_scoped3A : memref<!tpu.dma_semaphore, #tpu.memory_space<semaphore_mem>>)
      %dma_wait3A_76 = arith.constant 0 : i32
      %dma_wait3A_77 = tpu.memref_slice %arg10[%add3A_14, %dma_wait3A_76] : memref<10240x128xf32, #tpu.memory_space<vmem_shared>> -> memref<128x128xf32, #tpu.memory_space<vmem_shared>>
      %dma_wait3A_78 = arith.constant 0 : i32
      %dma_wait3A_79 = tpu.memref_slice %arg10[%add3A_14, %dma_wait3A_78] : memref<10240x128xf32, #tpu.memory_space<vmem_shared>> -> memref<128x128xf32, #tpu.memory_space<vmem_shared>>
      tpu.wait_dma2 semaphore(%run_scoped3A : memref<!tpu.dma_semaphore, #tpu.memory_space<semaphore_mem>>) src(%arg6 : memref<128x128xf32, #tpu.memory_space<vmem>>) dst(%dma_wait3A_79 : memref<128x128xf32, #tpu.memory_space<vmem_shared>>)
      tpu.yield
    }) : () -> ()
    %mul3A_15 = arith.constant 640 : i32
    %mul3A_16 = arith.muli %arg1, %mul3A_15 : i32
    %add3A_17 = arith.constant 256 : i32
    %add3A_18 = arith.addi %mul3A_16, %add3A_17 : i32
    "tpu.region"() ({
      %run_scoped3A = tpu.sem_alloc : memref<!tpu.dma_semaphore, #tpu.memory_space<semaphore_mem>>
      %dma_start3A_72 = arith.constant 0 : i32
      %dma_start3A_73 = tpu.memref_slice %arg10[%add3A_18, %dma_start3A_72] : memref<10240x128xf32, #tpu.memory_space<vmem_shared>> -> memref<128x128xf32, #tpu.memory_space<vmem_shared>>
      %dma_start3A_74 = arith.constant 0 : i32
      %dma_start3A_75 = tpu.memref_slice %arg10[%add3A_18, %dma_start3A_74] : memref<10240x128xf32, #tpu.memory_space<vmem_shared>> -> memref<128x128xf32, #tpu.memory_space<vmem_shared>>
      tpu.enqueue_dma source(%arg6 : memref<128x128xf32, #tpu.memory_space<vmem>>) target(%dma_start3A_75 : memref<128x128xf32, #tpu.memory_space<vmem_shared>>) target_semaphore(%run_scoped3A : memref<!tpu.dma_semaphore, #tpu.memory_space<semaphore_mem>>)
      %dma_wait3A_76 = arith.constant 0 : i32
      %dma_wait3A_77 = tpu.memref_slice %arg10[%add3A_18, %dma_wait3A_76] : memref<10240x128xf32, #tpu.memory_space<vmem_shared>> -> memref<128x128xf32, #tpu.memory_space<vmem_shared>>
      %dma_wait3A_78 = arith.constant 0 : i32
      %dma_wait3A_79 = tpu.memref_slice %arg10[%add3A_18, %dma_wait3A_78] : memref<10240x128xf32, #tpu.memory_space<vmem_shared>> -> memref<128x128xf32, #tpu.memory_space<vmem_shared>>
      tpu.wait_dma2 semaphore(%run_scoped3A : memref<!tpu.dma_semaphore, #tpu.memory_space<semaphore_mem>>) src(%arg6 : memref<128x128xf32, #tpu.memory_space<vmem>>) dst(%dma_wait3A_79 : memref<128x128xf32, #tpu.memory_space<vmem_shared>>)
      tpu.yield
    }) : () -> ()
    %mul3A_19 = arith.constant 640 : i32
    %mul3A_20 = arith.muli %arg1, %mul3A_19 : i32
    %add3A_21 = arith.constant 384 : i32
    %add3A_22 = arith.addi %mul3A_20, %add3A_21 : i32
    "tpu.region"() ({
      %run_scoped3A = tpu.sem_alloc : memref<!tpu.dma_semaphore, #tpu.memory_space<semaphore_mem>>
      %dma_start3A_72 = arith.constant 0 : i32
      %dma_start3A_73 = tpu.memref_slice %arg10[%add3A_22, %dma_start3A_72] : memref<10240x128xf32, #tpu.memory_space<vmem_shared>> -> memref<128x128xf32, #tpu.memory_space<vmem_shared>>
      %dma_start3A_74 = arith.constant 0 : i32
      %dma_start3A_75 = tpu.memref_slice %arg10[%add3A_22, %dma_start3A_74] : memref<10240x128xf32, #tpu.memory_space<vmem_shared>> -> memref<128x128xf32, #tpu.memory_space<vmem_shared>>
      tpu.enqueue_dma source(%arg6 : memref<128x128xf32, #tpu.memory_space<vmem>>) target(%dma_start3A_75 : memref<128x128xf32, #tpu.memory_space<vmem_shared>>) target_semaphore(%run_scoped3A : memref<!tpu.dma_semaphore, #tpu.memory_space<semaphore_mem>>)
      %dma_wait3A_76 = arith.constant 0 : i32
      %dma_wait3A_77 = tpu.memref_slice %arg10[%add3A_22, %dma_wait3A_76] : memref<10240x128xf32, #tpu.memory_space<vmem_shared>> -> memref<128x128xf32, #tpu.memory_space<vmem_shared>>
      %dma_wait3A_78 = arith.constant 0 : i32
      %dma_wait3A_79 = tpu.memref_slice %arg10[%add3A_22, %dma_wait3A_78] : memref<10240x128xf32, #tpu.memory_space<vmem_shared>> -> memref<128x128xf32, #tpu.memory_space<vmem_shared>>
      tpu.wait_dma2 semaphore(%run_scoped3A : memref<!tpu.dma_semaphore, #tpu.memory_space<semaphore_mem>>) src(%arg6 : memref<128x128xf32, #tpu.memory_space<vmem>>) dst(%dma_wait3A_79 : memref<128x128xf32, #tpu.memory_space<vmem_shared>>)
      tpu.yield
    }) : () -> ()
    %mul3A_23 = arith.constant 640 : i32
    %mul3A_24 = arith.muli %arg1, %mul3A_23 : i32
    %add3A_25 = arith.constant 512 : i32
    %add3A_26 = arith.addi %mul3A_24, %add3A_25 : i32
    "tpu.region"() ({
      %run_scoped3A = tpu.sem_alloc : memref<!tpu.dma_semaphore, #tpu.memory_space<semaphore_mem>>
      %dma_start3A_72 = arith.constant 0 : i32
      %dma_start3A_73 = tpu.memref_slice %arg10[%add3A_26, %dma_start3A_72] : memref<10240x128xf32, #tpu.memory_space<vmem_shared>> -> memref<128x128xf32, #tpu.memory_space<vmem_shared>>
      %dma_start3A_74 = arith.constant 0 : i32
      %dma_start3A_75 = tpu.memref_slice %arg10[%add3A_26, %dma_start3A_74] : memref<10240x128xf32, #tpu.memory_space<vmem_shared>> -> memref<128x128xf32, #tpu.memory_space<vmem_shared>>
      tpu.enqueue_dma source(%arg6 : memref<128x128xf32, #tpu.memory_space<vmem>>) target(%dma_start3A_75 : memref<128x128xf32, #tpu.memory_space<vmem_shared>>) target_semaphore(%run_scoped3A : memref<!tpu.dma_semaphore, #tpu.memory_space<semaphore_mem>>)
      %dma_wait3A_76 = arith.constant 0 : i32
      %dma_wait3A_77 = tpu.memref_slice %arg10[%add3A_26, %dma_wait3A_76] : memref<10240x128xf32, #tpu.memory_space<vmem_shared>> -> memref<128x128xf32, #tpu.memory_space<vmem_shared>>
      %dma_wait3A_78 = arith.constant 0 : i32
      %dma_wait3A_79 = tpu.memref_slice %arg10[%add3A_26, %dma_wait3A_78] : memref<10240x128xf32, #tpu.memory_space<vmem_shared>> -> memref<128x128xf32, #tpu.memory_space<vmem_shared>>
      tpu.wait_dma2 semaphore(%run_scoped3A : memref<!tpu.dma_semaphore, #tpu.memory_space<semaphore_mem>>) src(%arg6 : memref<128x128xf32, #tpu.memory_space<vmem>>) dst(%dma_wait3A_79 : memref<128x128xf32, #tpu.memory_space<vmem_shared>>)
      tpu.yield
    }) : () -> ()
    %barrier3A = arith.constant 0 : index
    tpu.barrier barrier_id(%barrier3A)
    "tpu.region"() ({
      %run_scoped3A = tpu.sem_alloc : memref<!tpu.dma_semaphore, #tpu.memory_space<semaphore_mem>>
      %dma_start3A_72 = arith.constant 0 : i32
      %dma_start3A_73 = arith.constant 0 : i32
      %dma_start3A_74 = tpu.memref_slice %arg3[%add3A, %dma_start3A_72, %dma_start3A_73] : memref<32x80x128xi32, #tpu.memory_space<hbm>> -> memref<1x40x128xi32, #tpu.memory_space<hbm>>
      %dma_start3A_75 = tpu.memref_squeeze %dma_start3A_74 : memref<1x40x128xi32, #tpu.memory_space<hbm>> -> memref<40x128xi32, #tpu.memory_space<hbm>>
      %dma_start3A_76 = arith.constant 0 : i32
      %dma_start3A_77 = arith.constant 0 : i32
      %dma_start3A_78 = tpu.memref_slice %arg3[%add3A, %dma_start3A_76, %dma_start3A_77] : memref<32x80x128xi32, #tpu.memory_space<hbm>> -> memref<1x40x128xi32, #tpu.memory_space<hbm>>
      %dma_start3A_79 = tpu.memref_squeeze %dma_start3A_78 : memref<1x40x128xi32, #tpu.memory_space<hbm>> -> memref<40x128xi32, #tpu.memory_space<hbm>>
      tpu.enqueue_dma source(%dma_start3A_79 : memref<40x128xi32, #tpu.memory_space<hbm>>) target(%arg8 : memref<40x128xi32, #tpu.memory_space<vmem>>) target_semaphore(%run_scoped3A : memref<!tpu.dma_semaphore, #tpu.memory_space<semaphore_mem>>)
      %dma_wait3A_80 = arith.constant 0 : i32
      %dma_wait3A_81 = arith.constant 0 : i32
      %dma_wait3A_82 = tpu.memref_slice %arg3[%add3A, %dma_wait3A_80, %dma_wait3A_81] : memref<32x80x128xi32, #tpu.memory_space<hbm>> -> memref<1x40x128xi32, #tpu.memory_space<hbm>>
      %dma_wait3A_83 = tpu.memref_squeeze %dma_wait3A_82 : memref<1x40x128xi32, #tpu.memory_space<hbm>> -> memref<40x128xi32, #tpu.memory_space<hbm>>
      %dma_wait3A_84 = arith.constant 0 : i32
      %dma_wait3A_85 = arith.constant 0 : i32
      %dma_wait3A_86 = tpu.memref_slice %arg3[%add3A, %dma_wait3A_84, %dma_wait3A_85] : memref<32x80x128xi32, #tpu.memory_space<hbm>> -> memref<1x40x128xi32, #tpu.memory_space<hbm>>
      %dma_wait3A_87 = tpu.memref_squeeze %dma_wait3A_86 : memref<1x40x128xi32, #tpu.memory_space<hbm>> -> memref<40x128xi32, #tpu.memory_space<hbm>>
      tpu.wait_dma2 semaphore(%run_scoped3A : memref<!tpu.dma_semaphore, #tpu.memory_space<semaphore_mem>>) src(%dma_wait3A_87 : memref<40x128xi32, #tpu.memory_space<hbm>>) dst(%arg8 : memref<40x128xi32, #tpu.memory_space<vmem>>)
      tpu.yield
    }) : () -> ()
    "tpu.region"() ({
      %run_scoped3A = tpu.sem_alloc : memref<!tpu.dma_semaphore, #tpu.memory_space<semaphore_mem>>
      %dma_start3A_72 = arith.constant 0 : i32
      %dma_start3A_73 = arith.constant 0 : i32
      %dma_start3A_74 = tpu.memref_slice %arg4[%add3A, %dma_start3A_72, %dma_start3A_73] : memref<32x80x128xi32, #tpu.memory_space<hbm>> -> memref<1x40x128xi32, #tpu.memory_space<hbm>>
      %dma_start3A_75 = tpu.memref_squeeze %dma_start3A_74 : memref<1x40x128xi32, #tpu.memory_space<hbm>> -> memref<40x128xi32, #tpu.memory_space<hbm>>
      %dma_start3A_76 = arith.constant 0 : i32
      %dma_start3A_77 = arith.constant 0 : i32
      %dma_start3A_78 = tpu.memref_slice %arg4[%add3A, %dma_start3A_76, %dma_start3A_77] : memref<32x80x128xi32, #tpu.memory_space<hbm>> -> memref<1x40x128xi32, #tpu.memory_space<hbm>>
      %dma_start3A_79 = tpu.memref_squeeze %dma_start3A_78 : memref<1x40x128xi32, #tpu.memory_space<hbm>> -> memref<40x128xi32, #tpu.memory_space<hbm>>
      tpu.enqueue_dma source(%dma_start3A_79 : memref<40x128xi32, #tpu.memory_space<hbm>>) target(%arg9 : memref<40x128xi32, #tpu.memory_space<vmem>>) target_semaphore(%run_scoped3A : memref<!tpu.dma_semaphore, #tpu.memory_space<semaphore_mem>>)
      %dma_wait3A_80 = arith.constant 0 : i32
      %dma_wait3A_81 = arith.constant 0 : i32
      %dma_wait3A_82 = tpu.memref_slice %arg4[%add3A, %dma_wait3A_80, %dma_wait3A_81] : memref<32x80x128xi32, #tpu.memory_space<hbm>> -> memref<1x40x128xi32, #tpu.memory_space<hbm>>
      %dma_wait3A_83 = tpu.memref_squeeze %dma_wait3A_82 : memref<1x40x128xi32, #tpu.memory_space<hbm>> -> memref<40x128xi32, #tpu.memory_space<hbm>>
      %dma_wait3A_84 = arith.constant 0 : i32
      %dma_wait3A_85 = arith.constant 0 : i32
      %dma_wait3A_86 = tpu.memref_slice %arg4[%add3A, %dma_wait3A_84, %dma_wait3A_85] : memref<32x80x128xi32, #tpu.memory_space<hbm>> -> memref<1x40x128xi32, #tpu.memory_space<hbm>>
      %dma_wait3A_87 = tpu.memref_squeeze %dma_wait3A_86 : memref<1x40x128xi32, #tpu.memory_space<hbm>> -> memref<40x128xi32, #tpu.memory_space<hbm>>
      tpu.wait_dma2 semaphore(%run_scoped3A : memref<!tpu.dma_semaphore, #tpu.memory_space<semaphore_mem>>) src(%dma_wait3A_87 : memref<40x128xi32, #tpu.memory_space<hbm>>) dst(%arg9 : memref<40x128xi32, #tpu.memory_space<vmem>>)
      tpu.yield
    }) : () -> ()
    %dma_start3A = arith.constant 0 : i32
    %dma_start3A_27 = arith.constant 0 : i32
    %dma_start3A_28 = tpu.memref_slice %arg8[%dma_start3A, %dma_start3A_27] : memref<40x128xi32, #tpu.memory_space<vmem>> -> memref<1x128xi32, #tpu.memory_space<vmem>>
    %dma_start3A_29 = tpu.memref_squeeze %dma_start3A_28 : memref<1x128xi32, #tpu.memory_space<vmem>> -> memref<128xi32, #tpu.memory_space<vmem>>
    %dma_start3A_30 = arith.constant 0 : i32
    %dma_start3A_31 = arith.constant 0 : i32
    %dma_start3A_32 = tpu.memref_slice %arg2[%dma_start3A_30, %dma_start3A_31] : memref<10000x128xf32, #tpu.memory_space<hbm>> -> memref<10000x128xf32, #tpu.memory_space<hbm>>
    tpu.enqueue_indirect_dma source(%dma_start3A_32 : memref<10000x128xf32, #tpu.memory_space<hbm>>) target(%arg6 : memref<128x128xf32, #tpu.memory_space<vmem>>) offsets(%dma_start3A_29 : memref<128xi32, #tpu.memory_space<vmem>>) semaphore(%arg11 : memref<!tpu.dma_semaphore, #tpu.memory_space<semaphore_mem>>)
    %scan3A_33 = arith.constant 0 : i32
    %scan3A_34 = arith.constant 0 : i32
    %scan3A_35 = arith.constant 20 : i32
    %scan3A_36 = arith.addi %scan3A_34, %scan3A_35 : i32
    %scan3A_37 = arith.constant 1 : i32
    %scan3A_38 = scf.for %scan3A_72 = %scan3A_34 to %scan3A_36 step %scan3A_37 iter_args(%scan3A_73 = %scan3A_33) -> (i32)  : i32 {
      %mul3A_74 = arith.constant 2 : i32
      %mul3A_75 = arith.muli %mul3A_74, %scan3A_72 : i32
      %dma_wait3A_76 = arith.constant 0 : i32
      %dma_wait3A_77 = tpu.memref_slice %arg8[%mul3A_75, %dma_wait3A_76] : memref<40x128xi32, #tpu.memory_space<vmem>> -> memref<1x128xi32, #tpu.memory_space<vmem>>
      %dma_wait3A_78 = tpu.memref_squeeze %dma_wait3A_77 : memref<1x128xi32, #tpu.memory_space<vmem>> -> memref<128xi32, #tpu.memory_space<vmem>>
      %dma_wait3A_79 = arith.constant 0 : i32
      %dma_wait3A_80 = arith.constant 0 : i32
      %dma_wait3A_81 = tpu.memref_slice %arg2[%dma_wait3A_79, %dma_wait3A_80] : memref<10000x128xf32, #tpu.memory_space<hbm>> -> memref<10000x128xf32, #tpu.memory_space<hbm>>
      tpu.wait_indirect_dma semaphore(%arg11 : memref<!tpu.dma_semaphore, #tpu.memory_space<semaphore_mem>>) src(%dma_wait3A_81 : memref<10000x128xf32, #tpu.memory_space<hbm>>) dst(%arg6 : memref<128x128xf32, #tpu.memory_space<vmem>>)
      %gt3A = arith.constant 0 : i32
      %gt3A_82 = arith.cmpi sgt, %scan3A_72, %gt3A : i32
      %convert_element_type3A = arith.extui %gt3A_82 : i1 to i32
      %cond3A = arith.constant 0 : i32
      %cond3A_83 = arith.cmpi ne, %convert_element_type3A, %cond3A : i32
      scf.if %cond3A_83 {
        %dma_wait3A_125 = arith.constant 0 : i32
        %dma_wait3A_126 = tpu.memref_slice %arg9[%mul3A_75, %dma_wait3A_125] : memref<40x128xi32, #tpu.memory_space<vmem>> -> memref<1x128xi32, #tpu.memory_space<vmem>>
        %dma_wait3A_127 = tpu.memref_squeeze %dma_wait3A_126 : memref<1x128xi32, #tpu.memory_space<vmem>> -> memref<128xi32, #tpu.memory_space<vmem>>
        %dma_wait3A_128 = arith.constant 0 : i32
        %dma_wait3A_129 = arith.constant 0 : i32
        %dma_wait3A_130 = tpu.memref_slice %arg10[%dma_wait3A_128, %dma_wait3A_129] : memref<10240x128xf32, #tpu.memory_space<vmem_shared>> -> memref<10240x128xf32, #tpu.memory_space<vmem_shared>>
        tpu.wait_indirect_dma semaphore(%arg14 : memref<!tpu.dma_semaphore, #tpu.memory_space<semaphore_mem>>) src(%arg7 : memref<128x128xf32, #tpu.memory_space<vmem>>) dst(%dma_wait3A_130 : memref<10240x128xf32, #tpu.memory_space<vmem_shared>>)
      } else {
      }
      %add3A_84 = arith.constant 1 : i32
      %add3A_85 = arith.addi %mul3A_75, %add3A_84 : i32
      %dma_start3A_86 = arith.constant 0 : i32
      %dma_start3A_87 = tpu.memref_slice %arg8[%add3A_85, %dma_start3A_86] : memref<40x128xi32, #tpu.memory_space<vmem>> -> memref<1x128xi32, #tpu.memory_space<vmem>>
      %dma_start3A_88 = tpu.memref_squeeze %dma_start3A_87 : memref<1x128xi32, #tpu.memory_space<vmem>> -> memref<128xi32, #tpu.memory_space<vmem>>
      %dma_start3A_89 = arith.constant 0 : i32
      %dma_start3A_90 = arith.constant 0 : i32
      %dma_start3A_91 = tpu.memref_slice %arg2[%dma_start3A_89, %dma_start3A_90] : memref<10000x128xf32, #tpu.memory_space<hbm>> -> memref<10000x128xf32, #tpu.memory_space<hbm>>
      tpu.enqueue_indirect_dma source(%dma_start3A_91 : memref<10000x128xf32, #tpu.memory_space<hbm>>) target(%arg7 : memref<128x128xf32, #tpu.memory_space<vmem>>) offsets(%dma_start3A_88 : memref<128xi32, #tpu.memory_space<vmem>>) semaphore(%arg12 : memref<!tpu.dma_semaphore, #tpu.memory_space<semaphore_mem>>)
      %dma_start3A_92 = arith.constant 0 : i32
      %dma_start3A_93 = tpu.memref_slice %arg9[%mul3A_75, %dma_start3A_92] : memref<40x128xi32, #tpu.memory_space<vmem>> -> memref<1x128xi32, #tpu.memory_space<vmem>>
      %dma_start3A_94 = tpu.memref_squeeze %dma_start3A_93 : memref<1x128xi32, #tpu.memory_space<vmem>> -> memref<128xi32, #tpu.memory_space<vmem>>
      %dma_start3A_95 = arith.constant 0 : i32
      %dma_start3A_96 = arith.constant 0 : i32
      %dma_start3A_97 = tpu.memref_slice %arg10[%dma_start3A_95, %dma_start3A_96] : memref<10240x128xf32, #tpu.memory_space<vmem_shared>> -> memref<10240x128xf32, #tpu.memory_space<vmem_shared>>
      tpu.enqueue_indirect_dma source(%arg6 : memref<128x128xf32, #tpu.memory_space<vmem>>) target(%dma_start3A_97 : memref<10240x128xf32, #tpu.memory_space<vmem_shared>>) offsets(%dma_start3A_94 : memref<128xi32, #tpu.memory_space<vmem>>) semaphore(%arg13 : memref<!tpu.dma_semaphore, #tpu.memory_space<semaphore_mem>>) {add = true}
      %add3A_98 = arith.constant 1 : i32
      %add3A_99 = arith.addi %mul3A_75, %add3A_98 : i32
      %dma_wait3A_100 = arith.constant 0 : i32
      %dma_wait3A_101 = tpu.memref_slice %arg8[%add3A_99, %dma_wait3A_100] : memref<40x128xi32, #tpu.memory_space<vmem>> -> memref<1x128xi32, #tpu.memory_space<vmem>>
      %dma_wait3A_102 = tpu.memref_squeeze %dma_wait3A_101 : memref<1x128xi32, #tpu.memory_space<vmem>> -> memref<128xi32, #tpu.memory_space<vmem>>
      %dma_wait3A_103 = arith.constant 0 : i32
      %dma_wait3A_104 = arith.constant 0 : i32
      %dma_wait3A_105 = tpu.memref_slice %arg2[%dma_wait3A_103, %dma_wait3A_104] : memref<10000x128xf32, #tpu.memory_space<hbm>> -> memref<10000x128xf32, #tpu.memory_space<hbm>>
      tpu.wait_indirect_dma semaphore(%arg12 : memref<!tpu.dma_semaphore, #tpu.memory_space<semaphore_mem>>) src(%dma_wait3A_105 : memref<10000x128xf32, #tpu.memory_space<hbm>>) dst(%arg7 : memref<128x128xf32, #tpu.memory_space<vmem>>)
      %dma_wait3A_106 = arith.constant 0 : i32
      %dma_wait3A_107 = tpu.memref_slice %arg9[%mul3A_75, %dma_wait3A_106] : memref<40x128xi32, #tpu.memory_space<vmem>> -> memref<1x128xi32, #tpu.memory_space<vmem>>
      %dma_wait3A_108 = tpu.memref_squeeze %dma_wait3A_107 : memref<1x128xi32, #tpu.memory_space<vmem>> -> memref<128xi32, #tpu.memory_space<vmem>>
      %dma_wait3A_109 = arith.constant 0 : i32
      %dma_wait3A_110 = arith.constant 0 : i32
      %dma_wait3A_111 = tpu.memref_slice %arg10[%dma_wait3A_109, %dma_wait3A_110] : memref<10240x128xf32, #tpu.memory_space<vmem_shared>> -> memref<10240x128xf32, #tpu.memory_space<vmem_shared>>
      tpu.wait_indirect_dma semaphore(%arg13 : memref<!tpu.dma_semaphore, #tpu.memory_space<semaphore_mem>>) src(%arg6 : memref<128x128xf32, #tpu.memory_space<vmem>>) dst(%dma_wait3A_111 : memref<10240x128xf32, #tpu.memory_space<vmem_shared>>)
      %lt3A = arith.constant 19 : i32
      %lt3A_112 = arith.cmpi slt, %scan3A_72, %lt3A : i32
      %convert_element_type3A_113 = arith.extui %lt3A_112 : i1 to i32
      %cond3A_114 = arith.constant 0 : i32
      %cond3A_115 = arith.cmpi ne, %convert_element_type3A_113, %cond3A_114 : i32
      scf.if %cond3A_115 {
        %add3A_125 = arith.constant 2 : i32
        %add3A_126 = arith.addi %mul3A_75, %add3A_125 : i32
        %dma_start3A_127 = arith.constant 0 : i32
        %dma_start3A_128 = tpu.memref_slice %arg8[%add3A_126, %dma_start3A_127] : memref<40x128xi32, #tpu.memory_space<vmem>> -> memref<1x128xi32, #tpu.memory_space<vmem>>
        %dma_start3A_129 = tpu.memref_squeeze %dma_start3A_128 : memref<1x128xi32, #tpu.memory_space<vmem>> -> memref<128xi32, #tpu.memory_space<vmem>>
        %dma_start3A_130 = arith.constant 0 : i32
        %dma_start3A_131 = arith.constant 0 : i32
        %dma_start3A_132 = tpu.memref_slice %arg2[%dma_start3A_130, %dma_start3A_131] : memref<10000x128xf32, #tpu.memory_space<hbm>> -> memref<10000x128xf32, #tpu.memory_space<hbm>>
        tpu.enqueue_indirect_dma source(%dma_start3A_132 : memref<10000x128xf32, #tpu.memory_space<hbm>>) target(%arg6 : memref<128x128xf32, #tpu.memory_space<vmem>>) offsets(%dma_start3A_129 : memref<128xi32, #tpu.memory_space<vmem>>) semaphore(%arg11 : memref<!tpu.dma_semaphore, #tpu.memory_space<semaphore_mem>>)
      } else {
      }
      %add3A_116 = arith.constant 1 : i32
      %add3A_117 = arith.addi %mul3A_75, %add3A_116 : i32
      %dma_start3A_118 = arith.constant 0 : i32
      %dma_start3A_119 = tpu.memref_slice %arg9[%add3A_117, %dma_start3A_118] : memref<40x128xi32, #tpu.memory_space<vmem>> -> memref<1x128xi32, #tpu.memory_space<vmem>>
      %dma_start3A_120 = tpu.memref_squeeze %dma_start3A_119 : memref<1x128xi32, #tpu.memory_space<vmem>> -> memref<128xi32, #tpu.memory_space<vmem>>
      %dma_start3A_121 = arith.constant 0 : i32
      %dma_start3A_122 = arith.constant 0 : i32
      %dma_start3A_123 = tpu.memref_slice %arg10[%dma_start3A_121, %dma_start3A_122] : memref<10240x128xf32, #tpu.memory_space<vmem_shared>> -> memref<10240x128xf32, #tpu.memory_space<vmem_shared>>
      tpu.enqueue_indirect_dma source(%arg7 : memref<128x128xf32, #tpu.memory_space<vmem>>) target(%dma_start3A_123 : memref<10240x128xf32, #tpu.memory_space<vmem_shared>>) offsets(%dma_start3A_120 : memref<128xi32, #tpu.memory_space<vmem>>) semaphore(%arg14 : memref<!tpu.dma_semaphore, #tpu.memory_space<semaphore_mem>>) {add = true}
      %scan3A_124 = arith.constant 0 : i32
      scf.yield %scan3A_124 : i32
    }
    %scan3A_39 = arith.constant 20 : i32
    %dma_wait3A = arith.constant 39 : i32
    %dma_wait3A_40 = arith.constant 0 : i32
    %dma_wait3A_41 = tpu.memref_slice %arg9[%dma_wait3A, %dma_wait3A_40] : memref<40x128xi32, #tpu.memory_space<vmem>> -> memref<1x128xi32, #tpu.memory_space<vmem>>
    %dma_wait3A_42 = tpu.memref_squeeze %dma_wait3A_41 : memref<1x128xi32, #tpu.memory_space<vmem>> -> memref<128xi32, #tpu.memory_space<vmem>>
    %dma_wait3A_43 = arith.constant 0 : i32
    %dma_wait3A_44 = arith.constant 0 : i32
    %dma_wait3A_45 = tpu.memref_slice %arg10[%dma_wait3A_43, %dma_wait3A_44] : memref<10240x128xf32, #tpu.memory_space<vmem_shared>> -> memref<10240x128xf32, #tpu.memory_space<vmem_shared>>
    tpu.wait_indirect_dma semaphore(%arg14 : memref<!tpu.dma_semaphore, #tpu.memory_space<semaphore_mem>>) src(%arg7 : memref<128x128xf32, #tpu.memory_space<vmem>>) dst(%dma_wait3A_45 : memref<10240x128xf32, #tpu.memory_space<vmem_shared>>)
    "tpu.region"() ({
      %run_scoped3A = tpu.sem_alloc : memref<!tpu.dma_semaphore, #tpu.memory_space<semaphore_mem>>
      %dma_start3A_72 = arith.constant 40 : i32
      %dma_start3A_73 = arith.constant 0 : i32
      %dma_start3A_74 = tpu.memref_slice %arg3[%add3A, %dma_start3A_72, %dma_start3A_73] : memref<32x80x128xi32, #tpu.memory_space<hbm>> -> memref<1x40x128xi32, #tpu.memory_space<hbm>>
      %dma_start3A_75 = tpu.memref_squeeze %dma_start3A_74 : memref<1x40x128xi32, #tpu.memory_space<hbm>> -> memref<40x128xi32, #tpu.memory_space<hbm>>
      %dma_start3A_76 = arith.constant 40 : i32
      %dma_start3A_77 = arith.constant 0 : i32
      %dma_start3A_78 = tpu.memref_slice %arg3[%add3A, %dma_start3A_76, %dma_start3A_77] : memref<32x80x128xi32, #tpu.memory_space<hbm>> -> memref<1x40x128xi32, #tpu.memory_space<hbm>>
      %dma_start3A_79 = tpu.memref_squeeze %dma_start3A_78 : memref<1x40x128xi32, #tpu.memory_space<hbm>> -> memref<40x128xi32, #tpu.memory_space<hbm>>
      tpu.enqueue_dma source(%dma_start3A_79 : memref<40x128xi32, #tpu.memory_space<hbm>>) target(%arg8 : memref<40x128xi32, #tpu.memory_space<vmem>>) target_semaphore(%run_scoped3A : memref<!tpu.dma_semaphore, #tpu.memory_space<semaphore_mem>>)
      %dma_wait3A_80 = arith.constant 40 : i32
      %dma_wait3A_81 = arith.constant 0 : i32
      %dma_wait3A_82 = tpu.memref_slice %arg3[%add3A, %dma_wait3A_80, %dma_wait3A_81] : memref<32x80x128xi32, #tpu.memory_space<hbm>> -> memref<1x40x128xi32, #tpu.memory_space<hbm>>
      %dma_wait3A_83 = tpu.memref_squeeze %dma_wait3A_82 : memref<1x40x128xi32, #tpu.memory_space<hbm>> -> memref<40x128xi32, #tpu.memory_space<hbm>>
      %dma_wait3A_84 = arith.constant 40 : i32
      %dma_wait3A_85 = arith.constant 0 : i32
      %dma_wait3A_86 = tpu.memref_slice %arg3[%add3A, %dma_wait3A_84, %dma_wait3A_85] : memref<32x80x128xi32, #tpu.memory_space<hbm>> -> memref<1x40x128xi32, #tpu.memory_space<hbm>>
      %dma_wait3A_87 = tpu.memref_squeeze %dma_wait3A_86 : memref<1x40x128xi32, #tpu.memory_space<hbm>> -> memref<40x128xi32, #tpu.memory_space<hbm>>
      tpu.wait_dma2 semaphore(%run_scoped3A : memref<!tpu.dma_semaphore, #tpu.memory_space<semaphore_mem>>) src(%dma_wait3A_87 : memref<40x128xi32, #tpu.memory_space<hbm>>) dst(%arg8 : memref<40x128xi32, #tpu.memory_space<vmem>>)
      tpu.yield
    }) : () -> ()
    "tpu.region"() ({
      %run_scoped3A = tpu.sem_alloc : memref<!tpu.dma_semaphore, #tpu.memory_space<semaphore_mem>>
      %dma_start3A_72 = arith.constant 40 : i32
      %dma_start3A_73 = arith.constant 0 : i32
      %dma_start3A_74 = tpu.memref_slice %arg4[%add3A, %dma_start3A_72, %dma_start3A_73] : memref<32x80x128xi32, #tpu.memory_space<hbm>> -> memref<1x40x128xi32, #tpu.memory_space<hbm>>
      %dma_start3A_75 = tpu.memref_squeeze %dma_start3A_74 : memref<1x40x128xi32, #tpu.memory_space<hbm>> -> memref<40x128xi32, #tpu.memory_space<hbm>>
      %dma_start3A_76 = arith.constant 40 : i32
      %dma_start3A_77 = arith.constant 0 : i32
      %dma_start3A_78 = tpu.memref_slice %arg4[%add3A, %dma_start3A_76, %dma_start3A_77] : memref<32x80x128xi32, #tpu.memory_space<hbm>> -> memref<1x40x128xi32, #tpu.memory_space<hbm>>
      %dma_start3A_79 = tpu.memref_squeeze %dma_start3A_78 : memref<1x40x128xi32, #tpu.memory_space<hbm>> -> memref<40x128xi32, #tpu.memory_space<hbm>>
      tpu.enqueue_dma source(%dma_start3A_79 : memref<40x128xi32, #tpu.memory_space<hbm>>) target(%arg9 : memref<40x128xi32, #tpu.memory_space<vmem>>) target_semaphore(%run_scoped3A : memref<!tpu.dma_semaphore, #tpu.memory_space<semaphore_mem>>)
      %dma_wait3A_80 = arith.constant 40 : i32
      %dma_wait3A_81 = arith.constant 0 : i32
      %dma_wait3A_82 = tpu.memref_slice %arg4[%add3A, %dma_wait3A_80, %dma_wait3A_81] : memref<32x80x128xi32, #tpu.memory_space<hbm>> -> memref<1x40x128xi32, #tpu.memory_space<hbm>>
      %dma_wait3A_83 = tpu.memref_squeeze %dma_wait3A_82 : memref<1x40x128xi32, #tpu.memory_space<hbm>> -> memref<40x128xi32, #tpu.memory_space<hbm>>
      %dma_wait3A_84 = arith.constant 40 : i32
      %dma_wait3A_85 = arith.constant 0 : i32
      %dma_wait3A_86 = tpu.memref_slice %arg4[%add3A, %dma_wait3A_84, %dma_wait3A_85] : memref<32x80x128xi32, #tpu.memory_space<hbm>> -> memref<1x40x128xi32, #tpu.memory_space<hbm>>
      %dma_wait3A_87 = tpu.memref_squeeze %dma_wait3A_86 : memref<1x40x128xi32, #tpu.memory_space<hbm>> -> memref<40x128xi32, #tpu.memory_space<hbm>>
      tpu.wait_dma2 semaphore(%run_scoped3A : memref<!tpu.dma_semaphore, #tpu.memory_space<semaphore_mem>>) src(%dma_wait3A_87 : memref<40x128xi32, #tpu.memory_space<hbm>>) dst(%arg9 : memref<40x128xi32, #tpu.memory_space<vmem>>)
      tpu.yield
    }) : () -> ()
    %dma_start3A_46 = arith.constant 0 : i32
    %dma_start3A_47 = arith.constant 0 : i32
    %dma_start3A_48 = tpu.memref_slice %arg8[%dma_start3A_46, %dma_start3A_47] : memref<40x128xi32, #tpu.memory_space<vmem>> -> memref<1x128xi32, #tpu.memory_space<vmem>>
    %dma_start3A_49 = tpu.memref_squeeze %dma_start3A_48 : memref<1x128xi32, #tpu.memory_space<vmem>> -> memref<128xi32, #tpu.memory_space<vmem>>
    %dma_start3A_50 = arith.constant 0 : i32
    %dma_start3A_51 = arith.constant 0 : i32
    %dma_start3A_52 = tpu.memref_slice %arg2[%dma_start3A_50, %dma_start3A_51] : memref<10000x128xf32, #tpu.memory_space<hbm>> -> memref<10000x128xf32, #tpu.memory_space<hbm>>
    tpu.enqueue_indirect_dma source(%dma_start3A_52 : memref<10000x128xf32, #tpu.memory_space<hbm>>) target(%arg6 : memref<128x128xf32, #tpu.memory_space<vmem>>) offsets(%dma_start3A_49 : memref<128xi32, #tpu.memory_space<vmem>>) semaphore(%arg11 : memref<!tpu.dma_semaphore, #tpu.memory_space<semaphore_mem>>)
    %scan3A_53 = arith.constant 0 : i32
    %scan3A_54 = arith.constant 0 : i32
    %scan3A_55 = arith.constant 20 : i32
    %scan3A_56 = arith.addi %scan3A_54, %scan3A_55 : i32
    %scan3A_57 = arith.constant 1 : i32
    %scan3A_58 = scf.for %scan3A_72 = %scan3A_54 to %scan3A_56 step %scan3A_57 iter_args(%scan3A_73 = %scan3A_53) -> (i32)  : i32 {
      %mul3A_74 = arith.constant 2 : i32
      %mul3A_75 = arith.muli %mul3A_74, %scan3A_72 : i32
      %dma_wait3A_76 = arith.constant 0 : i32
      %dma_wait3A_77 = tpu.memref_slice %arg8[%mul3A_75, %dma_wait3A_76] : memref<40x128xi32, #tpu.memory_space<vmem>> -> memref<1x128xi32, #tpu.memory_space<vmem>>
      %dma_wait3A_78 = tpu.memref_squeeze %dma_wait3A_77 : memref<1x128xi32, #tpu.memory_space<vmem>> -> memref<128xi32, #tpu.memory_space<vmem>>
      %dma_wait3A_79 = arith.constant 0 : i32
      %dma_wait3A_80 = arith.constant 0 : i32
      %dma_wait3A_81 = tpu.memref_slice %arg2[%dma_wait3A_79, %dma_wait3A_80] : memref<10000x128xf32, #tpu.memory_space<hbm>> -> memref<10000x128xf32, #tpu.memory_space<hbm>>
      tpu.wait_indirect_dma semaphore(%arg11 : memref<!tpu.dma_semaphore, #tpu.memory_space<semaphore_mem>>) src(%dma_wait3A_81 : memref<10000x128xf32, #tpu.memory_space<hbm>>) dst(%arg6 : memref<128x128xf32, #tpu.memory_space<vmem>>)
      %gt3A = arith.constant 0 : i32
      %gt3A_82 = arith.cmpi sgt, %scan3A_72, %gt3A : i32
      %convert_element_type3A = arith.extui %gt3A_82 : i1 to i32
      %cond3A = arith.constant 0 : i32
      %cond3A_83 = arith.cmpi ne, %convert_element_type3A, %cond3A : i32
      scf.if %cond3A_83 {
        %dma_wait3A_125 = arith.constant 0 : i32
        %dma_wait3A_126 = tpu.memref_slice %arg9[%mul3A_75, %dma_wait3A_125] : memref<40x128xi32, #tpu.memory_space<vmem>> -> memref<1x128xi32, #tpu.memory_space<vmem>>
        %dma_wait3A_127 = tpu.memref_squeeze %dma_wait3A_126 : memref<1x128xi32, #tpu.memory_space<vmem>> -> memref<128xi32, #tpu.memory_space<vmem>>
        %dma_wait3A_128 = arith.constant 0 : i32
        %dma_wait3A_129 = arith.constant 0 : i32
        %dma_wait3A_130 = tpu.memref_slice %arg10[%dma_wait3A_128, %dma_wait3A_129] : memref<10240x128xf32, #tpu.memory_space<vmem_shared>> -> memref<10240x128xf32, #tpu.memory_space<vmem_shared>>
        tpu.wait_indirect_dma semaphore(%arg14 : memref<!tpu.dma_semaphore, #tpu.memory_space<semaphore_mem>>) src(%arg7 : memref<128x128xf32, #tpu.memory_space<vmem>>) dst(%dma_wait3A_130 : memref<10240x128xf32, #tpu.memory_space<vmem_shared>>)
      } else {
      }
      %add3A_84 = arith.constant 1 : i32
      %add3A_85 = arith.addi %mul3A_75, %add3A_84 : i32
      %dma_start3A_86 = arith.constant 0 : i32
      %dma_start3A_87 = tpu.memref_slice %arg8[%add3A_85, %dma_start3A_86] : memref<40x128xi32, #tpu.memory_space<vmem>> -> memref<1x128xi32, #tpu.memory_space<vmem>>
      %dma_start3A_88 = tpu.memref_squeeze %dma_start3A_87 : memref<1x128xi32, #tpu.memory_space<vmem>> -> memref<128xi32, #tpu.memory_space<vmem>>
      %dma_start3A_89 = arith.constant 0 : i32
      %dma_start3A_90 = arith.constant 0 : i32
      %dma_start3A_91 = tpu.memref_slice %arg2[%dma_start3A_89, %dma_start3A_90] : memref<10000x128xf32, #tpu.memory_space<hbm>> -> memref<10000x128xf32, #tpu.memory_space<hbm>>
      tpu.enqueue_indirect_dma source(%dma_start3A_91 : memref<10000x128xf32, #tpu.memory_space<hbm>>) target(%arg7 : memref<128x128xf32, #tpu.memory_space<vmem>>) offsets(%dma_start3A_88 : memref<128xi32, #tpu.memory_space<vmem>>) semaphore(%arg12 : memref<!tpu.dma_semaphore, #tpu.memory_space<semaphore_mem>>)
      %dma_start3A_92 = arith.constant 0 : i32
      %dma_start3A_93 = tpu.memref_slice %arg9[%mul3A_75, %dma_start3A_92] : memref<40x128xi32, #tpu.memory_space<vmem>> -> memref<1x128xi32, #tpu.memory_space<vmem>>
      %dma_start3A_94 = tpu.memref_squeeze %dma_start3A_93 : memref<1x128xi32, #tpu.memory_space<vmem>> -> memref<128xi32, #tpu.memory_space<vmem>>
      %dma_start3A_95 = arith.constant 0 : i32
      %dma_start3A_96 = arith.constant 0 : i32
      %dma_start3A_97 = tpu.memref_slice %arg10[%dma_start3A_95, %dma_start3A_96] : memref<10240x128xf32, #tpu.memory_space<vmem_shared>> -> memref<10240x128xf32, #tpu.memory_space<vmem_shared>>
      tpu.enqueue_indirect_dma source(%arg6 : memref<128x128xf32, #tpu.memory_space<vmem>>) target(%dma_start3A_97 : memref<10240x128xf32, #tpu.memory_space<vmem_shared>>) offsets(%dma_start3A_94 : memref<128xi32, #tpu.memory_space<vmem>>) semaphore(%arg13 : memref<!tpu.dma_semaphore, #tpu.memory_space<semaphore_mem>>) {add = true}
      %add3A_98 = arith.constant 1 : i32
      %add3A_99 = arith.addi %mul3A_75, %add3A_98 : i32
      %dma_wait3A_100 = arith.constant 0 : i32
      %dma_wait3A_101 = tpu.memref_slice %arg8[%add3A_99, %dma_wait3A_100] : memref<40x128xi32, #tpu.memory_space<vmem>> -> memref<1x128xi32, #tpu.memory_space<vmem>>
      %dma_wait3A_102 = tpu.memref_squeeze %dma_wait3A_101 : memref<1x128xi32, #tpu.memory_space<vmem>> -> memref<128xi32, #tpu.memory_space<vmem>>
      %dma_wait3A_103 = arith.constant 0 : i32
      %dma_wait3A_104 = arith.constant 0 : i32
      %dma_wait3A_105 = tpu.memref_slice %arg2[%dma_wait3A_103, %dma_wait3A_104] : memref<10000x128xf32, #tpu.memory_space<hbm>> -> memref<10000x128xf32, #tpu.memory_space<hbm>>
      tpu.wait_indirect_dma semaphore(%arg12 : memref<!tpu.dma_semaphore, #tpu.memory_space<semaphore_mem>>) src(%dma_wait3A_105 : memref<10000x128xf32, #tpu.memory_space<hbm>>) dst(%arg7 : memref<128x128xf32, #tpu.memory_space<vmem>>)
      %dma_wait3A_106 = arith.constant 0 : i32
      %dma_wait3A_107 = tpu.memref_slice %arg9[%mul3A_75, %dma_wait3A_106] : memref<40x128xi32, #tpu.memory_space<vmem>> -> memref<1x128xi32, #tpu.memory_space<vmem>>
      %dma_wait3A_108 = tpu.memref_squeeze %dma_wait3A_107 : memref<1x128xi32, #tpu.memory_space<vmem>> -> memref<128xi32, #tpu.memory_space<vmem>>
      %dma_wait3A_109 = arith.constant 0 : i32
      %dma_wait3A_110 = arith.constant 0 : i32
      %dma_wait3A_111 = tpu.memref_slice %arg10[%dma_wait3A_109, %dma_wait3A_110] : memref<10240x128xf32, #tpu.memory_space<vmem_shared>> -> memref<10240x128xf32, #tpu.memory_space<vmem_shared>>
      tpu.wait_indirect_dma semaphore(%arg13 : memref<!tpu.dma_semaphore, #tpu.memory_space<semaphore_mem>>) src(%arg6 : memref<128x128xf32, #tpu.memory_space<vmem>>) dst(%dma_wait3A_111 : memref<10240x128xf32, #tpu.memory_space<vmem_shared>>)
      %lt3A = arith.constant 19 : i32
      %lt3A_112 = arith.cmpi slt, %scan3A_72, %lt3A : i32
      %convert_element_type3A_113 = arith.extui %lt3A_112 : i1 to i32
      %cond3A_114 = arith.constant 0 : i32
      %cond3A_115 = arith.cmpi ne, %convert_element_type3A_113, %cond3A_114 : i32
      scf.if %cond3A_115 {
        %add3A_125 = arith.constant 2 : i32
        %add3A_126 = arith.addi %mul3A_75, %add3A_125 : i32
        %dma_start3A_127 = arith.constant 0 : i32
        %dma_start3A_128 = tpu.memref_slice %arg8[%add3A_126, %dma_start3A_127] : memref<40x128xi32, #tpu.memory_space<vmem>> -> memref<1x128xi32, #tpu.memory_space<vmem>>
        %dma_start3A_129 = tpu.memref_squeeze %dma_start3A_128 : memref<1x128xi32, #tpu.memory_space<vmem>> -> memref<128xi32, #tpu.memory_space<vmem>>
        %dma_start3A_130 = arith.constant 0 : i32
        %dma_start3A_131 = arith.constant 0 : i32
        %dma_start3A_132 = tpu.memref_slice %arg2[%dma_start3A_130, %dma_start3A_131] : memref<10000x128xf32, #tpu.memory_space<hbm>> -> memref<10000x128xf32, #tpu.memory_space<hbm>>
        tpu.enqueue_indirect_dma source(%dma_start3A_132 : memref<10000x128xf32, #tpu.memory_space<hbm>>) target(%arg6 : memref<128x128xf32, #tpu.memory_space<vmem>>) offsets(%dma_start3A_129 : memref<128xi32, #tpu.memory_space<vmem>>) semaphore(%arg11 : memref<!tpu.dma_semaphore, #tpu.memory_space<semaphore_mem>>)
      } else {
      }
      %add3A_116 = arith.constant 1 : i32
      %add3A_117 = arith.addi %mul3A_75, %add3A_116 : i32
      %dma_start3A_118 = arith.constant 0 : i32
      %dma_start3A_119 = tpu.memref_slice %arg9[%add3A_117, %dma_start3A_118] : memref<40x128xi32, #tpu.memory_space<vmem>> -> memref<1x128xi32, #tpu.memory_space<vmem>>
      %dma_start3A_120 = tpu.memref_squeeze %dma_start3A_119 : memref<1x128xi32, #tpu.memory_space<vmem>> -> memref<128xi32, #tpu.memory_space<vmem>>
      %dma_start3A_121 = arith.constant 0 : i32
      %dma_start3A_122 = arith.constant 0 : i32
      %dma_start3A_123 = tpu.memref_slice %arg10[%dma_start3A_121, %dma_start3A_122] : memref<10240x128xf32, #tpu.memory_space<vmem_shared>> -> memref<10240x128xf32, #tpu.memory_space<vmem_shared>>
      tpu.enqueue_indirect_dma source(%arg7 : memref<128x128xf32, #tpu.memory_space<vmem>>) target(%dma_start3A_123 : memref<10240x128xf32, #tpu.memory_space<vmem_shared>>) offsets(%dma_start3A_120 : memref<128xi32, #tpu.memory_space<vmem>>) semaphore(%arg14 : memref<!tpu.dma_semaphore, #tpu.memory_space<semaphore_mem>>) {add = true}
      %scan3A_124 = arith.constant 0 : i32
      scf.yield %scan3A_124 : i32
    }
    %scan3A_59 = arith.constant 20 : i32
    %dma_wait3A_60 = arith.constant 39 : i32
    %dma_wait3A_61 = arith.constant 0 : i32
    %dma_wait3A_62 = tpu.memref_slice %arg9[%dma_wait3A_60, %dma_wait3A_61] : memref<40x128xi32, #tpu.memory_space<vmem>> -> memref<1x128xi32, #tpu.memory_space<vmem>>
    %dma_wait3A_63 = tpu.memref_squeeze %dma_wait3A_62 : memref<1x128xi32, #tpu.memory_space<vmem>> -> memref<128xi32, #tpu.memory_space<vmem>>
    %dma_wait3A_64 = arith.constant 0 : i32
    %dma_wait3A_65 = arith.constant 0 : i32
    %dma_wait3A_66 = tpu.memref_slice %arg10[%dma_wait3A_64, %dma_wait3A_65] : memref<10240x128xf32, #tpu.memory_space<vmem_shared>> -> memref<10240x128xf32, #tpu.memory_space<vmem_shared>>
    tpu.wait_indirect_dma semaphore(%arg14 : memref<!tpu.dma_semaphore, #tpu.memory_space<semaphore_mem>>) src(%arg7 : memref<128x128xf32, #tpu.memory_space<vmem>>) dst(%dma_wait3A_66 : memref<10240x128xf32, #tpu.memory_space<vmem_shared>>)
    %barrier3A_67 = arith.constant 0 : index
    tpu.barrier barrier_id(%barrier3A_67)
    %mul3A_68 = arith.constant 640 : i32
    %mul3A_69 = arith.muli %arg1, %mul3A_68 : i32
    %mul3A_70 = arith.constant 640 : i32
    %mul3A_71 = arith.muli %arg1, %mul3A_70 : i32
    "tpu.region"() ({
      %run_scoped3A = tpu.sem_alloc : memref<!tpu.dma_semaphore, #tpu.memory_space<semaphore_mem>>
      %dma_start3A_72 = arith.constant 0 : i32
      %dma_start3A_73 = tpu.memref_slice %arg5[%arg0, %mul3A_71, %dma_start3A_72] : memref<2x10240x128xf32, #tpu.memory_space<hbm>> -> memref<1x640x128xf32, #tpu.memory_space<hbm>>
      %dma_start3A_74 = tpu.memref_squeeze %dma_start3A_73 : memref<1x640x128xf32, #tpu.memory_space<hbm>> -> memref<640x128xf32, #tpu.memory_space<hbm>>
      %dma_start3A_75 = arith.constant 0 : i32
      %dma_start3A_76 = tpu.memref_slice %arg10[%mul3A_69, %dma_start3A_75] : memref<10240x128xf32, #tpu.memory_space<vmem_shared>> -> memref<640x128xf32, #tpu.memory_space<vmem_shared>>
      tpu.enqueue_dma source(%dma_start3A_76 : memref<640x128xf32, #tpu.memory_space<vmem_shared>>) target(%dma_start3A_74 : memref<640x128xf32, #tpu.memory_space<hbm>>) target_semaphore(%run_scoped3A : memref<!tpu.dma_semaphore, #tpu.memory_space<semaphore_mem>>)
      %dma_wait3A_77 = arith.constant 0 : i32
      %dma_wait3A_78 = tpu.memref_slice %arg5[%arg0, %mul3A_71, %dma_wait3A_77] : memref<2x10240x128xf32, #tpu.memory_space<hbm>> -> memref<1x640x128xf32, #tpu.memory_space<hbm>>
      %dma_wait3A_79 = tpu.memref_squeeze %dma_wait3A_78 : memref<1x640x128xf32, #tpu.memory_space<hbm>> -> memref<640x128xf32, #tpu.memory_space<hbm>>
      %dma_wait3A_80 = arith.constant 0 : i32
      %dma_wait3A_81 = tpu.memref_slice %arg10[%mul3A_69, %dma_wait3A_80] : memref<10240x128xf32, #tpu.memory_space<vmem_shared>> -> memref<640x128xf32, #tpu.memory_space<vmem_shared>>
      tpu.wait_dma2 semaphore(%run_scoped3A : memref<!tpu.dma_semaphore, #tpu.memory_space<semaphore_mem>>) src(%dma_wait3A_81 : memref<640x128xf32, #tpu.memory_space<vmem_shared>>) dst(%dma_wait3A_79 : memref<640x128xf32, #tpu.memory_space<hbm>>)
      tpu.yield
    }) : () -> ()
    return
  }
}

module attributes {stable_mosaic.version = 14 : i64} {
  func.func @_tc_first_body(%arg0: i32, %arg1: memref<1000x128xf32, #tpu.memory_space<vmem>>, %arg2: memref<128x128xf32, #tpu.memory_space<vmem>>, %arg3: memref<2x1000x128xf32, #tpu.memory_space<vmem>>, %arg4: memref<1000x128xf32, #tpu.memory_space<vmem>>) attributes {dimension_semantics = [#tpu.dimension_semantics<arbitrary>], iteration_bounds = array<i64: 10>, scalar_prefetch = 0 : i64, scratch_operands = 0 : i64, tpu.core_type = #tpu.core_type<tc>, window_params = [{transform_indices = @transform_0, window_bounds = array<i64: 1000, 128>}, {pipeline_mode = #tpu.pipeline_mode<synchronous>, transform_indices = @transform_1, window_bounds = array<i64: 128, 128>}, {transform_indices = @transform_2, window_bounds = array<i64: 2, 1000, 128>}, {transform_indices = @transform_3, window_bounds = array<i64: 1000, 128>}]} {
    %get3A = arith.constant 0 : index
    %get3A_0 = arith.constant 0 : index
    %get3A_1 = arith.constant 0 : index
    %get3A_2 = vector.load %arg3[%get3A, %get3A_0, %get3A_1] : memref<2x1000x128xf32, #tpu.memory_space<vmem>>, vector<1x1000x1xf32>
    %get3A_3 = vector.shape_cast %get3A_2 : vector<1x1000x1xf32> to vector<1000x1xf32>
    %get3A_4 = arith.constant 1 : index
    %get3A_5 = arith.constant 0 : index
    %get3A_6 = arith.constant 0 : index
    %get3A_7 = vector.load %arg3[%get3A_4, %get3A_5, %get3A_6] : memref<2x1000x128xf32, #tpu.memory_space<vmem>>, vector<1x1000x1xf32>
    %get3A_8 = vector.shape_cast %get3A_7 : vector<1x1000x1xf32> to vector<1000x1xf32>
    %add3A = arith.addf %get3A_3, %get3A_8 : vector<1000x1xf32>
    %add3A_9 = arith.constant 1.000000e+00 : f32
    %add3A_10 = vector.broadcast %add3A_9 : f32 to vector<1000x1xf32>
    %add3A_11 = arith.addf %add3A, %add3A_10 : vector<1000x1xf32>
    %rsqrt3A = math.rsqrt %add3A_11 : vector<1000x1xf32>
    %get3A_12 = arith.constant 0 : index
    %get3A_13 = arith.constant 0 : index
    %get3A_14 = vector.load %arg1[%get3A_12, %get3A_13] : memref<1000x128xf32, #tpu.memory_space<vmem>>, vector<1000x128xf32>
    %get3A_15 = arith.constant 0 : index
    %get3A_16 = arith.constant 0 : index
    %get3A_17 = vector.load %arg2[%get3A_15, %get3A_16] : memref<128x128xf32, #tpu.memory_space<vmem>>, vector<128x128xf32>
    %dot_general3A = arith.constant dense<0.000000e+00> : vector<1000x128xf32>
    %dot_general3A_18 = tpu.matmul %get3A_14, %get3A_17, %dot_general3A {dimension_numbers = #tpu.dot_dimension_numbers<[1], [0], [0], [1], [0, 0, 1, 1], [], []>, transpose_lhs_hint = false} : vector<1000x128xf32>, vector<128x128xf32>, vector<1000x128xf32> -> vector<1000x128xf32>
    %mul3A = vector.broadcast %rsqrt3A : vector<1000x1xf32> to vector<1000x128xf32>
    %mul3A_19 = arith.mulf %dot_general3A_18, %mul3A : vector<1000x128xf32>
    %swap3A = arith.constant 0 : index
    %swap3A_20 = arith.constant 0 : index
    %swap3A_21 = vector.load %arg4[%swap3A, %swap3A_20] : memref<1000x128xf32, #tpu.memory_space<vmem>>, vector<1000x128xf32>
    tpu.vector_store %arg4[%swap3A, %swap3A_20], %mul3A_19 {strides = array<i32>} : memref<1000x128xf32, #tpu.memory_space<vmem>>, vector<1000x128xf32>,
    return
  }
  func.func @transform_0(%arg0: i32) -> (i32, i32) {
    %c0_i32 = arith.constant 0 : i32
    %c0_i32_0 = arith.constant 0 : i32
    return %arg0, %c0_i32 : i32, i32
  }
  func.func @transform_1(%arg0: i32) -> (i32, i32) {
    %c0_i32 = arith.constant 0 : i32
    %c0_i32_0 = arith.constant 0 : i32
    %c0_i32_1 = arith.constant 0 : i32
    return %c0_i32, %c0_i32_0 : i32, i32
  }
  func.func @transform_2(%arg0: i32) -> (i32, i32, i32) {
    %c0_i32 = arith.constant 0 : i32
    %c0_i32_0 = arith.constant 0 : i32
    %c0_i32_1 = arith.constant 0 : i32
    return %c0_i32, %arg0, %c0_i32_0 : i32, i32, i32
  }
  func.func @transform_3(%arg0: i32) -> (i32, i32) {
    %c0_i32 = arith.constant 0 : i32
    %c0_i32_0 = arith.constant 0 : i32
    return %arg0, %c0_i32 : i32, i32
  }
}

module attributes {stable_mosaic.version = 14 : i64} {
  func.func @_tc_mid_body(%arg0: i32, %arg1: memref<2x1000x128xf32, #tpu.memory_space<vmem>>, %arg2: memref<1000x128xf32, #tpu.memory_space<vmem>>, %arg3: memref<2x1000x128xf32, #tpu.memory_space<vmem>>, %arg4: memref<1x128xf32, #tpu.memory_space<vmem>>, %arg5: memref<128x128xf32, #tpu.memory_space<vmem>>, %arg6: memref<1000x128xf32, #tpu.memory_space<vmem>>) attributes {dimension_semantics = [#tpu.dimension_semantics<arbitrary>], iteration_bounds = array<i64: 10>, scalar_prefetch = 0 : i64, scratch_operands = 0 : i64, tpu.core_type = #tpu.core_type<tc>, window_params = [{transform_indices = @transform_0, window_bounds = array<i64: 2, 1000, 128>}, {transform_indices = @transform_1, window_bounds = array<i64: 1000, 128>}, {transform_indices = @transform_2, window_bounds = array<i64: 2, 1000, 128>}, {pipeline_mode = #tpu.pipeline_mode<synchronous>, transform_indices = @transform_3, window_bounds = array<i64: 1, 128>}, {pipeline_mode = #tpu.pipeline_mode<synchronous>, transform_indices = @transform_4, window_bounds = array<i64: 128, 128>}, {transform_indices = @transform_5, window_bounds = array<i64: 1000, 128>}]} {
    %get3A = arith.constant 0 : index
    %get3A_0 = arith.constant 0 : index
    %get3A_1 = arith.constant 0 : index
    %get3A_2 = vector.load %arg3[%get3A, %get3A_0, %get3A_1] : memref<2x1000x128xf32, #tpu.memory_space<vmem>>, vector<1x1000x1xf32>
    %get3A_3 = vector.shape_cast %get3A_2 : vector<1x1000x1xf32> to vector<1000x1xf32>
    %get3A_4 = arith.constant 1 : index
    %get3A_5 = arith.constant 0 : index
    %get3A_6 = arith.constant 0 : index
    %get3A_7 = vector.load %arg3[%get3A_4, %get3A_5, %get3A_6] : memref<2x1000x128xf32, #tpu.memory_space<vmem>>, vector<1x1000x1xf32>
    %get3A_8 = vector.shape_cast %get3A_7 : vector<1x1000x1xf32> to vector<1000x1xf32>
    %add3A = arith.addf %get3A_3, %get3A_8 : vector<1000x1xf32>
    %add3A_9 = arith.constant 1.000000e+00 : f32
    %add3A_10 = vector.broadcast %add3A_9 : f32 to vector<1000x1xf32>
    %add3A_11 = arith.addf %add3A, %add3A_10 : vector<1000x1xf32>
    %rsqrt3A = math.rsqrt %add3A_11 : vector<1000x1xf32>
    %get3A_12 = arith.constant 0 : index
    %get3A_13 = arith.constant 0 : index
    %get3A_14 = arith.constant 0 : index
    %get3A_15 = vector.load %arg1[%get3A_12, %get3A_13, %get3A_14] : memref<2x1000x128xf32, #tpu.memory_space<vmem>>, vector<1x1000x128xf32>
    %get3A_16 = vector.shape_cast %get3A_15 : vector<1x1000x128xf32> to vector<1000x128xf32>
    %get3A_17 = arith.constant 1 : index
    %get3A_18 = arith.constant 0 : index
    %get3A_19 = arith.constant 0 : index
    %get3A_20 = vector.load %arg1[%get3A_17, %get3A_18, %get3A_19] : memref<2x1000x128xf32, #tpu.memory_space<vmem>>, vector<1x1000x128xf32>
    %get3A_21 = vector.shape_cast %get3A_20 : vector<1x1000x128xf32> to vector<1000x128xf32>
    %add3A_22 = arith.addf %get3A_16, %get3A_21 : vector<1000x128xf32>
    %get3A_23 = arith.constant 0 : index
    %get3A_24 = arith.constant 0 : index
    %get3A_25 = vector.load %arg2[%get3A_23, %get3A_24] : memref<1000x128xf32, #tpu.memory_space<vmem>>, vector<1000x128xf32>
    %add3A_26 = arith.addf %add3A_22, %get3A_25 : vector<1000x128xf32>
    %mul3A = vector.broadcast %rsqrt3A : vector<1000x1xf32> to vector<1000x128xf32>
    %mul3A_27 = arith.mulf %add3A_26, %mul3A : vector<1000x128xf32>
    %get3A_28 = arith.constant 0 : index
    %get3A_29 = arith.constant 0 : index
    %get3A_30 = vector.load %arg4[%get3A_28, %get3A_29] : memref<1x128xf32, #tpu.memory_space<vmem>>, vector<1x128xf32>
    %add3A_31 = vector.broadcast %get3A_30 : vector<1x128xf32> to vector<1000x128xf32>
    %add3A_32 = arith.addf %mul3A_27, %add3A_31 : vector<1000x128xf32>
    %max3A = arith.constant 0.000000e+00 : f32
    %max3A_33 = vector.broadcast %max3A : f32 to vector<1000x128xf32>
    %max3A_34 = arith.maximumf %add3A_32, %max3A_33 : vector<1000x128xf32>
    %get3A_35 = arith.constant 0 : index
    %get3A_36 = arith.constant 0 : index
    %get3A_37 = vector.load %arg5[%get3A_35, %get3A_36] : memref<128x128xf32, #tpu.memory_space<vmem>>, vector<128x128xf32>
    %dot_general3A = arith.constant dense<0.000000e+00> : vector<1000x128xf32>
    %dot_general3A_38 = tpu.matmul %max3A_34, %get3A_37, %dot_general3A {dimension_numbers = #tpu.dot_dimension_numbers<[1], [0], [0], [1], [0, 0, 1, 1], [], []>, transpose_lhs_hint = false} : vector<1000x128xf32>, vector<128x128xf32>, vector<1000x128xf32> -> vector<1000x128xf32>
    %mul3A_39 = vector.broadcast %rsqrt3A : vector<1000x1xf32> to vector<1000x128xf32>
    %mul3A_40 = arith.mulf %dot_general3A_38, %mul3A_39 : vector<1000x128xf32>
    %swap3A = arith.constant 0 : index
    %swap3A_41 = arith.constant 0 : index
    %swap3A_42 = vector.load %arg6[%swap3A, %swap3A_41] : memref<1000x128xf32, #tpu.memory_space<vmem>>, vector<1000x128xf32>
    tpu.vector_store %arg6[%swap3A, %swap3A_41], %mul3A_40 {strides = array<i32>} : memref<1000x128xf32, #tpu.memory_space<vmem>>, vector<1000x128xf32>,
    return
  }
  func.func @transform_0(%arg0: i32) -> (i32, i32, i32) {
    %c0_i32 = arith.constant 0 : i32
    %c0_i32_0 = arith.constant 0 : i32
    %c0_i32_1 = arith.constant 0 : i32
    return %c0_i32, %arg0, %c0_i32_0 : i32, i32, i32
  }
  func.func @transform_1(%arg0: i32) -> (i32, i32) {
    %c0_i32 = arith.constant 0 : i32
    %c0_i32_0 = arith.constant 0 : i32
    return %arg0, %c0_i32 : i32, i32
  }
  func.func @transform_2(%arg0: i32) -> (i32, i32, i32) {
    %c0_i32 = arith.constant 0 : i32
    %c0_i32_0 = arith.constant 0 : i32
    %c0_i32_1 = arith.constant 0 : i32
    return %c0_i32, %arg0, %c0_i32_0 : i32, i32, i32
  }
  func.func @transform_3(%arg0: i32) -> (i32, i32) {
    %c0_i32 = arith.constant 0 : i32
    %c0_i32_0 = arith.constant 0 : i32
    %c0_i32_1 = arith.constant 0 : i32
    return %c0_i32, %c0_i32_0 : i32, i32
  }
  func.func @transform_4(%arg0: i32) -> (i32, i32) {
    %c0_i32 = arith.constant 0 : i32
    %c0_i32_0 = arith.constant 0 : i32
    %c0_i32_1 = arith.constant 0 : i32
    return %c0_i32, %c0_i32_0 : i32, i32
  }
  func.func @transform_5(%arg0: i32) -> (i32, i32) {
    %c0_i32 = arith.constant 0 : i32
    %c0_i32_0 = arith.constant 0 : i32
    return %arg0, %c0_i32 : i32, i32
  }
}

module attributes {stable_mosaic.version = 14 : i64} {
  func.func @_tc_last_body(%arg0: i32, %arg1: memref<2x1000x128xf32, #tpu.memory_space<vmem>>, %arg2: memref<1000x128xf32, #tpu.memory_space<vmem>>, %arg3: memref<2x1000x128xf32, #tpu.memory_space<vmem>>, %arg4: memref<1x128xf32, #tpu.memory_space<vmem>>, %arg5: memref<1000x128xf32, #tpu.memory_space<vmem>>) attributes {dimension_semantics = [#tpu.dimension_semantics<arbitrary>], iteration_bounds = array<i64: 10>, scalar_prefetch = 0 : i64, scratch_operands = 0 : i64, tpu.core_type = #tpu.core_type<tc>, window_params = [{transform_indices = @transform_0, window_bounds = array<i64: 2, 1000, 128>}, {transform_indices = @transform_1, window_bounds = array<i64: 1000, 128>}, {transform_indices = @transform_2, window_bounds = array<i64: 2, 1000, 128>}, {pipeline_mode = #tpu.pipeline_mode<synchronous>, transform_indices = @transform_3, window_bounds = array<i64: 1, 128>}, {transform_indices = @transform_4, window_bounds = array<i64: 1000, 128>}]} {
    %get3A = arith.constant 0 : index
    %get3A_0 = arith.constant 0 : index
    %get3A_1 = arith.constant 0 : index
    %get3A_2 = vector.load %arg3[%get3A, %get3A_0, %get3A_1] : memref<2x1000x128xf32, #tpu.memory_space<vmem>>, vector<1x1000x1xf32>
    %get3A_3 = vector.shape_cast %get3A_2 : vector<1x1000x1xf32> to vector<1000x1xf32>
    %get3A_4 = arith.constant 1 : index
    %get3A_5 = arith.constant 0 : index
    %get3A_6 = arith.constant 0 : index
    %get3A_7 = vector.load %arg3[%get3A_4, %get3A_5, %get3A_6] : memref<2x1000x128xf32, #tpu.memory_space<vmem>>, vector<1x1000x1xf32>
    %get3A_8 = vector.shape_cast %get3A_7 : vector<1x1000x1xf32> to vector<1000x1xf32>
    %add3A = arith.addf %get3A_3, %get3A_8 : vector<1000x1xf32>
    %add3A_9 = arith.constant 1.000000e+00 : f32
    %add3A_10 = vector.broadcast %add3A_9 : f32 to vector<1000x1xf32>
    %add3A_11 = arith.addf %add3A, %add3A_10 : vector<1000x1xf32>
    %rsqrt3A = math.rsqrt %add3A_11 : vector<1000x1xf32>
    %get3A_12 = arith.constant 0 : index
    %get3A_13 = arith.constant 0 : index
    %get3A_14 = arith.constant 0 : index
    %get3A_15 = vector.load %arg1[%get3A_12, %get3A_13, %get3A_14] : memref<2x1000x128xf32, #tpu.memory_space<vmem>>, vector<1x1000x128xf32>
    %get3A_16 = vector.shape_cast %get3A_15 : vector<1x1000x128xf32> to vector<1000x128xf32>
    %get3A_17 = arith.constant 1 : index
    %get3A_18 = arith.constant 0 : index
    %get3A_19 = arith.constant 0 : index
    %get3A_20 = vector.load %arg1[%get3A_17, %get3A_18, %get3A_19] : memref<2x1000x128xf32, #tpu.memory_space<vmem>>, vector<1x1000x128xf32>
    %get3A_21 = vector.shape_cast %get3A_20 : vector<1x1000x128xf32> to vector<1000x128xf32>
    %add3A_22 = arith.addf %get3A_16, %get3A_21 : vector<1000x128xf32>
    %get3A_23 = arith.constant 0 : index
    %get3A_24 = arith.constant 0 : index
    %get3A_25 = vector.load %arg2[%get3A_23, %get3A_24] : memref<1000x128xf32, #tpu.memory_space<vmem>>, vector<1000x128xf32>
    %add3A_26 = arith.addf %add3A_22, %get3A_25 : vector<1000x128xf32>
    %mul3A = vector.broadcast %rsqrt3A : vector<1000x1xf32> to vector<1000x128xf32>
    %mul3A_27 = arith.mulf %add3A_26, %mul3A : vector<1000x128xf32>
    %get3A_28 = arith.constant 0 : index
    %get3A_29 = arith.constant 0 : index
    %get3A_30 = vector.load %arg4[%get3A_28, %get3A_29] : memref<1x128xf32, #tpu.memory_space<vmem>>, vector<1x128xf32>
    %add3A_31 = vector.broadcast %get3A_30 : vector<1x128xf32> to vector<1000x128xf32>
    %add3A_32 = arith.addf %mul3A_27, %add3A_31 : vector<1000x128xf32>
    %swap3A = arith.constant 0 : index
    %swap3A_33 = arith.constant 0 : index
    %swap3A_34 = vector.load %arg5[%swap3A, %swap3A_33] : memref<1000x128xf32, #tpu.memory_space<vmem>>, vector<1000x128xf32>
    tpu.vector_store %arg5[%swap3A, %swap3A_33], %add3A_32 {strides = array<i32>} : memref<1000x128xf32, #tpu.memory_space<vmem>>, vector<1000x128xf32>,
    return
  }
  func.func @transform_0(%arg0: i32) -> (i32, i32, i32) {
    %c0_i32 = arith.constant 0 : i32
    %c0_i32_0 = arith.constant 0 : i32
    %c0_i32_1 = arith.constant 0 : i32
    return %c0_i32, %arg0, %c0_i32_0 : i32, i32, i32
  }
  func.func @transform_1(%arg0: i32) -> (i32, i32) {
    %c0_i32 = arith.constant 0 : i32
    %c0_i32_0 = arith.constant 0 : i32
    return %arg0, %c0_i32 : i32, i32
  }
  func.func @transform_2(%arg0: i32) -> (i32, i32, i32) {
    %c0_i32 = arith.constant 0 : i32
    %c0_i32_0 = arith.constant 0 : i32
    %c0_i32_1 = arith.constant 0 : i32
    return %c0_i32, %arg0, %c0_i32_0 : i32, i32, i32
  }
  func.func @transform_3(%arg0: i32) -> (i32, i32) {
    %c0_i32 = arith.constant 0 : i32
    %c0_i32_0 = arith.constant 0 : i32
    %c0_i32_1 = arith.constant 0 : i32
    return %c0_i32, %c0_i32_0 : i32, i32
  }
  func.func @transform_4(%arg0: i32) -> (i32, i32) {
    %c0_i32 = arith.constant 0 : i32
    %c0_i32_0 = arith.constant 0 : i32
    return %arg0, %c0_i32 : i32, i32
  }
}

</mosaic_0001>

<sc_bundles>
// kernel: kernel.10.cloned.1.call-start
scs
__scs_entry_jumppad:
0x0: {  	(pc) =	sbr.rel $0x88, $3  }
0x1: {  	(tag) =	ssettag $0x0;
	lr =	simm.s32 $0x1  }
0x2: {  	[smem:$0x3F99] =	sst lr;
	_ =	strace $0xD0000000  }
0x3: {  	_ = 	snop  }
0x4: {  	_ = 	snop  }
0x5: {  	_ = 	snop  }
0x6: {  	_ = 	snop  }
0x7: {  	_ = 	snop  }
__scs_overlays_trampoline_lowered:
0x8: {  	[smem:$0x3FA8] =	sst s0  }
0x9: {  	[smem:$0x3FA9] =	sst s1  }
0xa: {  	[smem:$0x3FAA] =	sst s2  }
0xb: {  	[smem:$0x3FAB] =	sst s3  }
0xc: {  	[smem:$0x3FAC] =	sst s4  }
0xd: {  	[smem:$0x3FAD] =	sst s5  }
0xe: {  	[smem:$0x3FAE] =	sst s6  }
0xf: {  	[smem:$0x3FAF] =	sst s7  }
0x10: {  	[smem:$0x3FB0] =	sst s8  }
0x11: {  	[smem:$0x3FB1] =	sst s9;
	s0 =	simm.s32 @!p0 $0x0  }
0x12: {  	s1 =	sld [smem:$0x3F97];
	s0 =	simm.s32 @p0 $0x1  }
0x13: {  	[smem:$0x3FB2] =	sst s0;
	s0 =	simm.s32 @!p1 $0x0  }
0x14: {  	s2 =	sld [smem:$0x3F96];
	s0 =	simm.s32 @p1 $0x1  }
0x15: {  	[smem:$0x3FB3] =	sst s0;
	s0 =	simm.s32 @!p2 $0x0  }
0x16: {  	s3 =	sld [smem:$0x3FDB];
	s0 =	simm.s32 @p2 $0x1  }
0x17: {  	s4 =	simm.s32 $0x1BF5;
	[smem:$0x3FB5] =	sst s0  }
0x18: {  	s0 =	sld [smem:$0x3F98];
	_ =	swait.ge [sflag:s4], $0x0  }
0x19: {  	s7 =	sld [smem:$0x3F99]  }
0x1a: {  	s8 =	sadd.s32 $0xFFFFE003, lr  }
0x1b: {  	s9 =	sadd.s32 $0xFFFFFEF7, lr;
	s5 =	simm.s32 $0xFFFFFFFF;
	p2 =	slt.u32 s8, $0xFFFFF086  }
0x1c: {  	p1 =	slt.u32 s9, $0xF7A;
	s5 =	simm.s32 @!p2 $0x0  }
0x1d: {  	s5 =	simm.s32 @p1 $0x1;
	p0 =	seq.s32 s7, s2  }
0x1e: {  	s7 =	smul.u32 @!p0 $0xF7A, s2;
	p2 =	seq.s32 @!p0 s5, $0x0  }
0x1f: {  	s9 =	smul.u32 $0xF7A, s1;
	s8 =	simm.s32 @!p0 $0x1BF5;
	p2 =	por !p2, p0  }
0x20: {  	[sflag:s8] =	ssyncset.s32 @!p0 $0xFFFFF086;
	s6 =	sadd.s32 @!p0 s3, s7;
	s7 =	simm.s32 @!p0 $0x108  }
0x21: {  	s3 =	sadd.s32 s3, s9;
	s6 =	sadd.s32 @!p0 $0x88, s6;
	s7 =	simm.s32 @p2 $0x1082  }
0x22: {  	[simem:s7], [sflag:s8] =	dma.local @!p0 [hbm:s6], $0xF7A  }
0x23: {  	s9 =	sor.u32 $0xD0000000, s2;
	s6 =	simm.s32 $0x108;
	_ =	swait.ge @!p0 [sflag:s8], $0x0  }
0x24: {  	s3 =	sadd.s32 $0x88, s3;
	s6 =	simm.s32 @!p1 $0x1082;
	[sflag:s4] =	ssyncset.s32 $0xFFFFF086  }
0x25: {  	[simem:s6], [sflag:s4] =	dma.local [hbm:s3], $0xF7A  }
0x26: {  	[smem:$0x3F99] =	sst s1;
	(tag) =	ssettag s2;
	_ =	strace s9  }
0x27: {  	s1 =	sld [smem:$0x3FA9]  }
0x28: {  	s2 =	sld [smem:$0x3FAA]  }
0x29: {  	s4 =	sld [smem:$0x3FAC]  }
0x2a: {  	p0 =	seq.s32 s5, $0x0;
	s5 =	sld [smem:$0x3FAD]  }
0x2b: {  	s6 =	sld [smem:$0x3FAE]  }
0x2c: {  	s7 =	sld [smem:$0x3FAF]  }
0x2d: {  	s3 =	simm.s32 $0x108;
	s8 =	sld [smem:$0x3FB0]  }
0x2e: {  	s3 =	simm.s32 @!p0 $0x1082;
	s9 =	sld [smem:$0x3FB1]  }
0x2f: {  	lr =	sadd.s32 s0, s3;
	s0 =	sld [smem:$0x3FA8]  }
0x30: {  	s3 =	sld [smem:$0x3FAB]  }
0x31: {  	[smem:$0x3FB4] =	sst s10  }
0x32: {  	s10 =	sld [smem:$0x3FB2];
	_ =	sdelay $0x3  }
0x33: {  	p0 =	seq.s32 s10, $0x1;
	s10 =	sld [smem:$0x3FB4];
	_ =	sdelay $0x3  }
0x34: {  	[smem:$0x3FB4] =	sst s10  }
0x35: {  	s10 =	sld [smem:$0x3FB3];
	_ =	sdelay $0x3  }
0x36: {  	p1 =	seq.s32 s10, $0x1;
	s10 =	sld [smem:$0x3FB4];
	_ =	sdelay $0x3  }
0x37: {  	[smem:$0x3FB4] =	sst s10  }
0x38: {  	s10 =	sld [smem:$0x3FB5]  }
0x39: {  	_ = 	snop;
	(pc) =	sbr.ind lr, $3  }
0x3a: {  	_ = 	snop  }
0x3b: {  	_ = 	snop  }
0x3c: {  	p2 =	seq.s32 s10, $0x1;
	s10 =	sld [smem:$0x3FB4]  }
0x3d: {  	_ =	shalt  }
0x3e: {  	_ =	shalt  }
0x3f: {  	_ =	shalt  }
0x40: {  	_ =	shalt  }
0x41: {  	_ =	shalt  }
0x42: {  	_ =	shalt  }
0x43: {  	_ =	shalt  }
0x44: {  	_ =	shalt  }
0x45: {  	_ =	shalt  }
0x46: {  	_ =	shalt  }
0x47: {  	_ =	shalt  }
0x48: {  	_ =	shalt  }
0x49: {  	_ =	shalt  }
0x4a: {  	_ =	shalt  }
0x4b: {  	_ =	shalt  }
0x4c: {  	_ =	shalt  }
0x4d: {  	_ =	shalt  }
0x4e: {  	_ =	shalt  }
0x4f: {  	_ =	shalt  }
0x50: {  	_ =	shalt  }
0x51: {  	_ =	shalt  }
0x52: {  	_ =	shalt  }
0x53: {  	_ =	shalt  }
0x54: {  	_ =	shalt  }
0x55: {  	_ =	shalt  }
0x56: {  	_ =	shalt  }
0x57: {  	_ =	shalt  }
0x58: {  	_ =	shalt  }
0x59: {  	_ =	shalt  }
0x5a: {  	_ =	shalt  }
0x5b: {  	_ =	shalt  }
0x5c: {  	_ =	shalt  }
0x5d: {  	_ =	shalt  }
0x5e: {  	_ =	shalt  }
0x5f: {  	_ =	shalt  }
0x60: {  	_ =	shalt  }
0x61: {  	_ =	shalt  }
0x62: {  	_ =	shalt  }
0x63: {  	_ =	shalt  }
0x64: {  	_ =	shalt  }
0x65: {  	_ =	shalt  }
0x66: {  	_ =	shalt  }
0x67: {  	_ =	shalt  }
0x68: {  	_ =	shalt  }
0x69: {  	_ =	shalt  }
0x6a: {  	_ =	shalt  }
0x6b: {  	_ =	shalt  }
0x6c: {  	_ =	shalt  }
0x6d: {  	_ =	shalt  }
0x6e: {  	_ =	shalt  }
0x6f: {  	_ =	shalt  }
0x70: {  	_ =	shalt  }
0x71: {  	_ =	shalt  }
0x72: {  	_ =	shalt  }
0x73: {  	_ =	shalt  }
0x74: {  	_ =	shalt  }
0x75: {  	_ =	shalt  }
0x76: {  	_ =	shalt  }
0x77: {  	_ =	shalt  }
0x78: {  	_ =	shalt  }
0x79: {  	_ =	shalt  }
0x7a: {  	_ =	shalt  }
0x7b: {  	_ =	shalt  }
0x7c: {  	_ =	shalt  }
0x7d: {  	_ =	shalt  }
0x7e: {  	_ =	shalt  }
0x7f: {  	_ =	shalt  }
0x80: {  	_ =	shalt  }
0x81: {  	_ =	shalt  }
0x82: {  	_ =	shalt  }
0x83: {  	_ =	shalt  }
0x84: {  	_ =	shalt  }
0x85: {  	_ =	shalt  }
0x86: {  	_ =	shalt  }
0x87: {  	_ =	shalt  }
.Lfunc_end0:
.L_simem_size_0:
called_computation_lowered:
.L_overlay_start_0:
0x88: {  	s2 =	sld [smem:$0x3FD9]  }
0x89: {  	s3 =	sld [smem:$0x3FFE];
	_ =	sdelay $0x1  }
0x8a: {  	s1 =	srdreg.scid  }
0x8b: {  	s0 =	sand.u32 $0x1, s1  }
0x8c: {  	s16 =	sshll.u32 s0, $0xA;
	s2 =	sadd.s32 s3, s2  }
0x8d: {  	s2 =	sadd.s32 s2, s16  }
0x8e: {  	[smem:$0x3FC0] =	sst s2  }
0x8f: {  	_ = 	snop  }
0x90: {  	(tm) =	ssettm $0x1  }
0x91: {  	s17 =	sld [smem:$0x3FFB];
	_ =	sdelay $0x3  }
0x92: {  	_ =	strace s17  }
0x93: {  	s2 =	sld [smem:$0x3FFC];
	_ =	sdelay $0x3  }
0x94: {  	_ =	strace s2  }
0x95: {  	s2 =	sld [smem:$0x3FFD];
	_ =	sdelay $0x3  }
0x96: {  	_ =	strace s2  }
0x97: {  	_ =	strace $0x8FFFFFFF  }
0x98: {  	s18 =	sld [smem:$0x3FDB];
	_ =	sdelay $0x1  }
0x99: {  	s19 =	simm.s32 $_scs_section_size  }
0x9a: {  	s4 =	simm.s32 $_size__tile_overlayer_lowered;
	s5 =	simm.s32 $_tile_overlayer_lowered  }
0x9b: {  	s22 =	simm.s32 $0x1BFF;
	s21 =	sshll.u32 s5, $0x1;
	s2 =	sadd.s32 s19, s18  }
0x9c: {  	s6 =	simm.s32 $0x0;
	s20 =	sshll.u32 s4, $0x1;
	s4 =	sadd.s32 s21, s2  }
0x9d: {  	[timem:s6], [sflag:s22] =	dma.local [hbm:s4], s20  }
0x9e: {  	_ =	swait.ge [sflag:s22], s20  }
0x9f: {  	s3 =	ssub.s32 $0x0, s20;
	[sflag:s22] =	ssyncset.done $0x0  }
0xa0: {  	[sflag:s22] =	ssyncadd.s32 s3;
	_ =	sdelay $0x1  }
0xa1: {  	s23 =	simm.s32 $0x1B8B  }
0xa2: {  	_ =	swait.ge [sflag:s23], $0x1  }
0xa3: {  	[sflag:s23] =	ssyncset.done $0x0  }
0xa4: {  	s25 =	simm.s32 $0x1B8E;
	s24 =	sld [smem:$0x3FFE];
	[sflag:s23] =	ssyncadd.s32 $0xFFFFFFFF  }
0xa5: {  	s26 =	simm.s32 $execute0_lowered;
	[smem:$0x3FD2] =	sst s25  }
0xa6: {  	s4 =	sshll.u32 s26, $0x1;
	_ =	strace $0x80000046;
	[dreg:$0x1] =	wrdreg $0xFFFFFFFF  }
0xa7: {  	s28 =	simm.s32 $_size_execute0_lowered;
	s2 =	sadd.s32 s2, s4;
	[dreg:$0x0] =	wrdreg $0x0  }
0xa8: {  	s4 =	sshll.u32 s28, $0x1;
	[dreg:$0x2] =	wrdreg s2  }
0xa9: {  	[dreg:$0x3] =	wrdreg s4  }
0xaa: {  	[dreg:$0x4] =	wrdreg $0xC0  }
0xab: {  	_ =	task [dreg:s6], $0x5FFFF  }
0xac: {  	[dreg:$0x1] =	wrdreg $0xFFFFFFFF  }
0xad: {  	[dreg:$0x0] =	wrdreg $0x60  }
0xae: {  	[dreg:$0x2] =	wrdreg s24  }
0xaf: {  	[dreg:$0x3] =	wrdreg $0xA8000  }
0xb0: {  	[dreg:$0x4] =	wrdreg $0x9  }
0xb1: {  	_ =	task.clear_ibuf [dreg:s6], $0x5FFFF;
	_ =	strace $0x90000046  }
0xb2: {  	s29 =	simm.s32 $0x9;
	_ =	strace $0x80000048  }
0xb3: {  	_ =	swait.ge [sflag:s29], $0x1  }
0xb4: {  	[sflag:s29] =	ssyncadd.s32 $0xFFFFFFFF  }
0xb5: {  	_ =	strace $0x90000048  }
0xb6: {  	_ =	sfence  }
0xb7: {  	s30 =	sld [smem:$0x0];
	_ =	sdelay $0x2  }
0xb8: {  	s31 =	sshll.u32 s1, $0xD;
	s1 =	sshrl.u32 s1, $0x2  }
0xb9: {  	s3 =	sand.u32 $0x4000, s31;
	s1 =	sadd.s32 s1, s30  }
0xba: {  	s0 =	sor.u32 s3, s0;
	s1 =	sshll.u32 s1, $0x11  }
0xbb: {  	s0 =	sor.u32 s1, s0  }
0xbc: {  	s0 =	sadd.s32 $0x8F2B, s0  }
0xbd: {  	[sflag:s0] =	ssyncadd.remote.s32 $0x1  }
0xbe: {  	_ =	sfence.sel $0xFFFF  }
0xbf: {  	[dreg:$0x0] =	wrdreg $0xFFFFFFFF;
	(pc) =	sbr.abs _section_cstart, $3  }
0xc0: {  	[dreg:$0x1] =	wrdreg $0xFFFFFFFF  }
0xc1: {  	_ =	task.clear_ibuf [dreg:s6], $0x2FFFF;
	_ =	strace $0x9FFFFFFF  }
0xc2: {  	(tm) =	ssettm $0x7FFFFFFF  }
0xc3: {  	_ =	shalt  }
tec
execute0_lowered:
.L_overlay_start_1:
0x0: {  	(tag) =	ssettag $0x1  }
0x1: {  	s1 =	srdreg.scid  }
0x2: {  	s0 =	stileid.u32;
	s5 =	rddreg [dreg:$0x0]  }
0x3: {  	s2 =	rddreg [dreg:$0x1];
	s3 =	simm.s32 $0x0;
	s13 =	simm.s32 $0x1  }
0x4: {  	s14 =	simm.s32 $0x8000;
	s15 =	simm.s32 $0x80;
	s18 =	simm.s32 $0x0  }
0x5: {  	s4 =	sand.u32 $0x1, s1;
	s28 =	sshll.u32 s0, $0x1;
	s8 =	smul.u32 $0x14000, s0  }
0x6: {  	[smem:$0x7FF] =	sst s3;
	s9 =	smul.u32 $0x50000, s0;
	s16 =	sshll.u32 s0, $0x6  }
0x7: {  	s1 =	sor.u32 s4, s28;
	s7 =	smul.u32 $0x140000, s4;
	s4 =	ssub.s32 $0x2, s4  }
0x8: {  	s16 =	sor.u32 $0x1C01, s16;
	s6 =	smul.u32 $0x500, s1;
	s1 =	rddreg [dreg:$0x2]  }
0x9: {  	_ =	strace $0x80000047;
	s30 =	sshrl.u32 s4, $0x1;
	s31 =	sshrl.u32 s9, $0x2  }
0xa: {  	s29 =	sadd.s32 s8, s7;
	s12 =	ssub.s32 s4, s30;
	s4 =	sadd.s32 s31, s2  }
0xb: {  	s10 =	sadd.s32 s6, s5;
	s6 =	sshrl.u32 s29, $0x3;
	s7 =	sadd.s32 $0xC000, s4  }
0xc: {  	s8 =	sadd.s32 $0x10000, s4;
	s17 =	sshrl.u32 s4, $0x3;
	s11 =	sadd.s32 s6, s5  }
0xd: {  	s5 =	sadd.s32 $0x4000, s4;
	s6 =	sadd.s32 $0x8000, s4;
	s9 =	sadd.s32 $0x3800, s10  }
0xe: {  	v0 =	vimm.f32 $1.000000000e+00;
	v1 =	vimm.f32 $0.0e+00;
	s10 =	sadd.s32 $0x17800, s11;
	s11 =	smax.u32 s12, $0x1;
	s12 =	simm.s32 $0x4000  }
.LBB2_1:
0xf: {  	s19 =	simm.s32 $0x0;
	s20 =	simm.s32 $0x200  }
.LBB2_2:
0x10: {  	p0 =	sne.s32 s20, $0xFE00;
	[tilespmem:s19+$0x4070] =	vst v1  }
0x11: {  	[tilespmem:s19+$0x0] =	vst v0  }
0x12: {  	[tilespmem:s19+$0x4000] =	vst v1  }
0x13: {  	[tilespmem:s19+$0x10] =	vst v0  }
0x14: {  	[tilespmem:s19+$0x4010] =	vst v1  }
0x15: {  	[tilespmem:s19+$0x20] =	vst v0  }
0x16: {  	[tilespmem:s19+$0x4020] =	vst v1  }
0x17: {  	[tilespmem:s19+$0x30] =	vst v0  }
0x18: {  	[tilespmem:s19+$0x4030] =	vst v1  }
0x19: {  	[tilespmem:s19+$0x40] =	vst v0  }
0x1a: {  	[tilespmem:s19+$0x4040] =	vst v1  }
.Ltmp0:
0x1b: {  	[tilespmem:s19+$0x50] =	vst v0;
	(pc) =	sbr.rel @p0 .LBB2_2-.Ltmp0, $4  }
0x1c: {  	[tilespmem:s19+$0x4050] =	vst v1  }
0x1d: {  	[tilespmem:s19+$0x60] =	vst v0  }
0x1e: {  	[tilespmem:s19+$0x4060] =	vst v1  }
0x1f: {  	[tilespmem:s19+$0x70] =	vst v0;
	s19 =	sshra.s32 s20, $0x2;
	s20 =	sadd.s32 $0x200, s20  }
0x20: {  	[tilespmem:s19+$0x4070] =	vst v1  }
0x21: {  	[tilespmem:s19+$0x0] =	vst v0  }
0x22: {  	[tilespmem:s19+$0x4000] =	vst v1  }
0x23: {  	[tilespmem:s19+$0x10] =	vst v0  }
0x24: {  	[tilespmem:s19+$0x4010] =	vst v1  }
0x25: {  	[tilespmem:s19+$0x20] =	vst v0  }
0x26: {  	[tilespmem:s19+$0x4020] =	vst v1  }
0x27: {  	[tilespmem:s19+$0x30] =	vst v0  }
0x28: {  	[tilespmem:s19+$0x4030] =	vst v1  }
0x29: {  	[tilespmem:s19+$0x40] =	vst v0  }
0x2a: {  	[tilespmem:s19+$0x4040] =	vst v1  }
0x2b: {  	[tilespmem:s19+$0x50] =	vst v0  }
0x2c: {  	[tilespmem:s19+$0x4050] =	vst v1  }
0x2d: {  	[tilespmem:s19+$0x60] =	vst v0  }
0x2e: {  	[tilespmem:s19+$0x4060] =	vst v1  }
0x2f: {  	[tilespmem:s19+$0x70] =	vst v0  }
0x30: {  	[spmem:s4] =	stream.linear.scatter [tilespmem:s12], [sflag:$0x1], $0x4000, $0x38;
	[tilespmem:$0x1E800] =	vst v63  }
0x31: {  	_ =	swait.ge [sflag:s13], $0x4000  }
0x32: {  	[sflag:s13] =	ssyncset.done $0x0  }
0x33: {  	[sflag:s13] =	ssyncadd.s32 $0xFFFFC000  }
0x34: {  	[spmem:s5] =	stream.linear.scatter [tilespmem:s12], [sflag:$0x1], $0x4000, $0x38;
	[tilespmem:$0x1E800] =	vst v63  }
0x35: {  	_ =	swait.ge [sflag:s13], $0x4000  }
0x36: {  	[sflag:s13] =	ssyncset.done $0x0  }
0x37: {  	[sflag:s13] =	ssyncadd.s32 $0xFFFFC000  }
0x38: {  	[spmem:s6] =	stream.linear.scatter [tilespmem:s12], [sflag:$0x1], $0x4000, $0x38;
	[tilespmem:$0x1E800] =	vst v63  }
0x39: {  	_ =	swait.ge [sflag:s13], $0x4000  }
0x3a: {  	[sflag:s13] =	ssyncset.done $0x0  }
0x3b: {  	[sflag:s13] =	ssyncadd.s32 $0xFFFFC000  }
0x3c: {  	[spmem:s7] =	stream.linear.scatter [tilespmem:s12], [sflag:$0x1], $0x4000, $0x38;
	[tilespmem:$0x1E800] =	vst v63  }
0x3d: {  	_ =	swait.ge [sflag:s13], $0x4000  }
0x3e: {  	[sflag:s13] =	ssyncset.done $0x0  }
0x3f: {  	[sflag:s13] =	ssyncadd.s32 $0xFFFFC000  }
0x40: {  	[spmem:s8] =	stream.linear.scatter [tilespmem:s12], [sflag:$0x1], $0x4000, $0x38;
	[tilespmem:$0x1E800] =	vst v63  }
0x41: {  	_ =	swait.ge [sflag:s13], $0x4000  }
0x42: {  	[sflag:s13] =	ssyncset.done $0x0  }
0x43: {  	s30 =	simm.s32 $0x0;
	[sflag:s13] =	ssyncadd.s32 $0xFFFFC000  }
0x44: {  	[tilespmem:s14], [sflag:$0x1] =	stream.linear.gather [hbm4b:s9+s30], $0x2800, $0x38;
	[tilespmem:$0x1E800] =	vst v63  }
0x45: {  	_ =	swait.ge [sflag:s13], $0x2800  }
0x46: {  	[sflag:s13] =	ssyncset.done $0x0  }
0x47: {  	[sflag:s13] =	ssyncadd.s32 $0xFFFFD800  }
0x48: {  	s31 =	simm.s32 $0x8000;
	[bflag:$0x0] =	sbarrier.arrive $0xFFFF  }
0x49: {  	[spmem:s2] =	stream.indirect.scatter.add.f32 [tilespmem:s3], [sflag:$0x1], $0x80, s31, s15, $0xb8;
	[tilespmem:$0x1E800] =	vst v63  }
0x4a: {  	s19 =	simm.s32 $0x200;
	_ =	swait.ge [sflag:s13], $0x4000  }
.LBB2_4:
0x4b: {  	s20 =	sshra.s32 s19, $0x2;
	[sflag:s13] =	ssyncset.done $0x0;
	p0 =	sne.s32 s19, $0x9E00  }
.Ltmp1:
0x4c: {  	s20 =	sadd.s32 $0x8000, s20;
	[sflag:s13] =	ssyncadd.s32 $0xFFFFC000;
	(pc) =	sbr.rel @p0 .LBB2_4-.Ltmp1, $3  }
0x4d: {  	[spmem:s2] =	stream.indirect.scatter.add.f32 [tilespmem:s3], [sflag:$0x1], $0x80, s20, s15, $0xb8;
	[tilespmem:$0x1E800] =	vst v63  }
0x4e: {  	s19 =	sadd.s32 $0x200, s19;
	_ =	sdelay $0x1  }
0x4f: {  	_ =	swait.ge [sflag:s13], $0x4000  }
0x50: {  	[sflag:s13] =	ssyncset.done $0x0;
	s18 =	sadd.s32 $0x1, s18  }
0x51: {  	[sflag:s13] =	ssyncadd.s32 $0xFFFFC000;
	p0 =	sne.s32 s18, s11  }
.Ltmp2:
0x52: {  	[bflag:$0x0] =	sbarrier.arrive $0xFFFF;
	(pc) =	sbr.rel @p0 .LBB2_1-.Ltmp2, $4  }
0x53: {  	[hbm:s10], [sflag:s16] =	dma.local [spmem:s17], $0x2800  }
0x54: {  	_ =	swait.ge [sflag:s13], $0x2800  }
0x55: {  	[sflag:s13] =	ssyncset.done $0x0  }
0x56: {  	[sflag:s13] =	ssyncadd.s32 $0xFFFFD800  }
0x57: {  	_ =	sfence.sel $0x180000  }
0x58: {  	[bflag:$0x0] =	sbarrier.arrive $0xFFFF  }
0x59: {  	p0 =	sne.s32 s0, $0x0;
	_ =	strace $0x90000047  }
0x5a: {  	s0 =	sadd.s32 @!p0 $0x100000, s1;
	[bflag:$0x2] =	sbarrier.arrive $0xFFFF  }
0x5b: {  	[sflag:s0] =	ssyncadd.tile.s32 @!p0 $0x1;
	_ =	shalt  }
.Lfunc_end2:
_tile_overlayer_lowered:
.L_overlay_start_2:
0x5c: {  	(tag) =	ssettag $0x2  }
0x5d: {  	s0 =	rddreg [dreg:$0x0];
	s2 =	stileid.u32  }
0x5e: {  	s1 =	rddreg [dreg:$0x1];
	p0 =	sne.s32 s2, $0x0  }
0x5f: {  	s3 =	rddreg [dreg:$0x2];
	[bflag:$0x3] =	sbarrier.arrive $0xFFFF;
	s2 =	simm.s32 @!p0 $0x1C01  }
0x60: {  	[timem:s3], [sflag:s2] =	dma.local @!p0 [hbm:s0], s1  }
0x61: {  	s0 =	simm.s32 @!p0 $0x1  }
0x62: {  	_ =	swait.ge @!p0 [sflag:s0], s1  }
0x63: {  	s1 =	ssub.s32 @!p0 $0x0, s1;
	[sflag:s0] =	ssyncset.done @!p0 $0x0  }
0x64: {  	[sflag:s0] =	ssyncadd.s32 @!p0 s1  }
0x65: {  	[bflag:$0x3] =	sbarrier.arrive $0xFFFF  }
0x66: {  	_ =	shalt  }

// kernel: kernel.13.cloned.1.call-start
scs
__scs_entry_jumppad:
0x0: {  	(pc) =	sbr.rel $0x88, $3  }
0x1: {  	(tag) =	ssettag $0x0;
	lr =	simm.s32 $0x1  }
0x2: {  	[smem:$0x3F99] =	sst lr;
	_ =	strace $0xD0000000  }
0x3: {  	_ = 	snop  }
0x4: {  	_ = 	snop  }
0x5: {  	_ = 	snop  }
0x6: {  	_ = 	snop  }
0x7: {  	_ = 	snop  }
__scs_overlays_trampoline_lowered:
0x8: {  	[smem:$0x3FA8] =	sst s0  }
0x9: {  	[smem:$0x3FA9] =	sst s1  }
0xa: {  	[smem:$0x3FAA] =	sst s2  }
0xb: {  	[smem:$0x3FAB] =	sst s3  }
0xc: {  	[smem:$0x3FAC] =	sst s4  }
0xd: {  	[smem:$0x3FAD] =	sst s5  }
0xe: {  	[smem:$0x3FAE] =	sst s6  }
0xf: {  	[smem:$0x3FAF] =	sst s7  }
0x10: {  	[smem:$0x3FB0] =	sst s8  }
0x11: {  	[smem:$0x3FB1] =	sst s9;
	s0 =	simm.s32 @!p0 $0x0  }
0x12: {  	s1 =	sld [smem:$0x3F97];
	s0 =	simm.s32 @p0 $0x1  }
0x13: {  	[smem:$0x3FB2] =	sst s0;
	s0 =	simm.s32 @!p1 $0x0  }
0x14: {  	s2 =	sld [smem:$0x3F96];
	s0 =	simm.s32 @p1 $0x1  }
0x15: {  	[smem:$0x3FB3] =	sst s0;
	s0 =	simm.s32 @!p2 $0x0  }
0x16: {  	s3 =	sld [smem:$0x3FDB];
	s0 =	simm.s32 @p2 $0x1  }
0x17: {  	s4 =	simm.s32 $0x1BF5;
	[smem:$0x3FB5] =	sst s0  }
0x18: {  	s0 =	sld [smem:$0x3F98];
	_ =	swait.ge [sflag:s4], $0x0  }
0x19: {  	s7 =	sld [smem:$0x3F99]  }
0x1a: {  	s8 =	sadd.s32 $0xFFFFE003, lr  }
0x1b: {  	s9 =	sadd.s32 $0xFFFFFEF7, lr;
	s5 =	simm.s32 $0xFFFFFFFF;
	p2 =	slt.u32 s8, $0xFFFFF086  }
0x1c: {  	p1 =	slt.u32 s9, $0xF7A;
	s5 =	simm.s32 @!p2 $0x0  }
0x1d: {  	s5 =	simm.s32 @p1 $0x1;
	p0 =	seq.s32 s7, s2  }
0x1e: {  	s7 =	smul.u32 @!p0 $0xF7A, s2;
	p2 =	seq.s32 @!p0 s5, $0x0  }
0x1f: {  	s9 =	smul.u32 $0xF7A, s1;
	s8 =	simm.s32 @!p0 $0x1BF5;
	p2 =	por !p2, p0  }
0x20: {  	[sflag:s8] =	ssyncset.s32 @!p0 $0xFFFFF086;
	s6 =	sadd.s32 @!p0 s3, s7;
	s7 =	simm.s32 @!p0 $0x108  }
0x21: {  	s3 =	sadd.s32 s3, s9;
	s6 =	sadd.s32 @!p0 $0x88, s6;
	s7 =	simm.s32 @p2 $0x1082  }
0x22: {  	[simem:s7], [sflag:s8] =	dma.local @!p0 [hbm:s6], $0xF7A  }
0x23: {  	s9 =	sor.u32 $0xD0000000, s2;
	s6 =	simm.s32 $0x108;
	_ =	swait.ge @!p0 [sflag:s8], $0x0  }
0x24: {  	s3 =	sadd.s32 $0x88, s3;
	s6 =	simm.s32 @!p1 $0x1082;
	[sflag:s4] =	ssyncset.s32 $0xFFFFF086  }
0x25: {  	[simem:s6], [sflag:s4] =	dma.local [hbm:s3], $0xF7A  }
0x26: {  	[smem:$0x3F99] =	sst s1;
	(tag) =	ssettag s2;
	_ =	strace s9  }
0x27: {  	s1 =	sld [smem:$0x3FA9]  }
0x28: {  	s2 =	sld [smem:$0x3FAA]  }
0x29: {  	s4 =	sld [smem:$0x3FAC]  }
0x2a: {  	p0 =	seq.s32 s5, $0x0;
	s5 =	sld [smem:$0x3FAD]  }
0x2b: {  	s6 =	sld [smem:$0x3FAE]  }
0x2c: {  	s7 =	sld [smem:$0x3FAF]  }
0x2d: {  	s3 =	simm.s32 $0x108;
	s8 =	sld [smem:$0x3FB0]  }
0x2e: {  	s3 =	simm.s32 @!p0 $0x1082;
	s9 =	sld [smem:$0x3FB1]  }
0x2f: {  	lr =	sadd.s32 s0, s3;
	s0 =	sld [smem:$0x3FA8]  }
0x30: {  	s3 =	sld [smem:$0x3FAB]  }
0x31: {  	[smem:$0x3FB4] =	sst s10  }
0x32: {  	s10 =	sld [smem:$0x3FB2];
	_ =	sdelay $0x3  }
0x33: {  	p0 =	seq.s32 s10, $0x1;
	s10 =	sld [smem:$0x3FB4];
	_ =	sdelay $0x3  }
0x34: {  	[smem:$0x3FB4] =	sst s10  }
0x35: {  	s10 =	sld [smem:$0x3FB3];
	_ =	sdelay $0x3  }
0x36: {  	p1 =	seq.s32 s10, $0x1;
	s10 =	sld [smem:$0x3FB4];
	_ =	sdelay $0x3  }
0x37: {  	[smem:$0x3FB4] =	sst s10  }
0x38: {  	s10 =	sld [smem:$0x3FB5]  }
0x39: {  	_ = 	snop;
	(pc) =	sbr.ind lr, $3  }
0x3a: {  	_ = 	snop  }
0x3b: {  	_ = 	snop  }
0x3c: {  	p2 =	seq.s32 s10, $0x1;
	s10 =	sld [smem:$0x3FB4]  }
0x3d: {  	_ =	shalt  }
0x3e: {  	_ =	shalt  }
0x3f: {  	_ =	shalt  }
0x40: {  	_ =	shalt  }
0x41: {  	_ =	shalt  }
0x42: {  	_ =	shalt  }
0x43: {  	_ =	shalt  }
0x44: {  	_ =	shalt  }
0x45: {  	_ =	shalt  }
0x46: {  	_ =	shalt  }
0x47: {  	_ =	shalt  }
0x48: {  	_ =	shalt  }
0x49: {  	_ =	shalt  }
0x4a: {  	_ =	shalt  }
0x4b: {  	_ =	shalt  }
0x4c: {  	_ =	shalt  }
0x4d: {  	_ =	shalt  }
0x4e: {  	_ =	shalt  }
0x4f: {  	_ =	shalt  }
0x50: {  	_ =	shalt  }
0x51: {  	_ =	shalt  }
0x52: {  	_ =	shalt  }
0x53: {  	_ =	shalt  }
0x54: {  	_ =	shalt  }
0x55: {  	_ =	shalt  }
0x56: {  	_ =	shalt  }
0x57: {  	_ =	shalt  }
0x58: {  	_ =	shalt  }
0x59: {  	_ =	shalt  }
0x5a: {  	_ =	shalt  }
0x5b: {  	_ =	shalt  }
0x5c: {  	_ =	shalt  }
0x5d: {  	_ =	shalt  }
0x5e: {  	_ =	shalt  }
0x5f: {  	_ =	shalt  }
0x60: {  	_ =	shalt  }
0x61: {  	_ =	shalt  }
0x62: {  	_ =	shalt  }
0x63: {  	_ =	shalt  }
0x64: {  	_ =	shalt  }
0x65: {  	_ =	shalt  }
0x66: {  	_ =	shalt  }
0x67: {  	_ =	shalt  }
0x68: {  	_ =	shalt  }
0x69: {  	_ =	shalt  }
0x6a: {  	_ =	shalt  }
0x6b: {  	_ =	shalt  }
0x6c: {  	_ =	shalt  }
0x6d: {  	_ =	shalt  }
0x6e: {  	_ =	shalt  }
0x6f: {  	_ =	shalt  }
0x70: {  	_ =	shalt  }
0x71: {  	_ =	shalt  }
0x72: {  	_ =	shalt  }
0x73: {  	_ =	shalt  }
0x74: {  	_ =	shalt  }
0x75: {  	_ =	shalt  }
0x76: {  	_ =	shalt  }
0x77: {  	_ =	shalt  }
0x78: {  	_ =	shalt  }
0x79: {  	_ =	shalt  }
0x7a: {  	_ =	shalt  }
0x7b: {  	_ =	shalt  }
0x7c: {  	_ =	shalt  }
0x7d: {  	_ =	shalt  }
0x7e: {  	_ =	shalt  }
0x7f: {  	_ =	shalt  }
0x80: {  	_ =	shalt  }
0x81: {  	_ =	shalt  }
0x82: {  	_ =	shalt  }
0x83: {  	_ =	shalt  }
0x84: {  	_ =	shalt  }
0x85: {  	_ =	shalt  }
0x86: {  	_ =	shalt  }
0x87: {  	_ =	shalt  }
.Lfunc_end0:
.L_simem_size_0:
called_computation.1_lowered:
.L_overlay_start_0:
0x88: {  	s2 =	sld [smem:$0x3FD9]  }
0x89: {  	s3 =	sld [smem:$0x3FFE];
	_ =	sdelay $0x1  }
0x8a: {  	s1 =	srdreg.scid  }
0x8b: {  	s0 =	sand.u32 $0x1, s1  }
0x8c: {  	s17 =	sshll.u32 s0, $0xA;
	s2 =	sadd.s32 s3, s2  }
0x8d: {  	s2 =	sadd.s32 s2, s17  }
0x8e: {  	[smem:$0x3FC0] =	sst s2  }
0x8f: {  	_ = 	snop  }
0x90: {  	s2 =	sld [smem:$0x3FD0];
	(tm) =	ssettm $0x1  }
0x91: {  	s18 =	sld [smem:$0x3FFB];
	_ =	sdelay $0x3  }
0x92: {  	_ =	strace s18  }
0x93: {  	s3 =	sld [smem:$0x3FFC];
	_ =	sdelay $0x3  }
0x94: {  	_ =	strace s3  }
0x95: {  	s3 =	sld [smem:$0x3FFD];
	_ =	sdelay $0x3  }
0x96: {  	_ =	strace s3  }
0x97: {  	_ =	strace $0x8FFFFFFF  }
0x98: {  	s19 =	sld [smem:$0x3FDB];
	_ =	sdelay $0x1  }
0x99: {  	s4 =	simm.s32 $_scs_section_size  }
0x9a: {  	s5 =	simm.s32 $_size__tile_overlayer_lowered;
	s6 =	simm.s32 $_tile_overlayer_lowered  }
0x9b: {  	s22 =	simm.s32 $0x1BFF;
	s21 =	sshll.u32 s6, $0x1;
	s3 =	sadd.s32 s4, s19  }
0x9c: {  	s7 =	simm.s32 $0x0;
	s20 =	sshll.u32 s5, $0x1;
	s5 =	sadd.s32 s21, s3  }
0x9d: {  	[timem:s7], [sflag:s22] =	dma.local [hbm:s5], s20  }
0x9e: {  	_ =	swait.ge [sflag:s22], s20  }
0x9f: {  	s4 =	ssub.s32 $0x0, s20;
	[sflag:s22] =	ssyncset.done $0x0  }
0xa0: {  	[sflag:s22] =	ssyncadd.s32 s4;
	_ =	sdelay $0x1  }
0xa1: {  	s23 =	simm.s32 $0x1B8B  }
0xa2: {  	_ =	swait.ge [sflag:s23], $0x1  }
0xa3: {  	[sflag:s23] =	ssyncset.done $0x0  }
0xa4: {  	s25 =	simm.s32 $0x1B8E;
	s24 =	sld [smem:$0x3FFE];
	[sflag:s23] =	ssyncadd.s32 $0xFFFFFFFF  }
0xa5: {  	s26 =	simm.s32 $execute0_lowered;
	[smem:$0x3FD2] =	sst s25  }
0xa6: {  	s5 =	sshll.u32 s26, $0x1;
	_ =	strace $0x80000049;
	[dreg:$0x1] =	wrdreg $0xFFFFFFFF  }
0xa7: {  	s28 =	simm.s32 $_size_execute0_lowered;
	s3 =	sadd.s32 s3, s5;
	[dreg:$0x0] =	wrdreg $0x0  }
0xa8: {  	s5 =	sshll.u32 s28, $0x1;
	[dreg:$0x2] =	wrdreg s3  }
0xa9: {  	[dreg:$0x3] =	wrdreg s5  }
0xaa: {  	[dreg:$0x4] =	wrdreg $0xC0  }
0xab: {  	_ =	task [dreg:s7], $0x5FFFF  }
0xac: {  	[dreg:$0x1] =	wrdreg $0xFFFFFFFF  }
0xad: {  	[dreg:$0x0] =	wrdreg $0x60  }
0xae: {  	[dreg:$0x2] =	wrdreg s2  }
0xaf: {  	[dreg:$0x3] =	wrdreg s24  }
0xb0: {  	[dreg:$0x4] =	wrdreg $0xA8000  }
0xb1: {  	[dreg:$0x5] =	wrdreg $0x9  }
0xb2: {  	_ =	task.clear_ibuf [dreg:s7], $0x6FFFF;
	_ =	strace $0x90000049  }
0xb3: {  	s29 =	simm.s32 $0x9;
	_ =	strace $0x8000004B  }
0xb4: {  	_ =	swait.ge [sflag:s29], $0x1  }
0xb5: {  	[sflag:s29] =	ssyncadd.s32 $0xFFFFFFFF  }
0xb6: {  	_ =	strace $0x9000004B  }
0xb7: {  	_ =	sfence  }
0xb8: {  	s30 =	sld [smem:$0x0];
	_ =	sdelay $0x2  }
0xb9: {  	s31 =	sshll.u32 s1, $0xD;
	s1 =	sshrl.u32 s1, $0x2  }
0xba: {  	s3 =	sand.u32 $0x4000, s31;
	s1 =	sadd.s32 s1, s30  }
0xbb: {  	s0 =	sor.u32 s3, s0;
	s1 =	sshll.u32 s1, $0x11  }
0xbc: {  	s0 =	sor.u32 s1, s0  }
0xbd: {  	s0 =	sadd.s32 $0x8F2B, s0  }
0xbe: {  	[sflag:s0] =	ssyncadd.remote.s32 $0x1  }
0xbf: {  	_ =	sfence.sel $0xFFFF  }
0xc0: {  	[dreg:$0x0] =	wrdreg $0xFFFFFFFF;
	(pc) =	sbr.abs _section_cstart, $3  }
0xc1: {  	[dreg:$0x1] =	wrdreg $0xFFFFFFFF  }
0xc2: {  	_ =	task.clear_ibuf [dreg:s7], $0x2FFFF;
	_ =	strace $0x9FFFFFFF  }
0xc3: {  	(tm) =	ssettm $0x7FFFFFFF  }
tec
execute0_lowered:
.L_overlay_start_1:
0x0: {  	(tag) =	ssettag $0x1  }
0x1: {  	s1 =	rddreg [dreg:$0x0]  }
0x2: {  	s0 =	rddreg [dreg:$0x1]  }
0x3: {  	s2 =	rddreg [dreg:$0x2]  }
0x4: {  	s3 =	srdreg.scid;
	s4 =	simm.s32 $0x0;
	s16 =	simm.s32 $0x5  }
0x5: {  	s17 =	simm.s32 $0x8000;
	s18 =	simm.s32 $0x9400;
	s19 =	simm.s32 $0x80  }
0x6: {  	s20 =	simm.s32 $0x1;
	s21 =	simm.s32 $0x8080;
	s22 =	simm.s32 $0x4000  }
0x7: {  	s23 =	simm.s32 $0x2;
	s24 =	simm.s32 $0x3;
	s25 =	simm.s32 $0x8100  }
0x8: {  	s28 =	simm.s32 $0x4;
	s5 =	sand.u32 $0x1, s3;
	s3 =	stileid.u32  }
0x9: {  	s29 =	simm.s32 $0x0;
	[smem:$0x7FF] =	sst s4;
	s6 =	smul.u32 $0x140000, s5  }
0xa: {  	s12 =	sadd.s32 $0xD800, s0;
	s13 =	sadd.s32 $0x3800, s0;
	s7 =	smul.u32 $0x14000, s3  }
0xb: {  	s26 =	smul.u32 $0x50000, s3;
	s8 =	sshll.u32 s3, $0x1;
	s9 =	ssub.s32 $0x2, s5  }
0xc: {  	_ =	strace $0x8000004A;
	s8 =	sor.u32 s5, s8;
	s31 =	sshrl.u32 s9, $0x1  }
0xd: {  	s6 =	sadd.s32 s7, s6;
	s30 =	sshrl.u32 s26, $0x2;
	s10 =	smul.u32 $0x2800, s8  }
0xe: {  	s15 =	ssub.s32 s9, s31;
	s26 =	simm.s32 $0x9480;
	s6 =	sshrl.u32 s6, $0x3  }
.Ltmp0:
0xf: {  	s5 =	sadd.s32 s30, s2;
	s15 =	smax.u32 s15, $0x1;
	(pc) =	sbr.rel .LBB2_1-.Ltmp0, $4  }
0x10: {  	s0 =	sadd.s32 s6, s0;
	s6 =	sadd.s32 $0x4000, s5;
	s7 =	sadd.s32 $0x8000, s5  }
0x11: {  	s8 =	sadd.s32 $0xC000, s5;
	s11 =	sshrl.u32 s10, $0x3;
	s9 =	sadd.s32 $0x10000, s5  }
0x12: {  	s10 =	sadd.s32 s12, s11;
	s14 =	sadd.s32 $0x280, s11;
	s11 =	sadd.s32 s13, s11  }
0x13: {  	v0 =	vimm.f32 $0.0e+00;
	s12 =	sadd.s32 s12, s14;
	s13 =	sadd.s32 s13, s14;
	s14 =	sadd.s32 $0x67800, s0  }
.LBB2_9:
0x14: {  	[spmem:s2] =	stream.indirect.scatter.add.f32 [tilespmem:s22], [sflag:$0x4], $0x80, s0, s19, $0xb8;
	[tilespmem:$0x1E800] =	vst v63  }
0x15: {  	_ =	swait.ge [sflag:s28], $0x4000  }
0x16: {  	s31 =	sshll.u32 s3, $0x6;
	s29 =	sadd.s32 $0x1, s29;
	[sflag:s28] =	ssyncset.done $0x0  }
0x17: {  	s30 =	sshrl.u32 s5, $0x3;
	p0 =	sne.s32 s29, s15;
	[sflag:s28] =	ssyncadd.s32 $0xFFFFC000  }
.Ltmp1:
0x18: {  	s0 =	sor.u32 $0x1C05, s31;
	[bflag:$0x0] =	sbarrier.arrive $0xFFFF;
	(pc) =	sbr.rel @!p0 .LBB2_10-.Ltmp1, $4  }
0x19: {  	[hbm:s14], [sflag:s0] =	dma.local [spmem:s30], $0x2800  }
0x1a: {  	_ =	swait.ge [sflag:s16], $0x2800  }
0x1b: {  	[sflag:s16] =	ssyncset.done $0x0  }
0x1c: {  	[sflag:s16] =	ssyncadd.s32 $0xFFFFD800  }
.LBB2_1:
0x1d: {  	s30 =	simm.s32 $0x0;
	s31 =	simm.s32 $0x200  }
.LBB2_2:
0x1e: {  	p0 =	sne.s32 s31, $0xFE00;
	[tilespmem:s30+$0x70] =	vst v0  }
0x1f: {  	[tilespmem:s30+$0x0] =	vst v0  }
0x20: {  	[tilespmem:s30+$0x10] =	vst v0  }
.Ltmp2:
0x21: {  	[tilespmem:s30+$0x20] =	vst v0;
	(pc) =	sbr.rel @p0 .LBB2_2-.Ltmp2, $4  }
0x22: {  	[tilespmem:s30+$0x30] =	vst v0  }
0x23: {  	[tilespmem:s30+$0x40] =	vst v0  }
0x24: {  	[tilespmem:s30+$0x50] =	vst v0  }
0x25: {  	[tilespmem:s30+$0x60] =	vst v0;
	s30 =	sshra.s32 s31, $0x2;
	s31 =	sadd.s32 $0x200, s31  }
0x26: {  	[tilespmem:s30+$0x70] =	vst v0  }
0x27: {  	[tilespmem:s30+$0x0] =	vst v0  }
0x28: {  	[tilespmem:s30+$0x10] =	vst v0  }
0x29: {  	[tilespmem:s30+$0x20] =	vst v0  }
0x2a: {  	[tilespmem:s30+$0x30] =	vst v0  }
0x2b: {  	[tilespmem:s30+$0x40] =	vst v0  }
0x2c: {  	[tilespmem:s30+$0x50] =	vst v0  }
0x2d: {  	[tilespmem:s30+$0x60] =	vst v0  }
0x2e: {  	[spmem:s5] =	stream.linear.scatter [tilespmem:s4], [sflag:$0x5], $0x4000, $0x38;
	[tilespmem:$0x1E800] =	vst v63  }
0x2f: {  	_ =	swait.ge [sflag:s16], $0x4000  }
0x30: {  	[sflag:s16] =	ssyncset.done $0x0  }
0x31: {  	[sflag:s16] =	ssyncadd.s32 $0xFFFFC000  }
0x32: {  	[spmem:s6] =	stream.linear.scatter [tilespmem:s4], [sflag:$0x5], $0x4000, $0x38;
	[tilespmem:$0x1E800] =	vst v63  }
0x33: {  	_ =	swait.ge [sflag:s16], $0x4000  }
0x34: {  	[sflag:s16] =	ssyncset.done $0x0  }
0x35: {  	[sflag:s16] =	ssyncadd.s32 $0xFFFFC000  }
0x36: {  	[spmem:s7] =	stream.linear.scatter [tilespmem:s4], [sflag:$0x5], $0x4000, $0x38;
	[tilespmem:$0x1E800] =	vst v63  }
0x37: {  	_ =	swait.ge [sflag:s16], $0x4000  }
0x38: {  	[sflag:s16] =	ssyncset.done $0x0  }
0x39: {  	[sflag:s16] =	ssyncadd.s32 $0xFFFFC000  }
0x3a: {  	[spmem:s8] =	stream.linear.scatter [tilespmem:s4], [sflag:$0x5], $0x4000, $0x38;
	[tilespmem:$0x1E800] =	vst v63  }
0x3b: {  	_ =	swait.ge [sflag:s16], $0x4000  }
0x3c: {  	[sflag:s16] =	ssyncset.done $0x0  }
0x3d: {  	[sflag:s16] =	ssyncadd.s32 $0xFFFFC000  }
0x3e: {  	[spmem:s9] =	stream.linear.scatter [tilespmem:s4], [sflag:$0x5], $0x4000, $0x38;
	[tilespmem:$0x1E800] =	vst v63  }
0x3f: {  	_ =	swait.ge [sflag:s16], $0x4000  }
0x40: {  	[sflag:s16] =	ssyncset.done $0x0  }
0x41: {  	[sflag:s16] =	ssyncadd.s32 $0xFFFFC000  }
0x42: {  	[bflag:$0x0] =	sbarrier.arrive $0xFFFF  }
0x43: {  	[tilespmem:s17], [sflag:$0x5] =	stream.linear.gather [hbm4b:s10+s4], $0x1400, $0x38;
	[tilespmem:$0x1E800] =	vst v63  }
0x44: {  	_ =	swait.ge [sflag:s16], $0x1400  }
0x45: {  	[sflag:s16] =	ssyncset.done $0x0  }
0x46: {  	[sflag:s16] =	ssyncadd.s32 $0xFFFFEC00  }
0x47: {  	[tilespmem:s18], [sflag:$0x5] =	stream.linear.gather [hbm4b:s11+s4], $0x1400, $0x38;
	[tilespmem:$0x1E800] =	vst v63  }
0x48: {  	_ =	swait.ge [sflag:s16], $0x1400  }
0x49: {  	[sflag:s16] =	ssyncset.done $0x0  }
0x4a: {  	[sflag:s16] =	ssyncadd.s32 $0xFFFFEC00  }
0x4b: {  	[tilespmem:s4], [sflag:$0x1] =	stream.indirect.gather [hbm4b:s1+s19], $0x80, s17, s19, $0xb8;
	[tilespmem:$0x1E800] =	vst v63  }
0x4c: {  	_ =	swait.ge [sflag:s20], $0x4000  }
0x4d: {  	[sflag:s20] =	ssyncset.done $0x0  }
0x4e: {  	[sflag:s20] =	ssyncadd.s32 $0xFFFFC000  }
0x4f: {  	[tilespmem:s22], [sflag:$0x2] =	stream.indirect.gather [hbm4b:s1+s19], $0x80, s21, s19, $0xb8;
	[tilespmem:$0x1E800] =	vst v63  }
0x50: {  	_ = 	snop  }
0x51: {  	[spmem:s2] =	stream.indirect.scatter.add.f32 [tilespmem:s4], [sflag:$0x3], $0x80, s18, s19, $0xb8;
	[tilespmem:$0x1E800] =	vst v63  }
0x52: {  	_ =	swait.ge [sflag:s23], $0x4000  }
0x53: {  	[sflag:s23] =	ssyncset.done $0x0  }
0x54: {  	[sflag:s23] =	ssyncadd.s32 $0xFFFFC000  }
0x55: {  	_ =	swait.ge [sflag:s24], $0x4000  }
0x56: {  	[sflag:s24] =	ssyncset.done $0x0  }
0x57: {  	[sflag:s24] =	ssyncadd.s32 $0xFFFFC000  }
0x58: {  	[tilespmem:s4], [sflag:$0x1] =	stream.indirect.gather [hbm4b:s1+s19], $0x80, s25, s19, $0xb8;
	[tilespmem:$0x1E800] =	vst v63  }
0x59: {  	s30 =	simm.s32 $0xFFFFB800  }
0x5a: {  	[spmem:s2] =	stream.indirect.scatter.add.f32 [tilespmem:s22], [sflag:$0x4], $0x80, s26, s19, $0xb8;
	[tilespmem:$0x1E800] =	vst v63  }
.LBB2_4:
0x5b: {  	_ =	swait.ge [sflag:s20], $0x4000  }
0x5c: {  	[sflag:s20] =	ssyncset.done $0x0  }
0x5d: {  	[sflag:s20] =	ssyncadd.s32 $0xFFFFC000  }
0x5e: {  	_ =	swait.ge [sflag:s28], $0x4000  }
0x5f: {  	s31 =	sshra.s32 s30, $0x2;
	[sflag:s28] =	ssyncset.done $0x0  }
0x60: {  	s0 =	sadd.s32 $0x9380, s31;
	[sflag:s28] =	ssyncadd.s32 $0xFFFFC000  }
0x61: {  	[tilespmem:s22], [sflag:$0x2] =	stream.indirect.gather [hbm4b:s1+s19], $0x80, s0, s19, $0xb8;
	[tilespmem:$0x1E800] =	vst v63  }
0x62: {  	s0 =	sadd.s32 $0xA700, s31  }
0x63: {  	[spmem:s2] =	stream.indirect.scatter.add.f32 [tilespmem:s4], [sflag:$0x3], $0x80, s0, s19, $0xb8;
	[tilespmem:$0x1E800] =	vst v63  }
0x64: {  	p0 =	seq.s32 s30, $0x0;
	_ =	swait.ge [sflag:s23], $0x4000  }
.Ltmp3:
0x65: {  	[sflag:s23] =	ssyncset.done $0x0;
	(pc) =	sbr.rel @p0 .LBB2_6-.Ltmp3, $4  }
0x66: {  	[sflag:s23] =	ssyncadd.s32 $0xFFFFC000  }
0x67: {  	_ =	swait.ge [sflag:s24], $0x4000  }
0x68: {  	[sflag:s24] =	ssyncset.done $0x0  }
0x69: {  	s0 =	sadd.s32 $0xA780, s31;
	[sflag:s24] =	ssyncadd.s32 $0xFFFFC000  }
.Ltmp4:
0x6a: {  	(pc) =	sbr.rel .LBB2_4-.Ltmp4, $4  }
0x6b: {  	s31 =	sadd.s32 $0x9400, s31  }
0x6c: {  	[tilespmem:s4], [sflag:$0x1] =	stream.indirect.gather [hbm4b:s1+s19], $0x80, s31, s19, $0xb8;
	[tilespmem:$0x1E800] =	vst v63  }
0x6d: {  	s30 =	sadd.s32 $0x400, s30  }
0x6e: {  	[spmem:s2] =	stream.indirect.scatter.add.f32 [tilespmem:s22], [sflag:$0x4], $0x80, s0, s19, $0xb8;
	[tilespmem:$0x1E800] =	vst v63  }
.LBB2_6:
0x6f: {  	[spmem:s2] =	stream.indirect.scatter.add.f32 [tilespmem:s22], [sflag:$0x4], $0x80, s0, s19, $0xb8;
	[tilespmem:$0x1E800] =	vst v63  }
0x70: {  	_ =	swait.ge [sflag:s28], $0x4000  }
0x71: {  	[sflag:s28] =	ssyncset.done $0x0  }
0x72: {  	[sflag:s28] =	ssyncadd.s32 $0xFFFFC000  }
0x73: {  	[tilespmem:s17], [sflag:$0x5] =	stream.linear.gather [hbm4b:s12+s4], $0x1400, $0x38;
	[tilespmem:$0x1E800] =	vst v63  }
0x74: {  	_ =	swait.ge [sflag:s16], $0x1400  }
0x75: {  	[sflag:s16] =	ssyncset.done $0x0  }
0x76: {  	[sflag:s16] =	ssyncadd.s32 $0xFFFFEC00  }
0x77: {  	[tilespmem:s18], [sflag:$0x5] =	stream.linear.gather [hbm4b:s13+s4], $0x1400, $0x38;
	[tilespmem:$0x1E800] =	vst v63  }
0x78: {  	_ =	swait.ge [sflag:s16], $0x1400  }
0x79: {  	[sflag:s16] =	ssyncset.done $0x0  }
0x7a: {  	[sflag:s16] =	ssyncadd.s32 $0xFFFFEC00  }
0x7b: {  	[tilespmem:s4], [sflag:$0x1] =	stream.indirect.gather [hbm4b:s1+s19], $0x80, s17, s19, $0xb8;
	[tilespmem:$0x1E800] =	vst v63  }
0x7c: {  	_ =	swait.ge [sflag:s20], $0x4000  }
0x7d: {  	[sflag:s20] =	ssyncset.done $0x0  }
0x7e: {  	[sflag:s20] =	ssyncadd.s32 $0xFFFFC000  }
0x7f: {  	[tilespmem:s22], [sflag:$0x2] =	stream.indirect.gather [hbm4b:s1+s19], $0x80, s21, s19, $0xb8;
	[tilespmem:$0x1E800] =	vst v63  }
0x80: {  	_ = 	snop  }
0x81: {  	[spmem:s2] =	stream.indirect.scatter.add.f32 [tilespmem:s4], [sflag:$0x3], $0x80, s18, s19, $0xb8;
	[tilespmem:$0x1E800] =	vst v63  }
0x82: {  	_ =	swait.ge [sflag:s23], $0x4000  }
0x83: {  	[sflag:s23] =	ssyncset.done $0x0  }
0x84: {  	[sflag:s23] =	ssyncadd.s32 $0xFFFFC000  }
0x85: {  	_ =	swait.ge [sflag:s24], $0x4000  }
0x86: {  	[sflag:s24] =	ssyncset.done $0x0  }
0x87: {  	[sflag:s24] =	ssyncadd.s32 $0xFFFFC000  }
0x88: {  	[tilespmem:s4], [sflag:$0x1] =	stream.indirect.gather [hbm4b:s1+s19], $0x80, s25, s19, $0xb8;
	[tilespmem:$0x1E800] =	vst v63  }
0x89: {  	s30 =	simm.s32 $0xFFFFB800  }
0x8a: {  	[spmem:s2] =	stream.indirect.scatter.add.f32 [tilespmem:s22], [sflag:$0x4], $0x80, s26, s19, $0xb8;
	[tilespmem:$0x1E800] =	vst v63  }
.LBB2_7:
0x8b: {  	_ =	swait.ge [sflag:s20], $0x4000  }
0x8c: {  	[sflag:s20] =	ssyncset.done $0x0  }
0x8d: {  	[sflag:s20] =	ssyncadd.s32 $0xFFFFC000  }
0x8e: {  	_ =	swait.ge [sflag:s28], $0x4000  }
0x8f: {  	s31 =	sshra.s32 s30, $0x2;
	[sflag:s28] =	ssyncset.done $0x0  }
0x90: {  	s0 =	sadd.s32 $0x9380, s31;
	[sflag:s28] =	ssyncadd.s32 $0xFFFFC000  }
0x91: {  	[tilespmem:s22], [sflag:$0x2] =	stream.indirect.gather [hbm4b:s1+s19], $0x80, s0, s19, $0xb8;
	[tilespmem:$0x1E800] =	vst v63  }
0x92: {  	s0 =	sadd.s32 $0xA700, s31  }
0x93: {  	[spmem:s2] =	stream.indirect.scatter.add.f32 [tilespmem:s4], [sflag:$0x3], $0x80, s0, s19, $0xb8;
	[tilespmem:$0x1E800] =	vst v63  }
0x94: {  	p0 =	seq.s32 s30, $0x0;
	_ =	swait.ge [sflag:s23], $0x4000  }
.Ltmp5:
0x95: {  	[sflag:s23] =	ssyncset.done $0x0;
	(pc) =	sbr.rel @p0 .LBB2_9-.Ltmp5, $4  }
0x96: {  	[sflag:s23] =	ssyncadd.s32 $0xFFFFC000  }
0x97: {  	_ =	swait.ge [sflag:s24], $0x4000  }
0x98: {  	[sflag:s24] =	ssyncset.done $0x0  }
0x99: {  	s0 =	sadd.s32 $0xA780, s31;
	[sflag:s24] =	ssyncadd.s32 $0xFFFFC000  }
.Ltmp6:
0x9a: {  	(pc) =	sbr.rel .LBB2_7-.Ltmp6, $4  }
0x9b: {  	s31 =	sadd.s32 $0x9400, s31  }
0x9c: {  	[tilespmem:s4], [sflag:$0x1] =	stream.indirect.gather [hbm4b:s1+s19], $0x80, s31, s19, $0xb8;
	[tilespmem:$0x1E800] =	vst v63  }
0x9d: {  	s30 =	sadd.s32 $0x400, s30  }
0x9e: {  	[spmem:s2] =	stream.indirect.scatter.add.f32 [tilespmem:s22], [sflag:$0x4], $0x80, s0, s19, $0xb8;
	[tilespmem:$0x1E800] =	vst v63  }
.LBB2_10:
0x9f: {  	_ =	sfence.sel $0x180000  }
0xa0: {  	[bflag:$0x0] =	sbarrier.arrive $0xFFFF  }
0xa1: {  	_ =	strace $0x9000004A  }
0xa2: {  	[bflag:$0x2] =	sbarrier.arrive $0xFFFF  }
0xa3: {  	p0 =	sne.s32 s3, $0x0;
	s0 =	rddreg [dreg:$0x3]  }
0xa4: {  	s0 =	sadd.s32 @!p0 $0x100000, s0  }
0xa5: {  	[sflag:s0] =	ssyncadd.tile.s32 @!p0 $0x1;
	_ =	shalt  }
.Lfunc_end2:
_tile_overlayer_lowered:
.L_overlay_start_2:
0xa6: {  	(tag) =	ssettag $0x2  }
0xa7: {  	s0 =	rddreg [dreg:$0x0];
	s2 =	stileid.u32  }
0xa8: {  	s1 =	rddreg [dreg:$0x1];
	p0 =	sne.s32 s2, $0x0  }
0xa9: {  	s3 =	rddreg [dreg:$0x2];
	[bflag:$0x3] =	sbarrier.arrive $0xFFFF;
	s2 =	simm.s32 @!p0 $0x1C05  }
0xaa: {  	[timem:s3], [sflag:s2] =	dma.local @!p0 [hbm:s0], s1  }
0xab: {  	s0 =	simm.s32 @!p0 $0x5  }
0xac: {  	_ =	swait.ge @!p0 [sflag:s0], s1  }
0xad: {  	s1 =	ssub.s32 @!p0 $0x0, s1;
	[sflag:s0] =	ssyncset.done @!p0 $0x0  }
0xae: {  	[sflag:s0] =	ssyncadd.s32 @!p0 s1  }
0xaf: {  	[bflag:$0x3] =	sbarrier.arrive $0xFFFF  }
0xb0: {  	_ =	shalt  }

// kernel: kernel.16.cloned.1.call-start
scs
__scs_entry_jumppad:
0x0: {  	(pc) =	sbr.rel $0x88, $3  }
0x1: {  	(tag) =	ssettag $0x0;
	lr =	simm.s32 $0x1  }
0x2: {  	[smem:$0x3F99] =	sst lr;
	_ =	strace $0xD0000000  }
0x3: {  	_ = 	snop  }
0x4: {  	_ = 	snop  }
0x5: {  	_ = 	snop  }
0x6: {  	_ = 	snop  }
0x7: {  	_ = 	snop  }
__scs_overlays_trampoline_lowered:
0x8: {  	[smem:$0x3FA8] =	sst s0  }
0x9: {  	[smem:$0x3FA9] =	sst s1  }
0xa: {  	[smem:$0x3FAA] =	sst s2  }
0xb: {  	[smem:$0x3FAB] =	sst s3  }
0xc: {  	[smem:$0x3FAC] =	sst s4  }
0xd: {  	[smem:$0x3FAD] =	sst s5  }
0xe: {  	[smem:$0x3FAE] =	sst s6  }
0xf: {  	[smem:$0x3FAF] =	sst s7  }
0x10: {  	[smem:$0x3FB0] =	sst s8  }
0x11: {  	[smem:$0x3FB1] =	sst s9;
	s0 =	simm.s32 @!p0 $0x0  }
0x12: {  	s1 =	sld [smem:$0x3F97];
	s0 =	simm.s32 @p0 $0x1  }
0x13: {  	[smem:$0x3FB2] =	sst s0;
	s0 =	simm.s32 @!p1 $0x0  }
0x14: {  	s2 =	sld [smem:$0x3F96];
	s0 =	simm.s32 @p1 $0x1  }
0x15: {  	[smem:$0x3FB3] =	sst s0;
	s0 =	simm.s32 @!p2 $0x0  }
0x16: {  	s3 =	sld [smem:$0x3FDB];
	s0 =	simm.s32 @p2 $0x1  }
0x17: {  	s4 =	simm.s32 $0x1BF5;
	[smem:$0x3FB5] =	sst s0  }
0x18: {  	s0 =	sld [smem:$0x3F98];
	_ =	swait.ge [sflag:s4], $0x0  }
0x19: {  	s7 =	sld [smem:$0x3F99]  }
0x1a: {  	s8 =	sadd.s32 $0xFFFFE003, lr  }
0x1b: {  	s9 =	sadd.s32 $0xFFFFFEF7, lr;
	s5 =	simm.s32 $0xFFFFFFFF;
	p2 =	slt.u32 s8, $0xFFFFF086  }
0x1c: {  	p1 =	slt.u32 s9, $0xF7A;
	s5 =	simm.s32 @!p2 $0x0  }
0x1d: {  	s5 =	simm.s32 @p1 $0x1;
	p0 =	seq.s32 s7, s2  }
0x1e: {  	s7 =	smul.u32 @!p0 $0xF7A, s2;
	p2 =	seq.s32 @!p0 s5, $0x0  }
0x1f: {  	s9 =	smul.u32 $0xF7A, s1;
	s8 =	simm.s32 @!p0 $0x1BF5;
	p2 =	por !p2, p0  }
0x20: {  	[sflag:s8] =	ssyncset.s32 @!p0 $0xFFFFF086;
	s6 =	sadd.s32 @!p0 s3, s7;
	s7 =	simm.s32 @!p0 $0x108  }
0x21: {  	s3 =	sadd.s32 s3, s9;
	s6 =	sadd.s32 @!p0 $0x88, s6;
	s7 =	simm.s32 @p2 $0x1082  }
0x22: {  	[simem:s7], [sflag:s8] =	dma.local @!p0 [hbm:s6], $0xF7A  }
0x23: {  	s9 =	sor.u32 $0xD0000000, s2;
	s6 =	simm.s32 $0x108;
	_ =	swait.ge @!p0 [sflag:s8], $0x0  }
0x24: {  	s3 =	sadd.s32 $0x88, s3;
	s6 =	simm.s32 @!p1 $0x1082;
	[sflag:s4] =	ssyncset.s32 $0xFFFFF086  }
0x25: {  	[simem:s6], [sflag:s4] =	dma.local [hbm:s3], $0xF7A  }
0x26: {  	[smem:$0x3F99] =	sst s1;
	(tag) =	ssettag s2;
	_ =	strace s9  }
0x27: {  	s1 =	sld [smem:$0x3FA9]  }
0x28: {  	s2 =	sld [smem:$0x3FAA]  }
0x29: {  	s4 =	sld [smem:$0x3FAC]  }
0x2a: {  	p0 =	seq.s32 s5, $0x0;
	s5 =	sld [smem:$0x3FAD]  }
0x2b: {  	s6 =	sld [smem:$0x3FAE]  }
0x2c: {  	s7 =	sld [smem:$0x3FAF]  }
0x2d: {  	s3 =	simm.s32 $0x108;
	s8 =	sld [smem:$0x3FB0]  }
0x2e: {  	s3 =	simm.s32 @!p0 $0x1082;
	s9 =	sld [smem:$0x3FB1]  }
0x2f: {  	lr =	sadd.s32 s0, s3;
	s0 =	sld [smem:$0x3FA8]  }
0x30: {  	s3 =	sld [smem:$0x3FAB]  }
0x31: {  	[smem:$0x3FB4] =	sst s10  }
0x32: {  	s10 =	sld [smem:$0x3FB2];
	_ =	sdelay $0x3  }
0x33: {  	p0 =	seq.s32 s10, $0x1;
	s10 =	sld [smem:$0x3FB4];
	_ =	sdelay $0x3  }
0x34: {  	[smem:$0x3FB4] =	sst s10  }
0x35: {  	s10 =	sld [smem:$0x3FB3];
	_ =	sdelay $0x3  }
0x36: {  	p1 =	seq.s32 s10, $0x1;
	s10 =	sld [smem:$0x3FB4];
	_ =	sdelay $0x3  }
0x37: {  	[smem:$0x3FB4] =	sst s10  }
0x38: {  	s10 =	sld [smem:$0x3FB5]  }
0x39: {  	_ = 	snop;
	(pc) =	sbr.ind lr, $3  }
0x3a: {  	_ = 	snop  }
0x3b: {  	_ = 	snop  }
0x3c: {  	p2 =	seq.s32 s10, $0x1;
	s10 =	sld [smem:$0x3FB4]  }
0x3d: {  	_ =	shalt  }
0x3e: {  	_ =	shalt  }
0x3f: {  	_ =	shalt  }
0x40: {  	_ =	shalt  }
0x41: {  	_ =	shalt  }
0x42: {  	_ =	shalt  }
0x43: {  	_ =	shalt  }
0x44: {  	_ =	shalt  }
0x45: {  	_ =	shalt  }
0x46: {  	_ =	shalt  }
0x47: {  	_ =	shalt  }
0x48: {  	_ =	shalt  }
0x49: {  	_ =	shalt  }
0x4a: {  	_ =	shalt  }
0x4b: {  	_ =	shalt  }
0x4c: {  	_ =	shalt  }
0x4d: {  	_ =	shalt  }
0x4e: {  	_ =	shalt  }
0x4f: {  	_ =	shalt  }
0x50: {  	_ =	shalt  }
0x51: {  	_ =	shalt  }
0x52: {  	_ =	shalt  }
0x53: {  	_ =	shalt  }
0x54: {  	_ =	shalt  }
0x55: {  	_ =	shalt  }
0x56: {  	_ =	shalt  }
0x57: {  	_ =	shalt  }
0x58: {  	_ =	shalt  }
0x59: {  	_ =	shalt  }
0x5a: {  	_ =	shalt  }
0x5b: {  	_ =	shalt  }
0x5c: {  	_ =	shalt  }
0x5d: {  	_ =	shalt  }
0x5e: {  	_ =	shalt  }
0x5f: {  	_ =	shalt  }
0x60: {  	_ =	shalt  }
0x61: {  	_ =	shalt  }
0x62: {  	_ =	shalt  }
0x63: {  	_ =	shalt  }
0x64: {  	_ =	shalt  }
0x65: {  	_ =	shalt  }
0x66: {  	_ =	shalt  }
0x67: {  	_ =	shalt  }
0x68: {  	_ =	shalt  }
0x69: {  	_ =	shalt  }
0x6a: {  	_ =	shalt  }
0x6b: {  	_ =	shalt  }
0x6c: {  	_ =	shalt  }
0x6d: {  	_ =	shalt  }
0x6e: {  	_ =	shalt  }
0x6f: {  	_ =	shalt  }
0x70: {  	_ =	shalt  }
0x71: {  	_ =	shalt  }
0x72: {  	_ =	shalt  }
0x73: {  	_ =	shalt  }
0x74: {  	_ =	shalt  }
0x75: {  	_ =	shalt  }
0x76: {  	_ =	shalt  }
0x77: {  	_ =	shalt  }
0x78: {  	_ =	shalt  }
0x79: {  	_ =	shalt  }
0x7a: {  	_ =	shalt  }
0x7b: {  	_ =	shalt  }
0x7c: {  	_ =	shalt  }
0x7d: {  	_ =	shalt  }
0x7e: {  	_ =	shalt  }
0x7f: {  	_ =	shalt  }
0x80: {  	_ =	shalt  }
0x81: {  	_ =	shalt  }
0x82: {  	_ =	shalt  }
0x83: {  	_ =	shalt  }
0x84: {  	_ =	shalt  }
0x85: {  	_ =	shalt  }
0x86: {  	_ =	shalt  }
0x87: {  	_ =	shalt  }
.Lfunc_end0:
.L_simem_size_0:
called_computation.2_lowered:
.L_overlay_start_0:
0x88: {  	s2 =	sld [smem:$0x3FD9]  }
0x89: {  	s3 =	sld [smem:$0x3FFE];
	_ =	sdelay $0x1  }
0x8a: {  	s1 =	srdreg.scid  }
0x8b: {  	s0 =	sand.u32 $0x1, s1  }
0x8c: {  	s17 =	sshll.u32 s0, $0xA;
	s2 =	sadd.s32 s3, s2  }
0x8d: {  	s2 =	sadd.s32 s2, s17  }
0x8e: {  	[smem:$0x3FC0] =	sst s2  }
0x8f: {  	_ = 	snop  }
0x90: {  	s2 =	sld [smem:$0x3FD0];
	(tm) =	ssettm $0x1  }
0x91: {  	s18 =	sld [smem:$0x3FFB];
	_ =	sdelay $0x3  }
0x92: {  	_ =	strace s18  }
0x93: {  	s3 =	sld [smem:$0x3FFC];
	_ =	sdelay $0x3  }
0x94: {  	_ =	strace s3  }
0x95: {  	s3 =	sld [smem:$0x3FFD];
	_ =	sdelay $0x3  }
0x96: {  	_ =	strace s3  }
0x97: {  	_ =	strace $0x8FFFFFFF  }
0x98: {  	s19 =	sld [smem:$0x3FDB];
	_ =	sdelay $0x1  }
0x99: {  	s4 =	simm.s32 $_scs_section_size  }
0x9a: {  	s5 =	simm.s32 $_size__tile_overlayer_lowered;
	s6 =	simm.s32 $_tile_overlayer_lowered  }
0x9b: {  	s22 =	simm.s32 $0x1BFF;
	s21 =	sshll.u32 s6, $0x1;
	s3 =	sadd.s32 s4, s19  }
0x9c: {  	s7 =	simm.s32 $0x0;
	s20 =	sshll.u32 s5, $0x1;
	s5 =	sadd.s32 s21, s3  }
0x9d: {  	[timem:s7], [sflag:s22] =	dma.local [hbm:s5], s20  }
0x9e: {  	_ =	swait.ge [sflag:s22], s20  }
0x9f: {  	s4 =	ssub.s32 $0x0, s20;
	[sflag:s22] =	ssyncset.done $0x0  }
0xa0: {  	[sflag:s22] =	ssyncadd.s32 s4;
	_ =	sdelay $0x1  }
0xa1: {  	s23 =	simm.s32 $0x1B8B  }
0xa2: {  	_ =	swait.ge [sflag:s23], $0x1  }
0xa3: {  	[sflag:s23] =	ssyncset.done $0x0  }
0xa4: {  	s25 =	simm.s32 $0x1B8E;
	s24 =	sld [smem:$0x3FFE];
	[sflag:s23] =	ssyncadd.s32 $0xFFFFFFFF  }
0xa5: {  	s26 =	simm.s32 $execute0_lowered;
	[smem:$0x3FD2] =	sst s25  }
0xa6: {  	s5 =	sshll.u32 s26, $0x1;
	_ =	strace $0x8000004C;
	[dreg:$0x1] =	wrdreg $0xFFFFFFFF  }
0xa7: {  	s28 =	simm.s32 $_size_execute0_lowered;
	s3 =	sadd.s32 s3, s5;
	[dreg:$0x0] =	wrdreg $0x0  }
0xa8: {  	s5 =	sshll.u32 s28, $0x1;
	[dreg:$0x2] =	wrdreg s3  }
0xa9: {  	[dreg:$0x3] =	wrdreg s5  }
0xaa: {  	[dreg:$0x4] =	wrdreg $0xC0  }
0xab: {  	_ =	task [dreg:s7], $0x5FFFF  }
0xac: {  	[dreg:$0x1] =	wrdreg $0xFFFFFFFF  }
0xad: {  	[dreg:$0x0] =	wrdreg $0x60  }
0xae: {  	[dreg:$0x2] =	wrdreg s2  }
0xaf: {  	[dreg:$0x3] =	wrdreg s24  }
0xb0: {  	[dreg:$0x4] =	wrdreg $0xA8000  }
0xb1: {  	[dreg:$0x5] =	wrdreg $0x9  }
0xb2: {  	_ =	task.clear_ibuf [dreg:s7], $0x6FFFF;
	_ =	strace $0x9000004C  }
0xb3: {  	s29 =	simm.s32 $0x9;
	_ =	strace $0x8000004E  }
0xb4: {  	_ =	swait.ge [sflag:s29], $0x1  }
0xb5: {  	[sflag:s29] =	ssyncadd.s32 $0xFFFFFFFF  }
0xb6: {  	_ =	strace $0x9000004E  }
0xb7: {  	_ =	sfence  }
0xb8: {  	s30 =	sld [smem:$0x0];
	_ =	sdelay $0x2  }
0xb9: {  	s31 =	sshll.u32 s1, $0xD;
	s1 =	sshrl.u32 s1, $0x2  }
0xba: {  	s3 =	sand.u32 $0x4000, s31;
	s1 =	sadd.s32 s1, s30  }
0xbb: {  	s0 =	sor.u32 s3, s0;
	s1 =	sshll.u32 s1, $0x11  }
0xbc: {  	s0 =	sor.u32 s1, s0  }
0xbd: {  	s0 =	sadd.s32 $0x8F2B, s0  }
0xbe: {  	[sflag:s0] =	ssyncadd.remote.s32 $0x1  }
0xbf: {  	_ =	sfence.sel $0xFFFF  }
0xc0: {  	[dreg:$0x0] =	wrdreg $0xFFFFFFFF;
	(pc) =	sbr.abs _section_cstart, $3  }
0xc1: {  	[dreg:$0x1] =	wrdreg $0xFFFFFFFF  }
0xc2: {  	_ =	task.clear_ibuf [dreg:s7], $0x2FFFF;
	_ =	strace $0x9FFFFFFF  }
0xc3: {  	(tm) =	ssettm $0x7FFFFFFF  }
tec
execute0_lowered:
.L_overlay_start_1:
0x0: {  	(tag) =	ssettag $0x1  }
0x1: {  	s1 =	rddreg [dreg:$0x0]  }
0x2: {  	s0 =	rddreg [dreg:$0x1]  }
0x3: {  	s2 =	rddreg [dreg:$0x2]  }
0x4: {  	s3 =	srdreg.scid;
	s4 =	simm.s32 $0x0;
	s16 =	simm.s32 $0x5  }
0x5: {  	s17 =	simm.s32 $0x8000;
	s18 =	simm.s32 $0x9400;
	s19 =	simm.s32 $0x80  }
0x6: {  	s20 =	simm.s32 $0x1;
	s21 =	simm.s32 $0x8080;
	s22 =	simm.s32 $0x4000  }
0x7: {  	s23 =	simm.s32 $0x2;
	s24 =	simm.s32 $0x3;
	s25 =	simm.s32 $0x8100  }
0x8: {  	s28 =	simm.s32 $0x4;
	s5 =	sand.u32 $0x1, s3;
	s3 =	stileid.u32  }
0x9: {  	s29 =	simm.s32 $0x0;
	[smem:$0x7FF] =	sst s4;
	s6 =	smul.u32 $0x140000, s5  }
0xa: {  	s12 =	sadd.s32 $0xD800, s0;
	s13 =	sadd.s32 $0x3800, s0;
	s7 =	smul.u32 $0x14000, s3  }
0xb: {  	s26 =	smul.u32 $0x50000, s3;
	s8 =	sshll.u32 s3, $0x1;
	s9 =	ssub.s32 $0x2, s5  }
0xc: {  	_ =	strace $0x8000004D;
	s8 =	sor.u32 s5, s8;
	s31 =	sshrl.u32 s9, $0x1  }
0xd: {  	s6 =	sadd.s32 s7, s6;
	s30 =	sshrl.u32 s26, $0x2;
	s10 =	smul.u32 $0x2800, s8  }
0xe: {  	s15 =	ssub.s32 s9, s31;
	s26 =	simm.s32 $0x9480;
	s6 =	sshrl.u32 s6, $0x3  }
.Ltmp0:
0xf: {  	s5 =	sadd.s32 s30, s2;
	s15 =	smax.u32 s15, $0x1;
	(pc) =	sbr.rel .LBB2_1-.Ltmp0, $4  }
0x10: {  	s0 =	sadd.s32 s6, s0;
	s6 =	sadd.s32 $0x4000, s5;
	s7 =	sadd.s32 $0x8000, s5  }
0x11: {  	s8 =	sadd.s32 $0xC000, s5;
	s11 =	sshrl.u32 s10, $0x3;
	s9 =	sadd.s32 $0x10000, s5  }
0x12: {  	s10 =	sadd.s32 s12, s11;
	s14 =	sadd.s32 $0x280, s11;
	s11 =	sadd.s32 s13, s11  }
0x13: {  	v0 =	vimm.f32 $0.0e+00;
	s12 =	sadd.s32 s12, s14;
	s13 =	sadd.s32 s13, s14;
	s14 =	sadd.s32 $0x67800, s0  }
.LBB2_9:
0x14: {  	[spmem:s2] =	stream.indirect.scatter.add.f32 [tilespmem:s22], [sflag:$0x4], $0x80, s0, s19, $0xb8;
	[tilespmem:$0x1E800] =	vst v63  }
0x15: {  	_ =	swait.ge [sflag:s28], $0x4000  }
0x16: {  	s31 =	sshll.u32 s3, $0x6;
	s29 =	sadd.s32 $0x1, s29;
	[sflag:s28] =	ssyncset.done $0x0  }
0x17: {  	s30 =	sshrl.u32 s5, $0x3;
	p0 =	sne.s32 s29, s15;
	[sflag:s28] =	ssyncadd.s32 $0xFFFFC000  }
.Ltmp1:
0x18: {  	s0 =	sor.u32 $0x1C05, s31;
	[bflag:$0x0] =	sbarrier.arrive $0xFFFF;
	(pc) =	sbr.rel @!p0 .LBB2_10-.Ltmp1, $4  }
0x19: {  	[hbm:s14], [sflag:s0] =	dma.local [spmem:s30], $0x2800  }
0x1a: {  	_ =	swait.ge [sflag:s16], $0x2800  }
0x1b: {  	[sflag:s16] =	ssyncset.done $0x0  }
0x1c: {  	[sflag:s16] =	ssyncadd.s32 $0xFFFFD800  }
.LBB2_1:
0x1d: {  	s30 =	simm.s32 $0x0;
	s31 =	simm.s32 $0x200  }
.LBB2_2:
0x1e: {  	p0 =	sne.s32 s31, $0xFE00;
	[tilespmem:s30+$0x70] =	vst v0  }
0x1f: {  	[tilespmem:s30+$0x0] =	vst v0  }
0x20: {  	[tilespmem:s30+$0x10] =	vst v0  }
.Ltmp2:
0x21: {  	[tilespmem:s30+$0x20] =	vst v0;
	(pc) =	sbr.rel @p0 .LBB2_2-.Ltmp2, $4  }
0x22: {  	[tilespmem:s30+$0x30] =	vst v0  }
0x23: {  	[tilespmem:s30+$0x40] =	vst v0  }
0x24: {  	[tilespmem:s30+$0x50] =	vst v0  }
0x25: {  	[tilespmem:s30+$0x60] =	vst v0;
	s30 =	sshra.s32 s31, $0x2;
	s31 =	sadd.s32 $0x200, s31  }
0x26: {  	[tilespmem:s30+$0x70] =	vst v0  }
0x27: {  	[tilespmem:s30+$0x0] =	vst v0  }
0x28: {  	[tilespmem:s30+$0x10] =	vst v0  }
0x29: {  	[tilespmem:s30+$0x20] =	vst v0  }
0x2a: {  	[tilespmem:s30+$0x30] =	vst v0  }
0x2b: {  	[tilespmem:s30+$0x40] =	vst v0  }
0x2c: {  	[tilespmem:s30+$0x50] =	vst v0  }
0x2d: {  	[tilespmem:s30+$0x60] =	vst v0  }
0x2e: {  	[spmem:s5] =	stream.linear.scatter [tilespmem:s4], [sflag:$0x5], $0x4000, $0x38;
	[tilespmem:$0x1E800] =	vst v63  }
0x2f: {  	_ =	swait.ge [sflag:s16], $0x4000  }
0x30: {  	[sflag:s16] =	ssyncset.done $0x0  }
0x31: {  	[sflag:s16] =	ssyncadd.s32 $0xFFFFC000  }
0x32: {  	[spmem:s6] =	stream.linear.scatter [tilespmem:s4], [sflag:$0x5], $0x4000, $0x38;
	[tilespmem:$0x1E800] =	vst v63  }
0x33: {  	_ =	swait.ge [sflag:s16], $0x4000  }
0x34: {  	[sflag:s16] =	ssyncset.done $0x0  }
0x35: {  	[sflag:s16] =	ssyncadd.s32 $0xFFFFC000  }
0x36: {  	[spmem:s7] =	stream.linear.scatter [tilespmem:s4], [sflag:$0x5], $0x4000, $0x38;
	[tilespmem:$0x1E800] =	vst v63  }
0x37: {  	_ =	swait.ge [sflag:s16], $0x4000  }
0x38: {  	[sflag:s16] =	ssyncset.done $0x0  }
0x39: {  	[sflag:s16] =	ssyncadd.s32 $0xFFFFC000  }
0x3a: {  	[spmem:s8] =	stream.linear.scatter [tilespmem:s4], [sflag:$0x5], $0x4000, $0x38;
	[tilespmem:$0x1E800] =	vst v63  }
0x3b: {  	_ =	swait.ge [sflag:s16], $0x4000  }
0x3c: {  	[sflag:s16] =	ssyncset.done $0x0  }
0x3d: {  	[sflag:s16] =	ssyncadd.s32 $0xFFFFC000  }
0x3e: {  	[spmem:s9] =	stream.linear.scatter [tilespmem:s4], [sflag:$0x5], $0x4000, $0x38;
	[tilespmem:$0x1E800] =	vst v63  }
0x3f: {  	_ =	swait.ge [sflag:s16], $0x4000  }
0x40: {  	[sflag:s16] =	ssyncset.done $0x0  }
0x41: {  	[sflag:s16] =	ssyncadd.s32 $0xFFFFC000  }
0x42: {  	[bflag:$0x0] =	sbarrier.arrive $0xFFFF  }
0x43: {  	[tilespmem:s17], [sflag:$0x5] =	stream.linear.gather [hbm4b:s10+s4], $0x1400, $0x38;
	[tilespmem:$0x1E800] =	vst v63  }
0x44: {  	_ =	swait.ge [sflag:s16], $0x1400  }
0x45: {  	[sflag:s16] =	ssyncset.done $0x0  }
0x46: {  	[sflag:s16] =	ssyncadd.s32 $0xFFFFEC00  }
0x47: {  	[tilespmem:s18], [sflag:$0x5] =	stream.linear.gather [hbm4b:s11+s4], $0x1400, $0x38;
	[tilespmem:$0x1E800] =	vst v63  }
0x48: {  	_ =	swait.ge [sflag:s16], $0x1400  }
0x49: {  	[sflag:s16] =	ssyncset.done $0x0  }
0x4a: {  	[sflag:s16] =	ssyncadd.s32 $0xFFFFEC00  }
0x4b: {  	[tilespmem:s4], [sflag:$0x1] =	stream.indirect.gather [hbm4b:s1+s19], $0x80, s17, s19, $0xb8;
	[tilespmem:$0x1E800] =	vst v63  }
0x4c: {  	_ =	swait.ge [sflag:s20], $0x4000  }
0x4d: {  	[sflag:s20] =	ssyncset.done $0x0  }
0x4e: {  	[sflag:s20] =	ssyncadd.s32 $0xFFFFC000  }
0x4f: {  	[tilespmem:s22], [sflag:$0x2] =	stream.indirect.gather [hbm4b:s1+s19], $0x80, s21, s19, $0xb8;
	[tilespmem:$0x1E800] =	vst v63  }
0x50: {  	_ = 	snop  }
0x51: {  	[spmem:s2] =	stream.indirect.scatter.add.f32 [tilespmem:s4], [sflag:$0x3], $0x80, s18, s19, $0xb8;
	[tilespmem:$0x1E800] =	vst v63  }
0x52: {  	_ =	swait.ge [sflag:s23], $0x4000  }
0x53: {  	[sflag:s23] =	ssyncset.done $0x0  }
0x54: {  	[sflag:s23] =	ssyncadd.s32 $0xFFFFC000  }
0x55: {  	_ =	swait.ge [sflag:s24], $0x4000  }
0x56: {  	[sflag:s24] =	ssyncset.done $0x0  }
0x57: {  	[sflag:s24] =	ssyncadd.s32 $0xFFFFC000  }
0x58: {  	[tilespmem:s4], [sflag:$0x1] =	stream.indirect.gather [hbm4b:s1+s19], $0x80, s25, s19, $0xb8;
	[tilespmem:$0x1E800] =	vst v63  }
0x59: {  	s30 =	simm.s32 $0xFFFFB800  }
0x5a: {  	[spmem:s2] =	stream.indirect.scatter.add.f32 [tilespmem:s22], [sflag:$0x4], $0x80, s26, s19, $0xb8;
	[tilespmem:$0x1E800] =	vst v63  }
.LBB2_4:
0x5b: {  	_ =	swait.ge [sflag:s20], $0x4000  }
0x5c: {  	[sflag:s20] =	ssyncset.done $0x0  }
0x5d: {  	[sflag:s20] =	ssyncadd.s32 $0xFFFFC000  }
0x5e: {  	_ =	swait.ge [sflag:s28], $0x4000  }
0x5f: {  	s31 =	sshra.s32 s30, $0x2;
	[sflag:s28] =	ssyncset.done $0x0  }
0x60: {  	s0 =	sadd.s32 $0x9380, s31;
	[sflag:s28] =	ssyncadd.s32 $0xFFFFC000  }
0x61: {  	[tilespmem:s22], [sflag:$0x2] =	stream.indirect.gather [hbm4b:s1+s19], $0x80, s0, s19, $0xb8;
	[tilespmem:$0x1E800] =	vst v63  }
0x62: {  	s0 =	sadd.s32 $0xA700, s31  }
0x63: {  	[spmem:s2] =	stream.indirect.scatter.add.f32 [tilespmem:s4], [sflag:$0x3], $0x80, s0, s19, $0xb8;
	[tilespmem:$0x1E800] =	vst v63  }
0x64: {  	p0 =	seq.s32 s30, $0x0;
	_ =	swait.ge [sflag:s23], $0x4000  }
.Ltmp3:
0x65: {  	[sflag:s23] =	ssyncset.done $0x0;
	(pc) =	sbr.rel @p0 .LBB2_6-.Ltmp3, $4  }
0x66: {  	[sflag:s23] =	ssyncadd.s32 $0xFFFFC000  }
0x67: {  	_ =	swait.ge [sflag:s24], $0x4000  }
0x68: {  	[sflag:s24] =	ssyncset.done $0x0  }
0x69: {  	s0 =	sadd.s32 $0xA780, s31;
	[sflag:s24] =	ssyncadd.s32 $0xFFFFC000  }
.Ltmp4:
0x6a: {  	(pc) =	sbr.rel .LBB2_4-.Ltmp4, $4  }
0x6b: {  	s31 =	sadd.s32 $0x9400, s31  }
0x6c: {  	[tilespmem:s4], [sflag:$0x1] =	stream.indirect.gather [hbm4b:s1+s19], $0x80, s31, s19, $0xb8;
	[tilespmem:$0x1E800] =	vst v63  }
0x6d: {  	s30 =	sadd.s32 $0x400, s30  }
0x6e: {  	[spmem:s2] =	stream.indirect.scatter.add.f32 [tilespmem:s22], [sflag:$0x4], $0x80, s0, s19, $0xb8;
	[tilespmem:$0x1E800] =	vst v63  }
.LBB2_6:
0x6f: {  	[spmem:s2] =	stream.indirect.scatter.add.f32 [tilespmem:s22], [sflag:$0x4], $0x80, s0, s19, $0xb8;
	[tilespmem:$0x1E800] =	vst v63  }
0x70: {  	_ =	swait.ge [sflag:s28], $0x4000  }
0x71: {  	[sflag:s28] =	ssyncset.done $0x0  }
0x72: {  	[sflag:s28] =	ssyncadd.s32 $0xFFFFC000  }
0x73: {  	[tilespmem:s17], [sflag:$0x5] =	stream.linear.gather [hbm4b:s12+s4], $0x1400, $0x38;
	[tilespmem:$0x1E800] =	vst v63  }
0x74: {  	_ =	swait.ge [sflag:s16], $0x1400  }
0x75: {  	[sflag:s16] =	ssyncset.done $0x0  }
0x76: {  	[sflag:s16] =	ssyncadd.s32 $0xFFFFEC00  }
0x77: {  	[tilespmem:s18], [sflag:$0x5] =	stream.linear.gather [hbm4b:s13+s4], $0x1400, $0x38;
	[tilespmem:$0x1E800] =	vst v63  }
0x78: {  	_ =	swait.ge [sflag:s16], $0x1400  }
0x79: {  	[sflag:s16] =	ssyncset.done $0x0  }
0x7a: {  	[sflag:s16] =	ssyncadd.s32 $0xFFFFEC00  }
0x7b: {  	[tilespmem:s4], [sflag:$0x1] =	stream.indirect.gather [hbm4b:s1+s19], $0x80, s17, s19, $0xb8;
	[tilespmem:$0x1E800] =	vst v63  }
0x7c: {  	_ =	swait.ge [sflag:s20], $0x4000  }
0x7d: {  	[sflag:s20] =	ssyncset.done $0x0  }
0x7e: {  	[sflag:s20] =	ssyncadd.s32 $0xFFFFC000  }
0x7f: {  	[tilespmem:s22], [sflag:$0x2] =	stream.indirect.gather [hbm4b:s1+s19], $0x80, s21, s19, $0xb8;
	[tilespmem:$0x1E800] =	vst v63  }
0x80: {  	_ = 	snop  }
0x81: {  	[spmem:s2] =	stream.indirect.scatter.add.f32 [tilespmem:s4], [sflag:$0x3], $0x80, s18, s19, $0xb8;
	[tilespmem:$0x1E800] =	vst v63  }
0x82: {  	_ =	swait.ge [sflag:s23], $0x4000  }
0x83: {  	[sflag:s23] =	ssyncset.done $0x0  }
0x84: {  	[sflag:s23] =	ssyncadd.s32 $0xFFFFC000  }
0x85: {  	_ =	swait.ge [sflag:s24], $0x4000  }
0x86: {  	[sflag:s24] =	ssyncset.done $0x0  }
0x87: {  	[sflag:s24] =	ssyncadd.s32 $0xFFFFC000  }
0x88: {  	[tilespmem:s4], [sflag:$0x1] =	stream.indirect.gather [hbm4b:s1+s19], $0x80, s25, s19, $0xb8;
	[tilespmem:$0x1E800] =	vst v63  }
0x89: {  	s30 =	simm.s32 $0xFFFFB800  }
0x8a: {  	[spmem:s2] =	stream.indirect.scatter.add.f32 [tilespmem:s22], [sflag:$0x4], $0x80, s26, s19, $0xb8;
	[tilespmem:$0x1E800] =	vst v63  }
.LBB2_7:
0x8b: {  	_ =	swait.ge [sflag:s20], $0x4000  }
0x8c: {  	[sflag:s20] =	ssyncset.done $0x0  }
0x8d: {  	[sflag:s20] =	ssyncadd.s32 $0xFFFFC000  }
0x8e: {  	_ =	swait.ge [sflag:s28], $0x4000  }
0x8f: {  	s31 =	sshra.s32 s30, $0x2;
	[sflag:s28] =	ssyncset.done $0x0  }
0x90: {  	s0 =	sadd.s32 $0x9380, s31;
	[sflag:s28] =	ssyncadd.s32 $0xFFFFC000  }
0x91: {  	[tilespmem:s22], [sflag:$0x2] =	stream.indirect.gather [hbm4b:s1+s19], $0x80, s0, s19, $0xb8;
	[tilespmem:$0x1E800] =	vst v63  }
0x92: {  	s0 =	sadd.s32 $0xA700, s31  }
0x93: {  	[spmem:s2] =	stream.indirect.scatter.add.f32 [tilespmem:s4], [sflag:$0x3], $0x80, s0, s19, $0xb8;
	[tilespmem:$0x1E800] =	vst v63  }
0x94: {  	p0 =	seq.s32 s30, $0x0;
	_ =	swait.ge [sflag:s23], $0x4000  }
.Ltmp5:
0x95: {  	[sflag:s23] =	ssyncset.done $0x0;
	(pc) =	sbr.rel @p0 .LBB2_9-.Ltmp5, $4  }
0x96: {  	[sflag:s23] =	ssyncadd.s32 $0xFFFFC000  }
0x97: {  	_ =	swait.ge [sflag:s24], $0x4000  }
0x98: {  	[sflag:s24] =	ssyncset.done $0x0  }
0x99: {  	s0 =	sadd.s32 $0xA780, s31;
	[sflag:s24] =	ssyncadd.s32 $0xFFFFC000  }
.Ltmp6:
0x9a: {  	(pc) =	sbr.rel .LBB2_7-.Ltmp6, $4  }
0x9b: {  	s31 =	sadd.s32 $0x9400, s31  }
0x9c: {  	[tilespmem:s4], [sflag:$0x1] =	stream.indirect.gather [hbm4b:s1+s19], $0x80, s31, s19, $0xb8;
	[tilespmem:$0x1E800] =	vst v63  }
0x9d: {  	s30 =	sadd.s32 $0x400, s30  }
0x9e: {  	[spmem:s2] =	stream.indirect.scatter.add.f32 [tilespmem:s22], [sflag:$0x4], $0x80, s0, s19, $0xb8;
	[tilespmem:$0x1E800] =	vst v63  }
.LBB2_10:
0x9f: {  	_ =	sfence.sel $0x180000  }
0xa0: {  	[bflag:$0x0] =	sbarrier.arrive $0xFFFF  }
0xa1: {  	_ =	strace $0x9000004D  }
0xa2: {  	[bflag:$0x2] =	sbarrier.arrive $0xFFFF  }
0xa3: {  	p0 =	sne.s32 s3, $0x0;
	s0 =	rddreg [dreg:$0x3]  }
0xa4: {  	s0 =	sadd.s32 @!p0 $0x100000, s0  }
0xa5: {  	[sflag:s0] =	ssyncadd.tile.s32 @!p0 $0x1;
	_ =	shalt  }
.Lfunc_end2:
_tile_overlayer_lowered:
.L_overlay_start_2:
0xa6: {  	(tag) =	ssettag $0x2  }
0xa7: {  	s0 =	rddreg [dreg:$0x0];
	s2 =	stileid.u32  }
0xa8: {  	s1 =	rddreg [dreg:$0x1];
	p0 =	sne.s32 s2, $0x0  }
0xa9: {  	s3 =	rddreg [dreg:$0x2];
	[bflag:$0x3] =	sbarrier.arrive $0xFFFF;
	s2 =	simm.s32 @!p0 $0x1C05  }
0xaa: {  	[timem:s3], [sflag:s2] =	dma.local @!p0 [hbm:s0], s1  }
0xab: {  	s0 =	simm.s32 @!p0 $0x5  }
0xac: {  	_ =	swait.ge @!p0 [sflag:s0], s1  }
0xad: {  	s1 =	ssub.s32 @!p0 $0x0, s1;
	[sflag:s0] =	ssyncset.done @!p0 $0x0  }
0xae: {  	[sflag:s0] =	ssyncadd.s32 @!p0 s1  }
0xaf: {  	[bflag:$0x3] =	sbarrier.arrive $0xFFFF  }
0xb0: {  	_ =	shalt  }

// kernel: kernel.19.cloned.1.call-start
scs
__scs_entry_jumppad:
0x0: {  	(pc) =	sbr.rel $0x88, $3  }
0x1: {  	(tag) =	ssettag $0x0;
	lr =	simm.s32 $0x1  }
0x2: {  	[smem:$0x3F99] =	sst lr;
	_ =	strace $0xD0000000  }
0x3: {  	_ = 	snop  }
0x4: {  	_ = 	snop  }
0x5: {  	_ = 	snop  }
0x6: {  	_ = 	snop  }
0x7: {  	_ = 	snop  }
__scs_overlays_trampoline_lowered:
0x8: {  	[smem:$0x3FA8] =	sst s0  }
0x9: {  	[smem:$0x3FA9] =	sst s1  }
0xa: {  	[smem:$0x3FAA] =	sst s2  }
0xb: {  	[smem:$0x3FAB] =	sst s3  }
0xc: {  	[smem:$0x3FAC] =	sst s4  }
0xd: {  	[smem:$0x3FAD] =	sst s5  }
0xe: {  	[smem:$0x3FAE] =	sst s6  }
0xf: {  	[smem:$0x3FAF] =	sst s7  }
0x10: {  	[smem:$0x3FB0] =	sst s8  }
0x11: {  	[smem:$0x3FB1] =	sst s9;
	s0 =	simm.s32 @!p0 $0x0  }
0x12: {  	s1 =	sld [smem:$0x3F97];
	s0 =	simm.s32 @p0 $0x1  }
0x13: {  	[smem:$0x3FB2] =	sst s0;
	s0 =	simm.s32 @!p1 $0x0  }
0x14: {  	s2 =	sld [smem:$0x3F96];
	s0 =	simm.s32 @p1 $0x1  }
0x15: {  	[smem:$0x3FB3] =	sst s0;
	s0 =	simm.s32 @!p2 $0x0  }
0x16: {  	s3 =	sld [smem:$0x3FDB];
	s0 =	simm.s32 @p2 $0x1  }
0x17: {  	s4 =	simm.s32 $0x1BF5;
	[smem:$0x3FB5] =	sst s0  }
0x18: {  	s0 =	sld [smem:$0x3F98];
	_ =	swait.ge [sflag:s4], $0x0  }
0x19: {  	s7 =	sld [smem:$0x3F99]  }
0x1a: {  	s8 =	sadd.s32 $0xFFFFE003, lr  }
0x1b: {  	s9 =	sadd.s32 $0xFFFFFEF7, lr;
	s5 =	simm.s32 $0xFFFFFFFF;
	p2 =	slt.u32 s8, $0xFFFFF086  }
0x1c: {  	p1 =	slt.u32 s9, $0xF7A;
	s5 =	simm.s32 @!p2 $0x0  }
0x1d: {  	s5 =	simm.s32 @p1 $0x1;
	p0 =	seq.s32 s7, s2  }
0x1e: {  	s7 =	smul.u32 @!p0 $0xF7A, s2;
	p2 =	seq.s32 @!p0 s5, $0x0  }
0x1f: {  	s9 =	smul.u32 $0xF7A, s1;
	s8 =	simm.s32 @!p0 $0x1BF5;
	p2 =	por !p2, p0  }
0x20: {  	[sflag:s8] =	ssyncset.s32 @!p0 $0xFFFFF086;
	s6 =	sadd.s32 @!p0 s3, s7;
	s7 =	simm.s32 @!p0 $0x108  }
0x21: {  	s3 =	sadd.s32 s3, s9;
	s6 =	sadd.s32 @!p0 $0x88, s6;
	s7 =	simm.s32 @p2 $0x1082  }
0x22: {  	[simem:s7], [sflag:s8] =	dma.local @!p0 [hbm:s6], $0xF7A  }
0x23: {  	s9 =	sor.u32 $0xD0000000, s2;
	s6 =	simm.s32 $0x108;
	_ =	swait.ge @!p0 [sflag:s8], $0x0  }
0x24: {  	s3 =	sadd.s32 $0x88, s3;
	s6 =	simm.s32 @!p1 $0x1082;
	[sflag:s4] =	ssyncset.s32 $0xFFFFF086  }
0x25: {  	[simem:s6], [sflag:s4] =	dma.local [hbm:s3], $0xF7A  }
0x26: {  	[smem:$0x3F99] =	sst s1;
	(tag) =	ssettag s2;
	_ =	strace s9  }
0x27: {  	s1 =	sld [smem:$0x3FA9]  }
0x28: {  	s2 =	sld [smem:$0x3FAA]  }
0x29: {  	s4 =	sld [smem:$0x3FAC]  }
0x2a: {  	p0 =	seq.s32 s5, $0x0;
	s5 =	sld [smem:$0x3FAD]  }
0x2b: {  	s6 =	sld [smem:$0x3FAE]  }
0x2c: {  	s7 =	sld [smem:$0x3FAF]  }
0x2d: {  	s3 =	simm.s32 $0x108;
	s8 =	sld [smem:$0x3FB0]  }
0x2e: {  	s3 =	simm.s32 @!p0 $0x1082;
	s9 =	sld [smem:$0x3FB1]  }
0x2f: {  	lr =	sadd.s32 s0, s3;
	s0 =	sld [smem:$0x3FA8]  }
0x30: {  	s3 =	sld [smem:$0x3FAB]  }
0x31: {  	[smem:$0x3FB4] =	sst s10  }
0x32: {  	s10 =	sld [smem:$0x3FB2];
	_ =	sdelay $0x3  }
0x33: {  	p0 =	seq.s32 s10, $0x1;
	s10 =	sld [smem:$0x3FB4];
	_ =	sdelay $0x3  }
0x34: {  	[smem:$0x3FB4] =	sst s10  }
0x35: {  	s10 =	sld [smem:$0x3FB3];
	_ =	sdelay $0x3  }
0x36: {  	p1 =	seq.s32 s10, $0x1;
	s10 =	sld [smem:$0x3FB4];
	_ =	sdelay $0x3  }
0x37: {  	[smem:$0x3FB4] =	sst s10  }
0x38: {  	s10 =	sld [smem:$0x3FB5]  }
0x39: {  	_ = 	snop;
	(pc) =	sbr.ind lr, $3  }
0x3a: {  	_ = 	snop  }
0x3b: {  	_ = 	snop  }
0x3c: {  	p2 =	seq.s32 s10, $0x1;
	s10 =	sld [smem:$0x3FB4]  }
0x3d: {  	_ =	shalt  }
0x3e: {  	_ =	shalt  }
0x3f: {  	_ =	shalt  }
0x40: {  	_ =	shalt  }
0x41: {  	_ =	shalt  }
0x42: {  	_ =	shalt  }
0x43: {  	_ =	shalt  }
0x44: {  	_ =	shalt  }
0x45: {  	_ =	shalt  }
0x46: {  	_ =	shalt  }
0x47: {  	_ =	shalt  }
0x48: {  	_ =	shalt  }
0x49: {  	_ =	shalt  }
0x4a: {  	_ =	shalt  }
0x4b: {  	_ =	shalt  }
0x4c: {  	_ =	shalt  }
0x4d: {  	_ =	shalt  }
0x4e: {  	_ =	shalt  }
0x4f: {  	_ =	shalt  }
0x50: {  	_ =	shalt  }
0x51: {  	_ =	shalt  }
0x52: {  	_ =	shalt  }
0x53: {  	_ =	shalt  }
0x54: {  	_ =	shalt  }
0x55: {  	_ =	shalt  }
0x56: {  	_ =	shalt  }
0x57: {  	_ =	shalt  }
0x58: {  	_ =	shalt  }
0x59: {  	_ =	shalt  }
0x5a: {  	_ =	shalt  }
0x5b: {  	_ =	shalt  }
0x5c: {  	_ =	shalt  }
0x5d: {  	_ =	shalt  }
0x5e: {  	_ =	shalt  }
0x5f: {  	_ =	shalt  }
0x60: {  	_ =	shalt  }
0x61: {  	_ =	shalt  }
0x62: {  	_ =	shalt  }
0x63: {  	_ =	shalt  }
0x64: {  	_ =	shalt  }
0x65: {  	_ =	shalt  }
0x66: {  	_ =	shalt  }
0x67: {  	_ =	shalt  }
0x68: {  	_ =	shalt  }
0x69: {  	_ =	shalt  }
0x6a: {  	_ =	shalt  }
0x6b: {  	_ =	shalt  }
0x6c: {  	_ =	shalt  }
0x6d: {  	_ =	shalt  }
0x6e: {  	_ =	shalt  }
0x6f: {  	_ =	shalt  }
0x70: {  	_ =	shalt  }
0x71: {  	_ =	shalt  }
0x72: {  	_ =	shalt  }
0x73: {  	_ =	shalt  }
0x74: {  	_ =	shalt  }
0x75: {  	_ =	shalt  }
0x76: {  	_ =	shalt  }
0x77: {  	_ =	shalt  }
0x78: {  	_ =	shalt  }
0x79: {  	_ =	shalt  }
0x7a: {  	_ =	shalt  }
0x7b: {  	_ =	shalt  }
0x7c: {  	_ =	shalt  }
0x7d: {  	_ =	shalt  }
0x7e: {  	_ =	shalt  }
0x7f: {  	_ =	shalt  }
0x80: {  	_ =	shalt  }
0x81: {  	_ =	shalt  }
0x82: {  	_ =	shalt  }
0x83: {  	_ =	shalt  }
0x84: {  	_ =	shalt  }
0x85: {  	_ =	shalt  }
0x86: {  	_ =	shalt  }
0x87: {  	_ =	shalt  }
.Lfunc_end0:
.L_simem_size_0:
called_computation.3_lowered:
.L_overlay_start_0:
0x88: {  	s2 =	sld [smem:$0x3FD9]  }
0x89: {  	s3 =	sld [smem:$0x3FFE];
	_ =	sdelay $0x1  }
0x8a: {  	s1 =	srdreg.scid  }
0x8b: {  	s0 =	sand.u32 $0x1, s1  }
0x8c: {  	s17 =	sshll.u32 s0, $0xA;
	s2 =	sadd.s32 s3, s2  }
0x8d: {  	s2 =	sadd.s32 s2, s17  }
0x8e: {  	[smem:$0x3FC0] =	sst s2  }
0x8f: {  	_ = 	snop  }
0x90: {  	s2 =	sld [smem:$0x3FD0];
	(tm) =	ssettm $0x1  }
0x91: {  	s18 =	sld [smem:$0x3FFB];
	_ =	sdelay $0x3  }
0x92: {  	_ =	strace s18  }
0x93: {  	s3 =	sld [smem:$0x3FFC];
	_ =	sdelay $0x3  }
0x94: {  	_ =	strace s3  }
0x95: {  	s3 =	sld [smem:$0x3FFD];
	_ =	sdelay $0x3  }
0x96: {  	_ =	strace s3  }
0x97: {  	_ =	strace $0x8FFFFFFF  }
0x98: {  	s19 =	sld [smem:$0x3FDB];
	_ =	sdelay $0x1  }
0x99: {  	s4 =	simm.s32 $_scs_section_size  }
0x9a: {  	s5 =	simm.s32 $_size__tile_overlayer_lowered;
	s6 =	simm.s32 $_tile_overlayer_lowered  }
0x9b: {  	s22 =	simm.s32 $0x1BFF;
	s21 =	sshll.u32 s6, $0x1;
	s3 =	sadd.s32 s4, s19  }
0x9c: {  	s7 =	simm.s32 $0x0;
	s20 =	sshll.u32 s5, $0x1;
	s5 =	sadd.s32 s21, s3  }
0x9d: {  	[timem:s7], [sflag:s22] =	dma.local [hbm:s5], s20  }
0x9e: {  	_ =	swait.ge [sflag:s22], s20  }
0x9f: {  	s4 =	ssub.s32 $0x0, s20;
	[sflag:s22] =	ssyncset.done $0x0  }
0xa0: {  	[sflag:s22] =	ssyncadd.s32 s4;
	_ =	sdelay $0x1  }
0xa1: {  	s23 =	simm.s32 $0x1B8B  }
0xa2: {  	_ =	swait.ge [sflag:s23], $0x1  }
0xa3: {  	[sflag:s23] =	ssyncset.done $0x0  }
0xa4: {  	s25 =	simm.s32 $0x1B8E;
	s24 =	sld [smem:$0x3FFE];
	[sflag:s23] =	ssyncadd.s32 $0xFFFFFFFF  }
0xa5: {  	s26 =	simm.s32 $execute0_lowered;
	[smem:$0x3FD2] =	sst s25  }
0xa6: {  	s5 =	sshll.u32 s26, $0x1;
	_ =	strace $0x8000004F;
	[dreg:$0x1] =	wrdreg $0xFFFFFFFF  }
0xa7: {  	s28 =	simm.s32 $_size_execute0_lowered;
	s3 =	sadd.s32 s3, s5;
	[dreg:$0x0] =	wrdreg $0x0  }
0xa8: {  	s5 =	sshll.u32 s28, $0x1;
	[dreg:$0x2] =	wrdreg s3  }
0xa9: {  	[dreg:$0x3] =	wrdreg s5  }
0xaa: {  	[dreg:$0x4] =	wrdreg $0xC0  }
0xab: {  	_ =	task [dreg:s7], $0x5FFFF  }
0xac: {  	[dreg:$0x1] =	wrdreg $0xFFFFFFFF  }
0xad: {  	[dreg:$0x0] =	wrdreg $0x60  }
0xae: {  	[dreg:$0x2] =	wrdreg s2  }
0xaf: {  	[dreg:$0x3] =	wrdreg s24  }
0xb0: {  	[dreg:$0x4] =	wrdreg $0xA8000  }
0xb1: {  	[dreg:$0x5] =	wrdreg $0x9  }
0xb2: {  	_ =	task.clear_ibuf [dreg:s7], $0x6FFFF;
	_ =	strace $0x9000004F  }
0xb3: {  	s29 =	simm.s32 $0x9;
	_ =	strace $0x80000051  }
0xb4: {  	_ =	swait.ge [sflag:s29], $0x1  }
0xb5: {  	[sflag:s29] =	ssyncadd.s32 $0xFFFFFFFF  }
0xb6: {  	_ =	strace $0x90000051  }
0xb7: {  	_ =	sfence  }
0xb8: {  	s30 =	sld [smem:$0x0];
	_ =	sdelay $0x2  }
0xb9: {  	s31 =	sshll.u32 s1, $0xD;
	s1 =	sshrl.u32 s1, $0x2  }
0xba: {  	s3 =	sand.u32 $0x4000, s31;
	s1 =	sadd.s32 s1, s30  }
0xbb: {  	s0 =	sor.u32 s3, s0;
	s1 =	sshll.u32 s1, $0x11  }
0xbc: {  	s0 =	sor.u32 s1, s0  }
0xbd: {  	s0 =	sadd.s32 $0x8F2B, s0  }
0xbe: {  	[sflag:s0] =	ssyncadd.remote.s32 $0x1  }
0xbf: {  	_ =	sfence.sel $0xFFFF  }
0xc0: {  	[dreg:$0x0] =	wrdreg $0xFFFFFFFF;
	(pc) =	sbr.abs _section_cstart, $3  }
0xc1: {  	[dreg:$0x1] =	wrdreg $0xFFFFFFFF  }
0xc2: {  	_ =	task.clear_ibuf [dreg:s7], $0x2FFFF;
	_ =	strace $0x9FFFFFFF  }
0xc3: {  	(tm) =	ssettm $0x7FFFFFFF  }
tec
execute0_lowered:
.L_overlay_start_1:
0x0: {  	(tag) =	ssettag $0x1  }
0x1: {  	s1 =	rddreg [dreg:$0x0]  }
0x2: {  	s0 =	rddreg [dreg:$0x1]  }
0x3: {  	s2 =	rddreg [dreg:$0x2]  }
0x4: {  	s3 =	srdreg.scid;
	s4 =	simm.s32 $0x0;
	s16 =	simm.s32 $0x5  }
0x5: {  	s17 =	simm.s32 $0x8000;
	s18 =	simm.s32 $0x9400;
	s19 =	simm.s32 $0x80  }
0x6: {  	s20 =	simm.s32 $0x1;
	s21 =	simm.s32 $0x8080;
	s22 =	simm.s32 $0x4000  }
0x7: {  	s23 =	simm.s32 $0x2;
	s24 =	simm.s32 $0x3;
	s25 =	simm.s32 $0x8100  }
0x8: {  	s28 =	simm.s32 $0x4;
	s5 =	sand.u32 $0x1, s3;
	s3 =	stileid.u32  }
0x9: {  	s29 =	simm.s32 $0x0;
	[smem:$0x7FF] =	sst s4;
	s6 =	smul.u32 $0x140000, s5  }
0xa: {  	s12 =	sadd.s32 $0xD800, s0;
	s13 =	sadd.s32 $0x3800, s0;
	s7 =	smul.u32 $0x14000, s3  }
0xb: {  	s26 =	smul.u32 $0x50000, s3;
	s8 =	sshll.u32 s3, $0x1;
	s9 =	ssub.s32 $0x2, s5  }
0xc: {  	_ =	strace $0x80000050;
	s8 =	sor.u32 s5, s8;
	s31 =	sshrl.u32 s9, $0x1  }
0xd: {  	s6 =	sadd.s32 s7, s6;
	s30 =	sshrl.u32 s26, $0x2;
	s10 =	smul.u32 $0x2800, s8  }
0xe: {  	s15 =	ssub.s32 s9, s31;
	s26 =	simm.s32 $0x9480;
	s6 =	sshrl.u32 s6, $0x3  }
.Ltmp0:
0xf: {  	s5 =	sadd.s32 s30, s2;
	s15 =	smax.u32 s15, $0x1;
	(pc) =	sbr.rel .LBB2_1-.Ltmp0, $4  }
0x10: {  	s0 =	sadd.s32 s6, s0;
	s6 =	sadd.s32 $0x4000, s5;
	s7 =	sadd.s32 $0x8000, s5  }
0x11: {  	s8 =	sadd.s32 $0xC000, s5;
	s11 =	sshrl.u32 s10, $0x3;
	s9 =	sadd.s32 $0x10000, s5  }
0x12: {  	s10 =	sadd.s32 s12, s11;
	s14 =	sadd.s32 $0x280, s11;
	s11 =	sadd.s32 s13, s11  }
0x13: {  	v0 =	vimm.f32 $0.0e+00;
	s12 =	sadd.s32 s12, s14;
	s13 =	sadd.s32 s13, s14;
	s14 =	sadd.s32 $0x67800, s0  }
.LBB2_9:
0x14: {  	[spmem:s2] =	stream.indirect.scatter.add.f32 [tilespmem:s22], [sflag:$0x4], $0x80, s0, s19, $0xb8;
	[tilespmem:$0x1E800] =	vst v63  }
0x15: {  	_ =	swait.ge [sflag:s28], $0x4000  }
0x16: {  	s31 =	sshll.u32 s3, $0x6;
	s29 =	sadd.s32 $0x1, s29;
	[sflag:s28] =	ssyncset.done $0x0  }
0x17: {  	s30 =	sshrl.u32 s5, $0x3;
	p0 =	sne.s32 s29, s15;
	[sflag:s28] =	ssyncadd.s32 $0xFFFFC000  }
.Ltmp1:
0x18: {  	s0 =	sor.u32 $0x1C05, s31;
	[bflag:$0x0] =	sbarrier.arrive $0xFFFF;
	(pc) =	sbr.rel @!p0 .LBB2_10-.Ltmp1, $4  }
0x19: {  	[hbm:s14], [sflag:s0] =	dma.local [spmem:s30], $0x2800  }
0x1a: {  	_ =	swait.ge [sflag:s16], $0x2800  }
0x1b: {  	[sflag:s16] =	ssyncset.done $0x0  }
0x1c: {  	[sflag:s16] =	ssyncadd.s32 $0xFFFFD800  }
.LBB2_1:
0x1d: {  	s30 =	simm.s32 $0x0;
	s31 =	simm.s32 $0x200  }
.LBB2_2:
0x1e: {  	p0 =	sne.s32 s31, $0xFE00;
	[tilespmem:s30+$0x70] =	vst v0  }
0x1f: {  	[tilespmem:s30+$0x0] =	vst v0  }
0x20: {  	[tilespmem:s30+$0x10] =	vst v0  }
.Ltmp2:
0x21: {  	[tilespmem:s30+$0x20] =	vst v0;
	(pc) =	sbr.rel @p0 .LBB2_2-.Ltmp2, $4  }
0x22: {  	[tilespmem:s30+$0x30] =	vst v0  }
0x23: {  	[tilespmem:s30+$0x40] =	vst v0  }
0x24: {  	[tilespmem:s30+$0x50] =	vst v0  }
0x25: {  	[tilespmem:s30+$0x60] =	vst v0;
	s30 =	sshra.s32 s31, $0x2;
	s31 =	sadd.s32 $0x200, s31  }
0x26: {  	[tilespmem:s30+$0x70] =	vst v0  }
0x27: {  	[tilespmem:s30+$0x0] =	vst v0  }
0x28: {  	[tilespmem:s30+$0x10] =	vst v0  }
0x29: {  	[tilespmem:s30+$0x20] =	vst v0  }
0x2a: {  	[tilespmem:s30+$0x30] =	vst v0  }
0x2b: {  	[tilespmem:s30+$0x40] =	vst v0  }
0x2c: {  	[tilespmem:s30+$0x50] =	vst v0  }
0x2d: {  	[tilespmem:s30+$0x60] =	vst v0  }
0x2e: {  	[spmem:s5] =	stream.linear.scatter [tilespmem:s4], [sflag:$0x5], $0x4000, $0x38;
	[tilespmem:$0x1E800] =	vst v63  }
0x2f: {  	_ =	swait.ge [sflag:s16], $0x4000  }
0x30: {  	[sflag:s16] =	ssyncset.done $0x0  }
0x31: {  	[sflag:s16] =	ssyncadd.s32 $0xFFFFC000  }
0x32: {  	[spmem:s6] =	stream.linear.scatter [tilespmem:s4], [sflag:$0x5], $0x4000, $0x38;
	[tilespmem:$0x1E800] =	vst v63  }
0x33: {  	_ =	swait.ge [sflag:s16], $0x4000  }
0x34: {  	[sflag:s16] =	ssyncset.done $0x0  }
0x35: {  	[sflag:s16] =	ssyncadd.s32 $0xFFFFC000  }
0x36: {  	[spmem:s7] =	stream.linear.scatter [tilespmem:s4], [sflag:$0x5], $0x4000, $0x38;
	[tilespmem:$0x1E800] =	vst v63  }
0x37: {  	_ =	swait.ge [sflag:s16], $0x4000  }
0x38: {  	[sflag:s16] =	ssyncset.done $0x0  }
0x39: {  	[sflag:s16] =	ssyncadd.s32 $0xFFFFC000  }
0x3a: {  	[spmem:s8] =	stream.linear.scatter [tilespmem:s4], [sflag:$0x5], $0x4000, $0x38;
	[tilespmem:$0x1E800] =	vst v63  }
0x3b: {  	_ =	swait.ge [sflag:s16], $0x4000  }
0x3c: {  	[sflag:s16] =	ssyncset.done $0x0  }
0x3d: {  	[sflag:s16] =	ssyncadd.s32 $0xFFFFC000  }
0x3e: {  	[spmem:s9] =	stream.linear.scatter [tilespmem:s4], [sflag:$0x5], $0x4000, $0x38;
	[tilespmem:$0x1E800] =	vst v63  }
0x3f: {  	_ =	swait.ge [sflag:s16], $0x4000  }
0x40: {  	[sflag:s16] =	ssyncset.done $0x0  }
0x41: {  	[sflag:s16] =	ssyncadd.s32 $0xFFFFC000  }
0x42: {  	[bflag:$0x0] =	sbarrier.arrive $0xFFFF  }
0x43: {  	[tilespmem:s17], [sflag:$0x5] =	stream.linear.gather [hbm4b:s10+s4], $0x1400, $0x38;
	[tilespmem:$0x1E800] =	vst v63  }
0x44: {  	_ =	swait.ge [sflag:s16], $0x1400  }
0x45: {  	[sflag:s16] =	ssyncset.done $0x0  }
0x46: {  	[sflag:s16] =	ssyncadd.s32 $0xFFFFEC00  }
0x47: {  	[tilespmem:s18], [sflag:$0x5] =	stream.linear.gather [hbm4b:s11+s4], $0x1400, $0x38;
	[tilespmem:$0x1E800] =	vst v63  }
0x48: {  	_ =	swait.ge [sflag:s16], $0x1400  }
0x49: {  	[sflag:s16] =	ssyncset.done $0x0  }
0x4a: {  	[sflag:s16] =	ssyncadd.s32 $0xFFFFEC00  }
0x4b: {  	[tilespmem:s4], [sflag:$0x1] =	stream.indirect.gather [hbm4b:s1+s19], $0x80, s17, s19, $0xb8;
	[tilespmem:$0x1E800] =	vst v63  }
0x4c: {  	_ =	swait.ge [sflag:s20], $0x4000  }
0x4d: {  	[sflag:s20] =	ssyncset.done $0x0  }
0x4e: {  	[sflag:s20] =	ssyncadd.s32 $0xFFFFC000  }
0x4f: {  	[tilespmem:s22], [sflag:$0x2] =	stream.indirect.gather [hbm4b:s1+s19], $0x80, s21, s19, $0xb8;
	[tilespmem:$0x1E800] =	vst v63  }
0x50: {  	_ = 	snop  }
0x51: {  	[spmem:s2] =	stream.indirect.scatter.add.f32 [tilespmem:s4], [sflag:$0x3], $0x80, s18, s19, $0xb8;
	[tilespmem:$0x1E800] =	vst v63  }
0x52: {  	_ =	swait.ge [sflag:s23], $0x4000  }
0x53: {  	[sflag:s23] =	ssyncset.done $0x0  }
0x54: {  	[sflag:s23] =	ssyncadd.s32 $0xFFFFC000  }
0x55: {  	_ =	swait.ge [sflag:s24], $0x4000  }
0x56: {  	[sflag:s24] =	ssyncset.done $0x0  }
0x57: {  	[sflag:s24] =	ssyncadd.s32 $0xFFFFC000  }
0x58: {  	[tilespmem:s4], [sflag:$0x1] =	stream.indirect.gather [hbm4b:s1+s19], $0x80, s25, s19, $0xb8;
	[tilespmem:$0x1E800] =	vst v63  }
0x59: {  	s30 =	simm.s32 $0xFFFFB800  }
0x5a: {  	[spmem:s2] =	stream.indirect.scatter.add.f32 [tilespmem:s22], [sflag:$0x4], $0x80, s26, s19, $0xb8;
	[tilespmem:$0x1E800] =	vst v63  }
.LBB2_4:
0x5b: {  	_ =	swait.ge [sflag:s20], $0x4000  }
0x5c: {  	[sflag:s20] =	ssyncset.done $0x0  }
0x5d: {  	[sflag:s20] =	ssyncadd.s32 $0xFFFFC000  }
0x5e: {  	_ =	swait.ge [sflag:s28], $0x4000  }
0x5f: {  	s31 =	sshra.s32 s30, $0x2;
	[sflag:s28] =	ssyncset.done $0x0  }
0x60: {  	s0 =	sadd.s32 $0x9380, s31;
	[sflag:s28] =	ssyncadd.s32 $0xFFFFC000  }
0x61: {  	[tilespmem:s22], [sflag:$0x2] =	stream.indirect.gather [hbm4b:s1+s19], $0x80, s0, s19, $0xb8;
	[tilespmem:$0x1E800] =	vst v63  }
0x62: {  	s0 =	sadd.s32 $0xA700, s31  }
0x63: {  	[spmem:s2] =	stream.indirect.scatter.add.f32 [tilespmem:s4], [sflag:$0x3], $0x80, s0, s19, $0xb8;
	[tilespmem:$0x1E800] =	vst v63  }
0x64: {  	p0 =	seq.s32 s30, $0x0;
	_ =	swait.ge [sflag:s23], $0x4000  }
.Ltmp3:
0x65: {  	[sflag:s23] =	ssyncset.done $0x0;
	(pc) =	sbr.rel @p0 .LBB2_6-.Ltmp3, $4  }
0x66: {  	[sflag:s23] =	ssyncadd.s32 $0xFFFFC000  }
0x67: {  	_ =	swait.ge [sflag:s24], $0x4000  }
0x68: {  	[sflag:s24] =	ssyncset.done $0x0  }
0x69: {  	s0 =	sadd.s32 $0xA780, s31;
	[sflag:s24] =	ssyncadd.s32 $0xFFFFC000  }
.Ltmp4:
0x6a: {  	(pc) =	sbr.rel .LBB2_4-.Ltmp4, $4  }
0x6b: {  	s31 =	sadd.s32 $0x9400, s31  }
0x6c: {  	[tilespmem:s4], [sflag:$0x1] =	stream.indirect.gather [hbm4b:s1+s19], $0x80, s31, s19, $0xb8;
	[tilespmem:$0x1E800] =	vst v63  }
0x6d: {  	s30 =	sadd.s32 $0x400, s30  }
0x6e: {  	[spmem:s2] =	stream.indirect.scatter.add.f32 [tilespmem:s22], [sflag:$0x4], $0x80, s0, s19, $0xb8;
	[tilespmem:$0x1E800] =	vst v63  }
.LBB2_6:
0x6f: {  	[spmem:s2] =	stream.indirect.scatter.add.f32 [tilespmem:s22], [sflag:$0x4], $0x80, s0, s19, $0xb8;
	[tilespmem:$0x1E800] =	vst v63  }
0x70: {  	_ =	swait.ge [sflag:s28], $0x4000  }
0x71: {  	[sflag:s28] =	ssyncset.done $0x0  }
0x72: {  	[sflag:s28] =	ssyncadd.s32 $0xFFFFC000  }
0x73: {  	[tilespmem:s17], [sflag:$0x5] =	stream.linear.gather [hbm4b:s12+s4], $0x1400, $0x38;
	[tilespmem:$0x1E800] =	vst v63  }
0x74: {  	_ =	swait.ge [sflag:s16], $0x1400  }
0x75: {  	[sflag:s16] =	ssyncset.done $0x0  }
0x76: {  	[sflag:s16] =	ssyncadd.s32 $0xFFFFEC00  }
0x77: {  	[tilespmem:s18], [sflag:$0x5] =	stream.linear.gather [hbm4b:s13+s4], $0x1400, $0x38;
	[tilespmem:$0x1E800] =	vst v63  }
0x78: {  	_ =	swait.ge [sflag:s16], $0x1400  }
0x79: {  	[sflag:s16] =	ssyncset.done $0x0  }
0x7a: {  	[sflag:s16] =	ssyncadd.s32 $0xFFFFEC00  }
0x7b: {  	[tilespmem:s4], [sflag:$0x1] =	stream.indirect.gather [hbm4b:s1+s19], $0x80, s17, s19, $0xb8;
	[tilespmem:$0x1E800] =	vst v63  }
0x7c: {  	_ =	swait.ge [sflag:s20], $0x4000  }
0x7d: {  	[sflag:s20] =	ssyncset.done $0x0  }
0x7e: {  	[sflag:s20] =	ssyncadd.s32 $0xFFFFC000  }
0x7f: {  	[tilespmem:s22], [sflag:$0x2] =	stream.indirect.gather [hbm4b:s1+s19], $0x80, s21, s19, $0xb8;
	[tilespmem:$0x1E800] =	vst v63  }
0x80: {  	_ = 	snop  }
0x81: {  	[spmem:s2] =	stream.indirect.scatter.add.f32 [tilespmem:s4], [sflag:$0x3], $0x80, s18, s19, $0xb8;
	[tilespmem:$0x1E800] =	vst v63  }
0x82: {  	_ =	swait.ge [sflag:s23], $0x4000  }
0x83: {  	[sflag:s23] =	ssyncset.done $0x0  }
0x84: {  	[sflag:s23] =	ssyncadd.s32 $0xFFFFC000  }
0x85: {  	_ =	swait.ge [sflag:s24], $0x4000  }
0x86: {  	[sflag:s24] =	ssyncset.done $0x0  }
0x87: {  	[sflag:s24] =	ssyncadd.s32 $0xFFFFC000  }
0x88: {  	[tilespmem:s4], [sflag:$0x1] =	stream.indirect.gather [hbm4b:s1+s19], $0x80, s25, s19, $0xb8;
	[tilespmem:$0x1E800] =	vst v63  }
0x89: {  	s30 =	simm.s32 $0xFFFFB800  }
0x8a: {  	[spmem:s2] =	stream.indirect.scatter.add.f32 [tilespmem:s22], [sflag:$0x4], $0x80, s26, s19, $0xb8;
	[tilespmem:$0x1E800] =	vst v63  }
.LBB2_7:
0x8b: {  	_ =	swait.ge [sflag:s20], $0x4000  }
0x8c: {  	[sflag:s20] =	ssyncset.done $0x0  }
0x8d: {  	[sflag:s20] =	ssyncadd.s32 $0xFFFFC000  }
0x8e: {  	_ =	swait.ge [sflag:s28], $0x4000  }
0x8f: {  	s31 =	sshra.s32 s30, $0x2;
	[sflag:s28] =	ssyncset.done $0x0  }
0x90: {  	s0 =	sadd.s32 $0x9380, s31;
	[sflag:s28] =	ssyncadd.s32 $0xFFFFC000  }
0x91: {  	[tilespmem:s22], [sflag:$0x2] =	stream.indirect.gather [hbm4b:s1+s19], $0x80, s0, s19, $0xb8;
	[tilespmem:$0x1E800] =	vst v63  }
0x92: {  	s0 =	sadd.s32 $0xA700, s31  }
0x93: {  	[spmem:s2] =	stream.indirect.scatter.add.f32 [tilespmem:s4], [sflag:$0x3], $0x80, s0, s19, $0xb8;
	[tilespmem:$0x1E800] =	vst v63  }
0x94: {  	p0 =	seq.s32 s30, $0x0;
	_ =	swait.ge [sflag:s23], $0x4000  }
.Ltmp5:
0x95: {  	[sflag:s23] =	ssyncset.done $0x0;
	(pc) =	sbr.rel @p0 .LBB2_9-.Ltmp5, $4  }
0x96: {  	[sflag:s23] =	ssyncadd.s32 $0xFFFFC000  }
0x97: {  	_ =	swait.ge [sflag:s24], $0x4000  }
0x98: {  	[sflag:s24] =	ssyncset.done $0x0  }
0x99: {  	s0 =	sadd.s32 $0xA780, s31;
	[sflag:s24] =	ssyncadd.s32 $0xFFFFC000  }
.Ltmp6:
0x9a: {  	(pc) =	sbr.rel .LBB2_7-.Ltmp6, $4  }
0x9b: {  	s31 =	sadd.s32 $0x9400, s31  }
0x9c: {  	[tilespmem:s4], [sflag:$0x1] =	stream.indirect.gather [hbm4b:s1+s19], $0x80, s31, s19, $0xb8;
	[tilespmem:$0x1E800] =	vst v63  }
0x9d: {  	s30 =	sadd.s32 $0x400, s30  }
0x9e: {  	[spmem:s2] =	stream.indirect.scatter.add.f32 [tilespmem:s22], [sflag:$0x4], $0x80, s0, s19, $0xb8;
	[tilespmem:$0x1E800] =	vst v63  }
.LBB2_10:
0x9f: {  	_ =	sfence.sel $0x180000  }
0xa0: {  	[bflag:$0x0] =	sbarrier.arrive $0xFFFF  }
0xa1: {  	_ =	strace $0x90000050  }
0xa2: {  	[bflag:$0x2] =	sbarrier.arrive $0xFFFF  }
0xa3: {  	p0 =	sne.s32 s3, $0x0;
	s0 =	rddreg [dreg:$0x3]  }
0xa4: {  	s0 =	sadd.s32 @!p0 $0x100000, s0  }
0xa5: {  	[sflag:s0] =	ssyncadd.tile.s32 @!p0 $0x1;
	_ =	shalt  }
.Lfunc_end2:
_tile_overlayer_lowered:
.L_overlay_start_2:
0xa6: {  	(tag) =	ssettag $0x2  }
0xa7: {  	s0 =	rddreg [dreg:$0x0];
	s2 =	stileid.u32  }
0xa8: {  	s1 =	rddreg [dreg:$0x1];
	p0 =	sne.s32 s2, $0x0  }
0xa9: {  	s3 =	rddreg [dreg:$0x2];
	[bflag:$0x3] =	sbarrier.arrive $0xFFFF;
	s2 =	simm.s32 @!p0 $0x1C05  }
0xaa: {  	[timem:s3], [sflag:s2] =	dma.local @!p0 [hbm:s0], s1  }
0xab: {  	s0 =	simm.s32 @!p0 $0x5  }
0xac: {  	_ =	swait.ge @!p0 [sflag:s0], s1  }
0xad: {  	s1 =	ssub.s32 @!p0 $0x0, s1;
	[sflag:s0] =	ssyncset.done @!p0 $0x0  }
0xae: {  	[sflag:s0] =	ssyncadd.s32 @!p0 s1  }
0xaf: {  	[bflag:$0x3] =	sbarrier.arrive $0xFFFF  }
0xb0: {  	_ =	shalt  }

</sc_bundles>
